<compile_context>
chip_gen: v7x
topology: tpu7x:2x2x1
jax: 0.10.2.dev20260603
libtpu: 0.0.44.dev20260713+nightly
codegen_flags: <defaults>
</compile_context>

<pallas_src>
import functools

import jax
import jax.numpy as jnp
from jax import lax
from jax.experimental import pallas as pl
from jax.experimental.pallas import tpu as pltpu
from jax.experimental.pallas import tpu_sc as plsc

NC = 2
NS = 16
NW = NC * NS

G = 1024


def _sc_gather_rows(emb, idx_pad):
  n_pad = idx_pad.shape[0]
  d = emb.shape[1]
  per_w = n_pad // NW
  k = 64
  nchunks = per_w // k
  mesh = plsc.VectorSubcoreMesh(core_axis_name="c", subcore_axis_name="s")

  @functools.partial(
      pl.kernel,
      out_type=jax.ShapeDtypeStruct((n_pad, d), jnp.float32),
      mesh=mesh,
      scratch_types=[
          pltpu.VMEM((k,), jnp.int32),
          pltpu.VMEM((k, d), jnp.float32),
          pltpu.SemaphoreType.DMA,
      ],
  )
  def body(emb_hbm, idx_hbm, out_hbm, idx_v, rows_v, sem):
    wid = lax.axis_index("s") * NC + lax.axis_index("c")
    base = wid * per_w
    for c in range(nchunks):
      b = base + c * k
      pltpu.sync_copy(idx_hbm.at[pl.ds(b, k)], idx_v)
      pltpu.async_copy(emb_hbm.at[idx_v], rows_v, sem).wait()
      pltpu.sync_copy(rows_v, out_hbm.at[pl.ds(b, k)])

  return body(emb, idx_pad)


def _sc_edge_agg(item, src_pad, dst_pad, zacc, n_pad):
  d = item.shape[1]
  k = 128
  e_pad = src_pad.shape[0]
  cpt = e_pad // (NW * k)
  zrows = n_pad // NS
  stage = [(j * k, min(k, zrows - j * k)) for j in range((zrows + k - 1) // k)]
  mesh = plsc.VectorSubcoreMesh(core_axis_name="c", subcore_axis_name="s")

  @functools.partial(
      pl.kernel,
      out_type=jax.ShapeDtypeStruct((NC * n_pad, d), jnp.float32),
      mesh=mesh,
      scratch_types=[
          pltpu.VMEM((2, k), jnp.int32),
          pltpu.VMEM((2, k), jnp.int32),
          pltpu.VMEM((2, k, d), jnp.float32),
          pltpu.SemaphoreType.DMA,
          pltpu.SemaphoreType.DMA,
          pltpu.VMEM_SHARED((n_pad, d), jnp.float32),
      ],
  )
  def body(item_hbm, src_hbm, dst_hbm, zacc_hbm,
           oacc_hbm, src_v, dst_v, rows_v, sem0, sem1, acc_sh):
    cid = lax.axis_index("c")
    sid = lax.axis_index("s")
    wid = sid * NC + cid
    sems = (sem0, sem1)
    pltpu.sync_copy(zacc_hbm, rows_v.at[0])
    for off, w in stage:
      pltpu.sync_copy(rows_v.at[0].at[pl.ds(0, w)],
                      acc_sh.at[pl.ds(sid * zrows + off, w)])
    plsc.subcore_barrier()

    ebase = wid * cpt * k
    elast = e_pad - k

    def prefetch(c, buf):
      b = jnp.minimum(ebase + c * k, elast)
      pltpu.sync_copy(src_hbm.at[pl.ds(b, k)], src_v.at[buf])
      pltpu.sync_copy(dst_hbm.at[pl.ds(b, k)], dst_v.at[buf])
      pltpu.async_copy(item_hbm.at[src_v.at[buf]], rows_v.at[buf],
                       sems[buf])

    prefetch(0, 0)

    @pl.loop(0, cpt // 2)
    def _(g):
      for buf in range(2):
        c = 2 * g + buf
        prefetch(c + 1, 1 - buf)
        pltpu.make_async_copy(
            item_hbm.at[src_v.at[buf]], rows_v.at[buf], sems[buf]).wait()
        pltpu.sync_copy(rows_v.at[buf], acc_sh.at[dst_v.at[buf]], add=True)

    pltpu.make_async_copy(
        item_hbm.at[src_v.at[0]], rows_v.at[0], sems[0]).wait()

    plsc.subcore_barrier()
    for off, w in stage:
      sl = pl.ds(sid * zrows + off, w)
      osl = pl.ds(cid * n_pad + sid * zrows + off, w)
      vsl = pl.ds(0, w)
      pltpu.sync_copy(acc_sh.at[sl], rows_v.at[0].at[vsl])
      pltpu.sync_copy(rows_v.at[0].at[vsl], oacc_hbm.at[osl])

  return body(item, src_pad, dst_pad, zacc)


def _sc_degrees(dst_pad, zeros_rows, ones_rows, n_pad):
  k, d = ones_rows.shape
  e_pad = dst_pad.shape[0]
  cpt = e_pad // (NW * k)
  zrows = n_pad // NS
  stage = [(j * k, min(k, zrows - j * k)) for j in range((zrows + k - 1) // k)]
  mesh = plsc.VectorSubcoreMesh(core_axis_name="c", subcore_axis_name="s")

  @functools.partial(
      pl.kernel,
      out_type=jax.ShapeDtypeStruct((NC * n_pad, d), jnp.float32),
      mesh=mesh,
      scratch_types=[
          pltpu.VMEM((k,), jnp.int32),
          pltpu.VMEM((k, d), jnp.float32),
          pltpu.VMEM_SHARED((n_pad, d), jnp.float32),
      ],
  )
  def body(dst_hbm, zeros_hbm, ones_hbm, odeg_hbm, dst_v, ones_v, deg_sh):
    cid = lax.axis_index("c")
    sid = lax.axis_index("s")
    wid = sid * NC + cid
    pltpu.sync_copy(zeros_hbm, ones_v)
    for off, w in stage:
      pltpu.sync_copy(ones_v.at[pl.ds(0, w)],
                      deg_sh.at[pl.ds(sid * zrows + off, w)])
    pltpu.sync_copy(ones_hbm, ones_v)
    plsc.subcore_barrier()

    ebase = wid * cpt * k

    @pl.loop(0, cpt)
    def _(c):
      pltpu.sync_copy(dst_hbm.at[pl.ds(ebase + c * k, k)], dst_v)
      pltpu.sync_copy(ones_v, deg_sh.at[dst_v], add=True)

    plsc.subcore_barrier()
    for off, w in stage:
      sl = pl.ds(sid * zrows + off, w)
      osl = pl.ds(cid * n_pad + sid * zrows + off, w)
      vsl = pl.ds(0, w)
      pltpu.sync_copy(deg_sh.at[sl], ones_v.at[vsl])
      pltpu.sync_copy(ones_v.at[vsl], odeg_hbm.at[osl])

  return body(dst_pad, zeros_rows, ones_rows)


def _tc_dense_stage(item, acc, degw, batch3d, W_msg, b_msg, W_ih, W_hh,
                    b_ih, b_hh, n_rows):
  d = item.shape[1]
  nb = 128
  nblk = n_rows // nb

  def body(item_ref, acc_ref, degw_ref, batch_ref, wm_ref, bm_ref, wih_ref,
           whh_ref, bih_ref, bhh_ref, gemb_ref, cnt_ref):
    i = pl.program_id(0)
    ie = item_ref[...]
    ag = acc_ref[0] + acc_ref[1]
    deg = degw_ref[0, :, 0:1] + degw_ref[1, :, 0:1]
    inv = 1.0 / jnp.maximum(deg, 1.0)
    has = (deg > 0.0).astype(jnp.float32)
    wm = wm_ref[...]
    cdims = (((1,), (1,)), ((), ()))
    msgs = lax.dot_general(ag * inv, wm, cdims,
                           preferred_element_type=jnp.float32)
    msgs = msgs + has * bm_ref[...]
    h = lax.dot_general(ie, wm, cdims,
                        preferred_element_type=jnp.float32) + bm_ref[...]
    gi = lax.dot_general(msgs, wih_ref[...], cdims,
                         preferred_element_type=jnp.float32) + bih_ref[...]
    gh = lax.dot_general(h, whh_ref[...], cdims,
                         preferred_element_type=jnp.float32) + bhh_ref[...]
    r = jax.nn.sigmoid(gi[:, :d] + gh[:, :d])
    z = jax.nn.sigmoid(gi[:, d:2 * d] + gh[:, d:2 * d])
    n = jnp.tanh(gi[:, 2 * d:] + r * gh[:, 2 * d:])
    hn = (1.0 - z) * n + z * h
    b = batch_ref[0]
    oh = (lax.broadcasted_iota(jnp.int32, (G, nb), 0) == b
          ).astype(jnp.float32)
    part = lax.dot_general(oh, hn, (((1,), (0,)), ((), ())),
                           preferred_element_type=jnp.float32)
    pc = jnp.sum(oh, axis=1, keepdims=True)

    @pl.when(i == 0)
    def _():
      gemb_ref[...] = part
      cnt_ref[...] = pc

    @pl.when(i > 0)
    def _():
      gemb_ref[...] += part
      cnt_ref[...] += pc

    @pl.when(i == nblk - 1)
    def _():
      gemb_ref[...] = gemb_ref[...] / jnp.maximum(cnt_ref[...], 1.0)

  gemb, _ = pl.pallas_call(
      body,
      grid=(nblk,),
      in_specs=[
          pl.BlockSpec((nb, d), lambda i: (i, 0)),
          pl.BlockSpec((NC, nb, d), lambda i: (0, i, 0)),
          pl.BlockSpec((NC, nb, d), lambda i: (0, i, 0)),
          pl.BlockSpec((1, 1, nb), lambda i: (i, 0, 0)),
          pl.BlockSpec((d, d), lambda i: (0, 0)),
          pl.BlockSpec((1, d), lambda i: (0, 0)),
          pl.BlockSpec((3 * d, d), lambda i: (0, 0)),
          pl.BlockSpec((3 * d, d), lambda i: (0, 0)),
          pl.BlockSpec((1, 3 * d), lambda i: (0, 0)),
          pl.BlockSpec((1, 3 * d), lambda i: (0, 0)),
      ],
      out_specs=[
          pl.BlockSpec((G, d), lambda i: (0, 0)),
          pl.BlockSpec((G, 1), lambda i: (0, 0)),
      ],
      out_shape=[
          jax.ShapeDtypeStruct((G, d), jnp.float32),
          jax.ShapeDtypeStruct((G, 1), jnp.float32),
      ],
  )(item, acc, degw, batch3d, W_msg, b_msg.reshape(1, d), W_ih, W_hh,
    b_ih.reshape(1, 3 * d), b_hh.reshape(1, 3 * d))
  return gemb


def _tc_scores(gemb, W_fc, b_fc2d):
  v, d = W_fc.shape
  vb = 2048
  grid = pl.cdiv(v, vb)

  def body(g_ref, w_ref, b_ref, o_ref):
    o_ref[...] = lax.dot_general(
        g_ref[...], w_ref[...], (((1,), (1,)), ((), ())),
        preferred_element_type=jnp.float32) + b_ref[...]

  return pl.pallas_call(
      body,
      grid=(grid,),
      in_specs=[
          pl.BlockSpec((G, d), lambda i: (0, 0)),
          pl.BlockSpec((vb, d), lambda i: (i, 0)),
          pl.BlockSpec((1, vb), lambda i: (0, i)),
      ],
      out_specs=pl.BlockSpec((G, vb), lambda i: (0, i)),
      out_shape=jax.ShapeDtypeStruct((G, v), jnp.float32),
  )(gemb, W_fc, b_fc2d)


def kernel(x, edge_index, batch, emb, W_msg, b_msg, W_ih, W_hh, b_ih, b_hh,
           W_fc, b_fc):
  n = x.shape[0]
  e = edge_index.shape[1]
  v, d = emb.shape

  align_n = NW * 64
  n_pad_a = ((n + align_n - 1) // align_n) * align_n
  x_pad = jnp.concatenate(
      [x.astype(jnp.int32), jnp.zeros((n_pad_a - n,), jnp.int32)])
  item = _sc_gather_rows(emb, x_pad)

  n_pad_b = ((n + 8 + 127) // 128) * 128
  assert n_pad_b <= n_pad_a

  ek = 128
  align_e = NW * ek
  e_pad = ((e + align_e - 1) // align_e) * align_e
  npadextra = n_pad_b - n
  src_pad = jnp.concatenate(
      [edge_index[0].astype(jnp.int32), jnp.zeros((e_pad - e,), jnp.int32)])
  dst_fill = n + jnp.arange(e_pad - e, dtype=jnp.int32) % npadextra
  dst_pad = jnp.concatenate([edge_index[1].astype(jnp.int32), dst_fill])

  zacc = jnp.zeros((ek, d), jnp.float32)
  ones_rows = jnp.ones((ek, d), jnp.float32)
  acc = _sc_edge_agg(item, src_pad, dst_pad, zacc, n_pad_b)
  acc = acc.reshape(NC, n_pad_b, d)
  token = lax.convert_element_type(acc[0, 0, 0] * 0.0, jnp.int32)
  degw = _sc_degrees(dst_pad + token, zacc, ones_rows, n_pad_b).reshape(
      NC, n_pad_b, d)

  batch_pad = jnp.concatenate(
      [batch.astype(jnp.int32), jnp.full((n_pad_b - n,), G, jnp.int32)])
  batch3d = batch_pad.reshape(n_pad_b // 128, 1, 128)

  gemb = _tc_dense_stage(item, acc, degw, batch3d, W_msg, b_msg, W_ih, W_hh,
                         b_ih, b_hh, n_pad_b)
  return _tc_scores(gemb, W_fc, b_fc.reshape(1, v))

# --- scband reference (transcript-rebuilt; emitter-appended) ---
"""Pipeline reference for scband-sr-gnn-35467839930772 (READ-ONLY COPY).

The authoritative reference and input builder live on the scoring server;
editing this copy changes nothing except your own understanding.
"""

import jax, jax.numpy as jnp
import numpy as np

N = 10000
E = 320000
D = 128
V = 100000
G = 1024


def setup_inputs(seed: int = 0) -> dict:
    key = jax.random.key(seed)
    ks = jax.random.split(key, 12)
    x = jax.random.randint(ks[0], (N,), 0, V)
    edge_index = jax.random.randint(ks[1], (2, E), 0, N)
    batch = jnp.sort(jax.random.randint(ks[2], (N,), 0, G))
    s = 1.0 / np.sqrt(D)
    emb = jax.random.normal(ks[3], (V, D), dtype=jnp.float32)
    W_msg = jax.random.uniform(ks[4], (D, D), minval=-s, maxval=s, dtype=jnp.float32)
    b_msg = jax.random.uniform(ks[5], (D,), minval=-s, maxval=s, dtype=jnp.float32)
    W_ih = jax.random.uniform(ks[6], (3 * D, D), minval=-s, maxval=s, dtype=jnp.float32)
    W_hh = jax.random.uniform(ks[7], (3 * D, D), minval=-s, maxval=s, dtype=jnp.float32)
    b_ih = jax.random.uniform(ks[8], (3 * D,), minval=-s, maxval=s, dtype=jnp.float32)
    b_hh = jax.random.uniform(ks[9], (3 * D,), minval=-s, maxval=s, dtype=jnp.float32)
    W_fc = jax.random.uniform(ks[10], (V, D), minval=-s, maxval=s, dtype=jnp.float32)
    b_fc = jax.random.uniform(ks[11], (V,), minval=-s, maxval=s, dtype=jnp.float32)
    return {"x": x, "edge_index": edge_index, "batch": batch, "emb": emb,
            "W_msg": W_msg, "b_msg": b_msg, "W_ih": W_ih, "W_hh": W_hh,
            "b_ih": b_ih, "b_hh": b_hh, "W_fc": W_fc, "b_fc": b_fc}


def gru_cell(inp, h, W_ih, W_hh, b_ih, b_hh):
    gi = inp @ W_ih.T + b_ih
    gh = h @ W_hh.T + b_hh
    i_r, i_z, i_n = jnp.split(gi, 3, axis=-1)
    h_r, h_z, h_n = jnp.split(gh, 3, axis=-1)
    r = jax.nn.sigmoid(i_r + h_r)
    z = jax.nn.sigmoid(i_z + h_z)
    n = jnp.tanh(i_n + r * h_n)
    return (1.0 - z) * n + z * h


def reference(x, edge_index, batch, emb, W_msg, b_msg, W_ih, W_hh, b_ih, b_hh, W_fc, b_fc):
    # item embedding lookup
    item_emb = jnp.take(emb, x, axis=0)  # [N, D]
    # message_linear
    h = item_emb @ W_msg.T + b_msg  # [N, D]
    src = edge_index[0]
    dst = edge_index[1]
    # one iteration of mean-aggregation message passing
    msg_sum = jax.ops.segment_sum(jnp.take(h, src, axis=0), dst, num_segments=N)
    deg = jax.ops.segment_sum(jnp.ones((E,), dtype=jnp.float32), dst, num_segments=N)
    messages = msg_sum / jnp.maximum(deg, 1.0)[:, None]
    h = gru_cell(messages, h, W_ih, W_hh, b_ih, b_hh)
    # global mean pool over sessions
    gsum = jax.ops.segment_sum(h, batch, num_segments=G)
    cnt = jax.ops.segment_sum(jnp.ones((N,), dtype=jnp.float32), batch, num_segments=G)
    graph_emb = gsum / jnp.maximum(cnt, 1.0)[:, None]
    scores = graph_emb @ W_fc.T + b_fc  # [G, V]
    return scores

if __name__ == "__main__":
    import jax
    _d = setup_inputs()
    print(jax.jit(kernel)(*tuple(_d.values())))

</pallas_src>

<mosaic_0001>
#map = affine_map<(d0, d1) -> (0, 0)>
#map1 = affine_map<(d0, d1) -> (0)>
module attributes {stable_mosaic.version = 14 : i64} {
  func.func @body(%arg0: i32, %arg1: i32, %arg2: memref<10240x128xf32, #tpu.memory_space<hbm>>, %arg3: memref<323584xi32, #tpu.memory_space<hbm>>, %arg4: memref<323584xi32, #tpu.memory_space<hbm>>, %arg5: memref<128x128xf32, #tpu.memory_space<hbm>>, %arg6: memref<20224x128xf32, #tpu.memory_space<hbm>>, %arg7: memref<2x128xi32, #tpu.memory_space<vmem>>, %arg8: memref<2x128xi32, #tpu.memory_space<vmem>>, %arg9: memref<2x128x128xf32, #tpu.memory_space<vmem>>, %arg10: memref<!tpu.dma_semaphore, #tpu.memory_space<semaphore_mem>>, %arg11: memref<!tpu.dma_semaphore, #tpu.memory_space<semaphore_mem>>, %arg12: memref<10112x128xf32, #tpu.memory_space<vmem_shared>>) attributes {dimension_semantics = [#tpu.dimension_semantics<core_parallel>, #tpu.dimension_semantics<subcore_parallel>], iteration_bounds = array<i64: 2, 16>, scalar_prefetch = 0 : i64, scratch_operands = 6 : i64, tpu.core_type = #tpu.core_type<sc_vector_subcore>, window_params = [{transform_indices = #map}, {transform_indices = #map1}, {transform_indices = #map1}, {transform_indices = #map}, {transform_indices = #map}]} {
    %mul3A = arith.constant 2 : i32
    %mul3A_0 = arith.muli %arg1, %mul3A : i32
    %add3A = arith.addi %mul3A_0, %arg0 : i32
    %run_scoped3A = arith.constant 0 : i32
    "tpu.region"() ({
      %run_scoped3A_127 = tpu.sem_alloc : memref<!tpu.dma_semaphore, #tpu.memory_space<semaphore_mem>>
      %dma_start3A_128 = arith.constant 0 : i32
      %dma_start3A_129 = arith.constant 0 : i32
      %dma_start3A_130 = tpu.memref_slice %arg9[%run_scoped3A, %dma_start3A_128, %dma_start3A_129] : memref<2x128x128xf32, #tpu.memory_space<vmem>> -> memref<1x128x128xf32, #tpu.memory_space<vmem>>
      %dma_start3A_131 = tpu.memref_squeeze %dma_start3A_130 : memref<1x128x128xf32, #tpu.memory_space<vmem>> -> memref<128x128xf32, #tpu.memory_space<vmem>>
      %dma_start3A_132 = arith.constant 0 : i32
      %dma_start3A_133 = arith.constant 0 : i32
      %dma_start3A_134 = tpu.memref_slice %arg9[%run_scoped3A, %dma_start3A_132, %dma_start3A_133] : memref<2x128x128xf32, #tpu.memory_space<vmem>> -> memref<1x128x128xf32, #tpu.memory_space<vmem>>
      %dma_start3A_135 = tpu.memref_squeeze %dma_start3A_134 : memref<1x128x128xf32, #tpu.memory_space<vmem>> -> memref<128x128xf32, #tpu.memory_space<vmem>>
      tpu.enqueue_dma source(%arg5 : memref<128x128xf32, #tpu.memory_space<hbm>>) target(%dma_start3A_135 : memref<128x128xf32, #tpu.memory_space<vmem>>) target_semaphore(%run_scoped3A_127 : memref<!tpu.dma_semaphore, #tpu.memory_space<semaphore_mem>>)
      %dma_wait3A_136 = arith.constant 0 : i32
      %dma_wait3A_137 = arith.constant 0 : i32
      %dma_wait3A_138 = tpu.memref_slice %arg9[%run_scoped3A, %dma_wait3A_136, %dma_wait3A_137] : memref<2x128x128xf32, #tpu.memory_space<vmem>> -> memref<1x128x128xf32, #tpu.memory_space<vmem>>
      %dma_wait3A_139 = tpu.memref_squeeze %dma_wait3A_138 : memref<1x128x128xf32, #tpu.memory_space<vmem>> -> memref<128x128xf32, #tpu.memory_space<vmem>>
      %dma_wait3A_140 = arith.constant 0 : i32
      %dma_wait3A_141 = arith.constant 0 : i32
      %dma_wait3A_142 = tpu.memref_slice %arg9[%run_scoped3A, %dma_wait3A_140, %dma_wait3A_141] : memref<2x128x128xf32, #tpu.memory_space<vmem>> -> memref<1x128x128xf32, #tpu.memory_space<vmem>>
      %dma_wait3A_143 = tpu.memref_squeeze %dma_wait3A_142 : memref<1x128x128xf32, #tpu.memory_space<vmem>> -> memref<128x128xf32, #tpu.memory_space<vmem>>
      tpu.wait_dma2 semaphore(%run_scoped3A_127 : memref<!tpu.dma_semaphore, #tpu.memory_space<semaphore_mem>>) src(%arg5 : memref<128x128xf32, #tpu.memory_space<hbm>>) dst(%dma_wait3A_143 : memref<128x128xf32, #tpu.memory_space<vmem>>)
      tpu.yield
    }) : () -> ()
    %mul3A_1 = arith.constant 632 : i32
    %mul3A_2 = arith.muli %arg1, %mul3A_1 : i32
    %add3A_3 = arith.constant 0 : i32
    %add3A_4 = arith.addi %mul3A_2, %add3A_3 : i32
    %run_scoped3A_5 = arith.constant 0 : i32
    "tpu.region"() ({
      %run_scoped3A_127 = tpu.sem_alloc : memref<!tpu.dma_semaphore, #tpu.memory_space<semaphore_mem>>
      %dma_start3A_128 = arith.constant 0 : i32
      %dma_start3A_129 = arith.constant 0 : i32
      %dma_start3A_130 = tpu.memref_slice %arg9[%run_scoped3A_5, %dma_start3A_128, %dma_start3A_129] : memref<2x128x128xf32, #tpu.memory_space<vmem>> -> memref<1x128x128xf32, #tpu.memory_space<vmem>>
      %dma_start3A_131 = tpu.memref_squeeze %dma_start3A_130 : memref<1x128x128xf32, #tpu.memory_space<vmem>> -> memref<128x128xf32, #tpu.memory_space<vmem>>
      %dma_start3A_132 = arith.constant 0 : i32
      %dma_start3A_133 = arith.constant 0 : i32
      %dma_start3A_134 = tpu.memref_slice %dma_start3A_131[%dma_start3A_132, %dma_start3A_133] : memref<128x128xf32, #tpu.memory_space<vmem>> -> memref<128x128xf32, #tpu.memory_space<vmem>>
      %dma_start3A_135 = arith.constant 0 : i32
      %dma_start3A_136 = tpu.memref_slice %arg12[%add3A_4, %dma_start3A_135] : memref<10112x128xf32, #tpu.memory_space<vmem_shared>> -> memref<128x128xf32, #tpu.memory_space<vmem_shared>>
      %dma_start3A_137 = arith.constant 0 : i32
      %dma_start3A_138 = tpu.memref_slice %arg12[%add3A_4, %dma_start3A_137] : memref<10112x128xf32, #tpu.memory_space<vmem_shared>> -> memref<128x128xf32, #tpu.memory_space<vmem_shared>>
      %dma_start3A_139 = arith.constant 0 : i32
      %dma_start3A_140 = arith.constant 0 : i32
      %dma_start3A_141 = tpu.memref_slice %arg9[%run_scoped3A_5, %dma_start3A_139, %dma_start3A_140] : memref<2x128x128xf32, #tpu.memory_space<vmem>> -> memref<1x128x128xf32, #tpu.memory_space<vmem>>
      %dma_start3A_142 = tpu.memref_squeeze %dma_start3A_141 : memref<1x128x128xf32, #tpu.memory_space<vmem>> -> memref<128x128xf32, #tpu.memory_space<vmem>>
      %dma_start3A_143 = arith.constant 0 : i32
      %dma_start3A_144 = arith.constant 0 : i32
      %dma_start3A_145 = tpu.memref_slice %dma_start3A_142[%dma_start3A_143, %dma_start3A_144] : memref<128x128xf32, #tpu.memory_space<vmem>> -> memref<128x128xf32, #tpu.memory_space<vmem>>
      tpu.enqueue_dma source(%dma_start3A_145 : memref<128x128xf32, #tpu.memory_space<vmem>>) target(%dma_start3A_138 : memref<128x128xf32, #tpu.memory_space<vmem_shared>>) target_semaphore(%run_scoped3A_127 : memref<!tpu.dma_semaphore, #tpu.memory_space<semaphore_mem>>)
      %dma_wait3A_146 = arith.constant 0 : i32
      %dma_wait3A_147 = arith.constant 0 : i32
      %dma_wait3A_148 = tpu.memref_slice %arg9[%run_scoped3A_5, %dma_wait3A_146, %dma_wait3A_147] : memref<2x128x128xf32, #tpu.memory_space<vmem>> -> memref<1x128x128xf32, #tpu.memory_space<vmem>>
      %dma_wait3A_149 = tpu.memref_squeeze %dma_wait3A_148 : memref<1x128x128xf32, #tpu.memory_space<vmem>> -> memref<128x128xf32, #tpu.memory_space<vmem>>
      %dma_wait3A_150 = arith.constant 0 : i32
      %dma_wait3A_151 = arith.constant 0 : i32
      %dma_wait3A_152 = tpu.memref_slice %dma_wait3A_149[%dma_wait3A_150, %dma_wait3A_151] : memref<128x128xf32, #tpu.memory_space<vmem>> -> memref<128x128xf32, #tpu.memory_space<vmem>>
      %dma_wait3A_153 = arith.constant 0 : i32
      %dma_wait3A_154 = tpu.memref_slice %arg12[%add3A_4, %dma_wait3A_153] : memref<10112x128xf32, #tpu.memory_space<vmem_shared>> -> memref<128x128xf32, #tpu.memory_space<vmem_shared>>
      %dma_wait3A_155 = arith.constant 0 : i32
      %dma_wait3A_156 = tpu.memref_slice %arg12[%add3A_4, %dma_wait3A_155] : memref<10112x128xf32, #tpu.memory_space<vmem_shared>> -> memref<128x128xf32, #tpu.memory_space<vmem_shared>>
      %dma_wait3A_157 = arith.constant 0 : i32
      %dma_wait3A_158 = arith.constant 0 : i32
      %dma_wait3A_159 = tpu.memref_slice %arg9[%run_scoped3A_5, %dma_wait3A_157, %dma_wait3A_158] : memref<2x128x128xf32, #tpu.memory_space<vmem>> -> memref<1x128x128xf32, #tpu.memory_space<vmem>>
      %dma_wait3A_160 = tpu.memref_squeeze %dma_wait3A_159 : memref<1x128x128xf32, #tpu.memory_space<vmem>> -> memref<128x128xf32, #tpu.memory_space<vmem>>
      %dma_wait3A_161 = arith.constant 0 : i32
      %dma_wait3A_162 = arith.constant 0 : i32
      %dma_wait3A_163 = tpu.memref_slice %dma_wait3A_160[%dma_wait3A_161, %dma_wait3A_162] : memref<128x128xf32, #tpu.memory_space<vmem>> -> memref<128x128xf32, #tpu.memory_space<vmem>>
      tpu.wait_dma2 semaphore(%run_scoped3A_127 : memref<!tpu.dma_semaphore, #tpu.memory_space<semaphore_mem>>) src(%dma_wait3A_163 : memref<128x128xf32, #tpu.memory_space<vmem>>) dst(%dma_wait3A_156 : memref<128x128xf32, #tpu.memory_space<vmem_shared>>)
      tpu.yield
    }) : () -> ()
    %mul3A_6 = arith.constant 632 : i32
    %mul3A_7 = arith.muli %arg1, %mul3A_6 : i32
    %add3A_8 = arith.constant 128 : i32
    %add3A_9 = arith.addi %mul3A_7, %add3A_8 : i32
    %run_scoped3A_10 = arith.constant 0 : i32
    "tpu.region"() ({
      %run_scoped3A_127 = tpu.sem_alloc : memref<!tpu.dma_semaphore, #tpu.memory_space<semaphore_mem>>
      %dma_start3A_128 = arith.constant 0 : i32
      %dma_start3A_129 = arith.constant 0 : i32
      %dma_start3A_130 = tpu.memref_slice %arg9[%run_scoped3A_10, %dma_start3A_128, %dma_start3A_129] : memref<2x128x128xf32, #tpu.memory_space<vmem>> -> memref<1x128x128xf32, #tpu.memory_space<vmem>>
      %dma_start3A_131 = tpu.memref_squeeze %dma_start3A_130 : memref<1x128x128xf32, #tpu.memory_space<vmem>> -> memref<128x128xf32, #tpu.memory_space<vmem>>
      %dma_start3A_132 = arith.constant 0 : i32
      %dma_start3A_133 = arith.constant 0 : i32
      %dma_start3A_134 = tpu.memref_slice %dma_start3A_131[%dma_start3A_132, %dma_start3A_133] : memref<128x128xf32, #tpu.memory_space<vmem>> -> memref<128x128xf32, #tpu.memory_space<vmem>>
      %dma_start3A_135 = arith.constant 0 : i32
      %dma_start3A_136 = tpu.memref_slice %arg12[%add3A_9, %dma_start3A_135] : memref<10112x128xf32, #tpu.memory_space<vmem_shared>> -> memref<128x128xf32, #tpu.memory_space<vmem_shared>>
      %dma_start3A_137 = arith.constant 0 : i32
      %dma_start3A_138 = tpu.memref_slice %arg12[%add3A_9, %dma_start3A_137] : memref<10112x128xf32, #tpu.memory_space<vmem_shared>> -> memref<128x128xf32, #tpu.memory_space<vmem_shared>>
      %dma_start3A_139 = arith.constant 0 : i32
      %dma_start3A_140 = arith.constant 0 : i32
      %dma_start3A_141 = tpu.memref_slice %arg9[%run_scoped3A_10, %dma_start3A_139, %dma_start3A_140] : memref<2x128x128xf32, #tpu.memory_space<vmem>> -> memref<1x128x128xf32, #tpu.memory_space<vmem>>
      %dma_start3A_142 = tpu.memref_squeeze %dma_start3A_141 : memref<1x128x128xf32, #tpu.memory_space<vmem>> -> memref<128x128xf32, #tpu.memory_space<vmem>>
      %dma_start3A_143 = arith.constant 0 : i32
      %dma_start3A_144 = arith.constant 0 : i32
      %dma_start3A_145 = tpu.memref_slice %dma_start3A_142[%dma_start3A_143, %dma_start3A_144] : memref<128x128xf32, #tpu.memory_space<vmem>> -> memref<128x128xf32, #tpu.memory_space<vmem>>
      tpu.enqueue_dma source(%dma_start3A_145 : memref<128x128xf32, #tpu.memory_space<vmem>>) target(%dma_start3A_138 : memref<128x128xf32, #tpu.memory_space<vmem_shared>>) target_semaphore(%run_scoped3A_127 : memref<!tpu.dma_semaphore, #tpu.memory_space<semaphore_mem>>)
      %dma_wait3A_146 = arith.constant 0 : i32
      %dma_wait3A_147 = arith.constant 0 : i32
      %dma_wait3A_148 = tpu.memref_slice %arg9[%run_scoped3A_10, %dma_wait3A_146, %dma_wait3A_147] : memref<2x128x128xf32, #tpu.memory_space<vmem>> -> memref<1x128x128xf32, #tpu.memory_space<vmem>>
      %dma_wait3A_149 = tpu.memref_squeeze %dma_wait3A_148 : memref<1x128x128xf32, #tpu.memory_space<vmem>> -> memref<128x128xf32, #tpu.memory_space<vmem>>
      %dma_wait3A_150 = arith.constant 0 : i32
      %dma_wait3A_151 = arith.constant 0 : i32
      %dma_wait3A_152 = tpu.memref_slice %dma_wait3A_149[%dma_wait3A_150, %dma_wait3A_151] : memref<128x128xf32, #tpu.memory_space<vmem>> -> memref<128x128xf32, #tpu.memory_space<vmem>>
      %dma_wait3A_153 = arith.constant 0 : i32
      %dma_wait3A_154 = tpu.memref_slice %arg12[%add3A_9, %dma_wait3A_153] : memref<10112x128xf32, #tpu.memory_space<vmem_shared>> -> memref<128x128xf32, #tpu.memory_space<vmem_shared>>
      %dma_wait3A_155 = arith.constant 0 : i32
      %dma_wait3A_156 = tpu.memref_slice %arg12[%add3A_9, %dma_wait3A_155] : memref<10112x128xf32, #tpu.memory_space<vmem_shared>> -> memref<128x128xf32, #tpu.memory_space<vmem_shared>>
      %dma_wait3A_157 = arith.constant 0 : i32
      %dma_wait3A_158 = arith.constant 0 : i32
      %dma_wait3A_159 = tpu.memref_slice %arg9[%run_scoped3A_10, %dma_wait3A_157, %dma_wait3A_158] : memref<2x128x128xf32, #tpu.memory_space<vmem>> -> memref<1x128x128xf32, #tpu.memory_space<vmem>>
      %dma_wait3A_160 = tpu.memref_squeeze %dma_wait3A_159 : memref<1x128x128xf32, #tpu.memory_space<vmem>> -> memref<128x128xf32, #tpu.memory_space<vmem>>
      %dma_wait3A_161 = arith.constant 0 : i32
      %dma_wait3A_162 = arith.constant 0 : i32
      %dma_wait3A_163 = tpu.memref_slice %dma_wait3A_160[%dma_wait3A_161, %dma_wait3A_162] : memref<128x128xf32, #tpu.memory_space<vmem>> -> memref<128x128xf32, #tpu.memory_space<vmem>>
      tpu.wait_dma2 semaphore(%run_scoped3A_127 : memref<!tpu.dma_semaphore, #tpu.memory_space<semaphore_mem>>) src(%dma_wait3A_163 : memref<128x128xf32, #tpu.memory_space<vmem>>) dst(%dma_wait3A_156 : memref<128x128xf32, #tpu.memory_space<vmem_shared>>)
      tpu.yield
    }) : () -> ()
    %mul3A_11 = arith.constant 632 : i32
    %mul3A_12 = arith.muli %arg1, %mul3A_11 : i32
    %add3A_13 = arith.constant 256 : i32
    %add3A_14 = arith.addi %mul3A_12, %add3A_13 : i32
    %run_scoped3A_15 = arith.constant 0 : i32
    "tpu.region"() ({
      %run_scoped3A_127 = tpu.sem_alloc : memref<!tpu.dma_semaphore, #tpu.memory_space<semaphore_mem>>
      %dma_start3A_128 = arith.constant 0 : i32
      %dma_start3A_129 = arith.constant 0 : i32
      %dma_start3A_130 = tpu.memref_slice %arg9[%run_scoped3A_15, %dma_start3A_128, %dma_start3A_129] : memref<2x128x128xf32, #tpu.memory_space<vmem>> -> memref<1x128x128xf32, #tpu.memory_space<vmem>>
      %dma_start3A_131 = tpu.memref_squeeze %dma_start3A_130 : memref<1x128x128xf32, #tpu.memory_space<vmem>> -> memref<128x128xf32, #tpu.memory_space<vmem>>
      %dma_start3A_132 = arith.constant 0 : i32
      %dma_start3A_133 = arith.constant 0 : i32
      %dma_start3A_134 = tpu.memref_slice %dma_start3A_131[%dma_start3A_132, %dma_start3A_133] : memref<128x128xf32, #tpu.memory_space<vmem>> -> memref<128x128xf32, #tpu.memory_space<vmem>>
      %dma_start3A_135 = arith.constant 0 : i32
      %dma_start3A_136 = tpu.memref_slice %arg12[%add3A_14, %dma_start3A_135] : memref<10112x128xf32, #tpu.memory_space<vmem_shared>> -> memref<128x128xf32, #tpu.memory_space<vmem_shared>>
      %dma_start3A_137 = arith.constant 0 : i32
      %dma_start3A_138 = tpu.memref_slice %arg12[%add3A_14, %dma_start3A_137] : memref<10112x128xf32, #tpu.memory_space<vmem_shared>> -> memref<128x128xf32, #tpu.memory_space<vmem_shared>>
      %dma_start3A_139 = arith.constant 0 : i32
      %dma_start3A_140 = arith.constant 0 : i32
      %dma_start3A_141 = tpu.memref_slice %arg9[%run_scoped3A_15, %dma_start3A_139, %dma_start3A_140] : memref<2x128x128xf32, #tpu.memory_space<vmem>> -> memref<1x128x128xf32, #tpu.memory_space<vmem>>
      %dma_start3A_142 = tpu.memref_squeeze %dma_start3A_141 : memref<1x128x128xf32, #tpu.memory_space<vmem>> -> memref<128x128xf32, #tpu.memory_space<vmem>>
      %dma_start3A_143 = arith.constant 0 : i32
      %dma_start3A_144 = arith.constant 0 : i32
      %dma_start3A_145 = tpu.memref_slice %dma_start3A_142[%dma_start3A_143, %dma_start3A_144] : memref<128x128xf32, #tpu.memory_space<vmem>> -> memref<128x128xf32, #tpu.memory_space<vmem>>
      tpu.enqueue_dma source(%dma_start3A_145 : memref<128x128xf32, #tpu.memory_space<vmem>>) target(%dma_start3A_138 : memref<128x128xf32, #tpu.memory_space<vmem_shared>>) target_semaphore(%run_scoped3A_127 : memref<!tpu.dma_semaphore, #tpu.memory_space<semaphore_mem>>)
      %dma_wait3A_146 = arith.constant 0 : i32
      %dma_wait3A_147 = arith.constant 0 : i32
      %dma_wait3A_148 = tpu.memref_slice %arg9[%run_scoped3A_15, %dma_wait3A_146, %dma_wait3A_147] : memref<2x128x128xf32, #tpu.memory_space<vmem>> -> memref<1x128x128xf32, #tpu.memory_space<vmem>>
      %dma_wait3A_149 = tpu.memref_squeeze %dma_wait3A_148 : memref<1x128x128xf32, #tpu.memory_space<vmem>> -> memref<128x128xf32, #tpu.memory_space<vmem>>
      %dma_wait3A_150 = arith.constant 0 : i32
      %dma_wait3A_151 = arith.constant 0 : i32
      %dma_wait3A_152 = tpu.memref_slice %dma_wait3A_149[%dma_wait3A_150, %dma_wait3A_151] : memref<128x128xf32, #tpu.memory_space<vmem>> -> memref<128x128xf32, #tpu.memory_space<vmem>>
      %dma_wait3A_153 = arith.constant 0 : i32
      %dma_wait3A_154 = tpu.memref_slice %arg12[%add3A_14, %dma_wait3A_153] : memref<10112x128xf32, #tpu.memory_space<vmem_shared>> -> memref<128x128xf32, #tpu.memory_space<vmem_shared>>
      %dma_wait3A_155 = arith.constant 0 : i32
      %dma_wait3A_156 = tpu.memref_slice %arg12[%add3A_14, %dma_wait3A_155] : memref<10112x128xf32, #tpu.memory_space<vmem_shared>> -> memref<128x128xf32, #tpu.memory_space<vmem_shared>>
      %dma_wait3A_157 = arith.constant 0 : i32
      %dma_wait3A_158 = arith.constant 0 : i32
      %dma_wait3A_159 = tpu.memref_slice %arg9[%run_scoped3A_15, %dma_wait3A_157, %dma_wait3A_158] : memref<2x128x128xf32, #tpu.memory_space<vmem>> -> memref<1x128x128xf32, #tpu.memory_space<vmem>>
      %dma_wait3A_160 = tpu.memref_squeeze %dma_wait3A_159 : memref<1x128x128xf32, #tpu.memory_space<vmem>> -> memref<128x128xf32, #tpu.memory_space<vmem>>
      %dma_wait3A_161 = arith.constant 0 : i32
      %dma_wait3A_162 = arith.constant 0 : i32
      %dma_wait3A_163 = tpu.memref_slice %dma_wait3A_160[%dma_wait3A_161, %dma_wait3A_162] : memref<128x128xf32, #tpu.memory_space<vmem>> -> memref<128x128xf32, #tpu.memory_space<vmem>>
      tpu.wait_dma2 semaphore(%run_scoped3A_127 : memref<!tpu.dma_semaphore, #tpu.memory_space<semaphore_mem>>) src(%dma_wait3A_163 : memref<128x128xf32, #tpu.memory_space<vmem>>) dst(%dma_wait3A_156 : memref<128x128xf32, #tpu.memory_space<vmem_shared>>)
      tpu.yield
    }) : () -> ()
    %mul3A_16 = arith.constant 632 : i32
    %mul3A_17 = arith.muli %arg1, %mul3A_16 : i32
    %add3A_18 = arith.constant 384 : i32
    %add3A_19 = arith.addi %mul3A_17, %add3A_18 : i32
    %run_scoped3A_20 = arith.constant 0 : i32
    "tpu.region"() ({
      %run_scoped3A_127 = tpu.sem_alloc : memref<!tpu.dma_semaphore, #tpu.memory_space<semaphore_mem>>
      %dma_start3A_128 = arith.constant 0 : i32
      %dma_start3A_129 = arith.constant 0 : i32
      %dma_start3A_130 = tpu.memref_slice %arg9[%run_scoped3A_20, %dma_start3A_128, %dma_start3A_129] : memref<2x128x128xf32, #tpu.memory_space<vmem>> -> memref<1x128x128xf32, #tpu.memory_space<vmem>>
      %dma_start3A_131 = tpu.memref_squeeze %dma_start3A_130 : memref<1x128x128xf32, #tpu.memory_space<vmem>> -> memref<128x128xf32, #tpu.memory_space<vmem>>
      %dma_start3A_132 = arith.constant 0 : i32
      %dma_start3A_133 = arith.constant 0 : i32
      %dma_start3A_134 = tpu.memref_slice %dma_start3A_131[%dma_start3A_132, %dma_start3A_133] : memref<128x128xf32, #tpu.memory_space<vmem>> -> memref<128x128xf32, #tpu.memory_space<vmem>>
      %dma_start3A_135 = arith.constant 0 : i32
      %dma_start3A_136 = tpu.memref_slice %arg12[%add3A_19, %dma_start3A_135] : memref<10112x128xf32, #tpu.memory_space<vmem_shared>> -> memref<128x128xf32, #tpu.memory_space<vmem_shared>>
      %dma_start3A_137 = arith.constant 0 : i32
      %dma_start3A_138 = tpu.memref_slice %arg12[%add3A_19, %dma_start3A_137] : memref<10112x128xf32, #tpu.memory_space<vmem_shared>> -> memref<128x128xf32, #tpu.memory_space<vmem_shared>>
      %dma_start3A_139 = arith.constant 0 : i32
      %dma_start3A_140 = arith.constant 0 : i32
      %dma_start3A_141 = tpu.memref_slice %arg9[%run_scoped3A_20, %dma_start3A_139, %dma_start3A_140] : memref<2x128x128xf32, #tpu.memory_space<vmem>> -> memref<1x128x128xf32, #tpu.memory_space<vmem>>
      %dma_start3A_142 = tpu.memref_squeeze %dma_start3A_141 : memref<1x128x128xf32, #tpu.memory_space<vmem>> -> memref<128x128xf32, #tpu.memory_space<vmem>>
      %dma_start3A_143 = arith.constant 0 : i32
      %dma_start3A_144 = arith.constant 0 : i32
      %dma_start3A_145 = tpu.memref_slice %dma_start3A_142[%dma_start3A_143, %dma_start3A_144] : memref<128x128xf32, #tpu.memory_space<vmem>> -> memref<128x128xf32, #tpu.memory_space<vmem>>
      tpu.enqueue_dma source(%dma_start3A_145 : memref<128x128xf32, #tpu.memory_space<vmem>>) target(%dma_start3A_138 : memref<128x128xf32, #tpu.memory_space<vmem_shared>>) target_semaphore(%run_scoped3A_127 : memref<!tpu.dma_semaphore, #tpu.memory_space<semaphore_mem>>)
      %dma_wait3A_146 = arith.constant 0 : i32
      %dma_wait3A_147 = arith.constant 0 : i32
      %dma_wait3A_148 = tpu.memref_slice %arg9[%run_scoped3A_20, %dma_wait3A_146, %dma_wait3A_147] : memref<2x128x128xf32, #tpu.memory_space<vmem>> -> memref<1x128x128xf32, #tpu.memory_space<vmem>>
      %dma_wait3A_149 = tpu.memref_squeeze %dma_wait3A_148 : memref<1x128x128xf32, #tpu.memory_space<vmem>> -> memref<128x128xf32, #tpu.memory_space<vmem>>
      %dma_wait3A_150 = arith.constant 0 : i32
      %dma_wait3A_151 = arith.constant 0 : i32
      %dma_wait3A_152 = tpu.memref_slice %dma_wait3A_149[%dma_wait3A_150, %dma_wait3A_151] : memref<128x128xf32, #tpu.memory_space<vmem>> -> memref<128x128xf32, #tpu.memory_space<vmem>>
      %dma_wait3A_153 = arith.constant 0 : i32
      %dma_wait3A_154 = tpu.memref_slice %arg12[%add3A_19, %dma_wait3A_153] : memref<10112x128xf32, #tpu.memory_space<vmem_shared>> -> memref<128x128xf32, #tpu.memory_space<vmem_shared>>
      %dma_wait3A_155 = arith.constant 0 : i32
      %dma_wait3A_156 = tpu.memref_slice %arg12[%add3A_19, %dma_wait3A_155] : memref<10112x128xf32, #tpu.memory_space<vmem_shared>> -> memref<128x128xf32, #tpu.memory_space<vmem_shared>>
      %dma_wait3A_157 = arith.constant 0 : i32
      %dma_wait3A_158 = arith.constant 0 : i32
      %dma_wait3A_159 = tpu.memref_slice %arg9[%run_scoped3A_20, %dma_wait3A_157, %dma_wait3A_158] : memref<2x128x128xf32, #tpu.memory_space<vmem>> -> memref<1x128x128xf32, #tpu.memory_space<vmem>>
      %dma_wait3A_160 = tpu.memref_squeeze %dma_wait3A_159 : memref<1x128x128xf32, #tpu.memory_space<vmem>> -> memref<128x128xf32, #tpu.memory_space<vmem>>
      %dma_wait3A_161 = arith.constant 0 : i32
      %dma_wait3A_162 = arith.constant 0 : i32
      %dma_wait3A_163 = tpu.memref_slice %dma_wait3A_160[%dma_wait3A_161, %dma_wait3A_162] : memref<128x128xf32, #tpu.memory_space<vmem>> -> memref<128x128xf32, #tpu.memory_space<vmem>>
      tpu.wait_dma2 semaphore(%run_scoped3A_127 : memref<!tpu.dma_semaphore, #tpu.memory_space<semaphore_mem>>) src(%dma_wait3A_163 : memref<128x128xf32, #tpu.memory_space<vmem>>) dst(%dma_wait3A_156 : memref<128x128xf32, #tpu.memory_space<vmem_shared>>)
      tpu.yield
    }) : () -> ()
    %mul3A_21 = arith.constant 632 : i32
    %mul3A_22 = arith.muli %arg1, %mul3A_21 : i32
    %add3A_23 = arith.constant 512 : i32
    %add3A_24 = arith.addi %mul3A_22, %add3A_23 : i32
    %run_scoped3A_25 = arith.constant 0 : i32
    "tpu.region"() ({
      %run_scoped3A_127 = tpu.sem_alloc : memref<!tpu.dma_semaphore, #tpu.memory_space<semaphore_mem>>
      %dma_start3A_128 = arith.constant 0 : i32
      %dma_start3A_129 = arith.constant 0 : i32
      %dma_start3A_130 = tpu.memref_slice %arg9[%run_scoped3A_25, %dma_start3A_128, %dma_start3A_129] : memref<2x128x128xf32, #tpu.memory_space<vmem>> -> memref<1x128x128xf32, #tpu.memory_space<vmem>>
      %dma_start3A_131 = tpu.memref_squeeze %dma_start3A_130 : memref<1x128x128xf32, #tpu.memory_space<vmem>> -> memref<128x128xf32, #tpu.memory_space<vmem>>
      %dma_start3A_132 = arith.constant 0 : i32
      %dma_start3A_133 = arith.constant 0 : i32
      %dma_start3A_134 = tpu.memref_slice %dma_start3A_131[%dma_start3A_132, %dma_start3A_133] : memref<128x128xf32, #tpu.memory_space<vmem>> -> memref<120x128xf32, #tpu.memory_space<vmem>>
      %dma_start3A_135 = arith.constant 0 : i32
      %dma_start3A_136 = tpu.memref_slice %arg12[%add3A_24, %dma_start3A_135] : memref<10112x128xf32, #tpu.memory_space<vmem_shared>> -> memref<120x128xf32, #tpu.memory_space<vmem_shared>>
      %dma_start3A_137 = arith.constant 0 : i32
      %dma_start3A_138 = tpu.memref_slice %arg12[%add3A_24, %dma_start3A_137] : memref<10112x128xf32, #tpu.memory_space<vmem_shared>> -> memref<120x128xf32, #tpu.memory_space<vmem_shared>>
      %dma_start3A_139 = arith.constant 0 : i32
      %dma_start3A_140 = arith.constant 0 : i32
      %dma_start3A_141 = tpu.memref_slice %arg9[%run_scoped3A_25, %dma_start3A_139, %dma_start3A_140] : memref<2x128x128xf32, #tpu.memory_space<vmem>> -> memref<1x128x128xf32, #tpu.memory_space<vmem>>
      %dma_start3A_142 = tpu.memref_squeeze %dma_start3A_141 : memref<1x128x128xf32, #tpu.memory_space<vmem>> -> memref<128x128xf32, #tpu.memory_space<vmem>>
      %dma_start3A_143 = arith.constant 0 : i32
      %dma_start3A_144 = arith.constant 0 : i32
      %dma_start3A_145 = tpu.memref_slice %dma_start3A_142[%dma_start3A_143, %dma_start3A_144] : memref<128x128xf32, #tpu.memory_space<vmem>> -> memref<120x128xf32, #tpu.memory_space<vmem>>
      tpu.enqueue_dma source(%dma_start3A_145 : memref<120x128xf32, #tpu.memory_space<vmem>>) target(%dma_start3A_138 : memref<120x128xf32, #tpu.memory_space<vmem_shared>>) target_semaphore(%run_scoped3A_127 : memref<!tpu.dma_semaphore, #tpu.memory_space<semaphore_mem>>)
      %dma_wait3A_146 = arith.constant 0 : i32
      %dma_wait3A_147 = arith.constant 0 : i32
      %dma_wait3A_148 = tpu.memref_slice %arg9[%run_scoped3A_25, %dma_wait3A_146, %dma_wait3A_147] : memref<2x128x128xf32, #tpu.memory_space<vmem>> -> memref<1x128x128xf32, #tpu.memory_space<vmem>>
      %dma_wait3A_149 = tpu.memref_squeeze %dma_wait3A_148 : memref<1x128x128xf32, #tpu.memory_space<vmem>> -> memref<128x128xf32, #tpu.memory_space<vmem>>
      %dma_wait3A_150 = arith.constant 0 : i32
      %dma_wait3A_151 = arith.constant 0 : i32
      %dma_wait3A_152 = tpu.memref_slice %dma_wait3A_149[%dma_wait3A_150, %dma_wait3A_151] : memref<128x128xf32, #tpu.memory_space<vmem>> -> memref<120x128xf32, #tpu.memory_space<vmem>>
      %dma_wait3A_153 = arith.constant 0 : i32
      %dma_wait3A_154 = tpu.memref_slice %arg12[%add3A_24, %dma_wait3A_153] : memref<10112x128xf32, #tpu.memory_space<vmem_shared>> -> memref<120x128xf32, #tpu.memory_space<vmem_shared>>
      %dma_wait3A_155 = arith.constant 0 : i32
      %dma_wait3A_156 = tpu.memref_slice %arg12[%add3A_24, %dma_wait3A_155] : memref<10112x128xf32, #tpu.memory_space<vmem_shared>> -> memref<120x128xf32, #tpu.memory_space<vmem_shared>>
      %dma_wait3A_157 = arith.constant 0 : i32
      %dma_wait3A_158 = arith.constant 0 : i32
      %dma_wait3A_159 = tpu.memref_slice %arg9[%run_scoped3A_25, %dma_wait3A_157, %dma_wait3A_158] : memref<2x128x128xf32, #tpu.memory_space<vmem>> -> memref<1x128x128xf32, #tpu.memory_space<vmem>>
      %dma_wait3A_160 = tpu.memref_squeeze %dma_wait3A_159 : memref<1x128x128xf32, #tpu.memory_space<vmem>> -> memref<128x128xf32, #tpu.memory_space<vmem>>
      %dma_wait3A_161 = arith.constant 0 : i32
      %dma_wait3A_162 = arith.constant 0 : i32
      %dma_wait3A_163 = tpu.memref_slice %dma_wait3A_160[%dma_wait3A_161, %dma_wait3A_162] : memref<128x128xf32, #tpu.memory_space<vmem>> -> memref<120x128xf32, #tpu.memory_space<vmem>>
      tpu.wait_dma2 semaphore(%run_scoped3A_127 : memref<!tpu.dma_semaphore, #tpu.memory_space<semaphore_mem>>) src(%dma_wait3A_163 : memref<120x128xf32, #tpu.memory_space<vmem>>) dst(%dma_wait3A_156 : memref<120x128xf32, #tpu.memory_space<vmem_shared>>)
      tpu.yield
    }) : () -> ()
    %barrier3A = arith.constant 0 : index
    tpu.barrier barrier_id(%barrier3A)
    %mul3A_26 = arith.constant 79 : i32
    %mul3A_27 = arith.muli %add3A, %mul3A_26 : i32
    %mul3A_28 = arith.constant 128 : i32
    %mul3A_29 = arith.muli %mul3A_27, %mul3A_28 : i32
    %add3A_30 = arith.constant 0 : i32
    %add3A_31 = arith.addi %mul3A_29, %add3A_30 : i32
    %min3A = arith.constant 323456 : i32
    %min3A_32 = arith.minsi %add3A_31, %min3A : i32
    %run_scoped3A_33 = arith.constant 0 : i32
    "tpu.region"() ({
      %run_scoped3A_127 = tpu.sem_alloc : memref<!tpu.dma_semaphore, #tpu.memory_space<semaphore_mem>>
      %dma_start3A_128 = arith.constant 0 : i32
      %dma_start3A_129 = tpu.memref_slice %arg7[%run_scoped3A_33, %dma_start3A_128] : memref<2x128xi32, #tpu.memory_space<vmem>> -> memref<1x128xi32, #tpu.memory_space<vmem>>
      %dma_start3A_130 = tpu.memref_squeeze %dma_start3A_129 : memref<1x128xi32, #tpu.memory_space<vmem>> -> memref<128xi32, #tpu.memory_space<vmem>>
      %dma_start3A_131 = tpu.memref_slice %arg3[%min3A_32] : memref<323584xi32, #tpu.memory_space<hbm>> -> memref<128xi32, #tpu.memory_space<hbm>>
      %dma_start3A_132 = arith.constant 0 : i32
      %dma_start3A_133 = tpu.memref_slice %arg7[%run_scoped3A_33, %dma_start3A_132] : memref<2x128xi32, #tpu.memory_space<vmem>> -> memref<1x128xi32, #tpu.memory_space<vmem>>
      %dma_start3A_134 = tpu.memref_squeeze %dma_start3A_133 : memref<1x128xi32, #tpu.memory_space<vmem>> -> memref<128xi32, #tpu.memory_space<vmem>>
      %dma_start3A_135 = tpu.memref_slice %arg3[%min3A_32] : memref<323584xi32, #tpu.memory_space<hbm>> -> memref<128xi32, #tpu.memory_space<hbm>>
      tpu.enqueue_dma source(%dma_start3A_135 : memref<128xi32, #tpu.memory_space<hbm>>) target(%dma_start3A_134 : memref<128xi32, #tpu.memory_space<vmem>>) target_semaphore(%run_scoped3A_127 : memref<!tpu.dma_semaphore, #tpu.memory_space<semaphore_mem>>)
      %dma_wait3A_136 = arith.constant 0 : i32
      %dma_wait3A_137 = tpu.memref_slice %arg7[%run_scoped3A_33, %dma_wait3A_136] : memref<2x128xi32, #tpu.memory_space<vmem>> -> memref<1x128xi32, #tpu.memory_space<vmem>>
      %dma_wait3A_138 = tpu.memref_squeeze %dma_wait3A_137 : memref<1x128xi32, #tpu.memory_space<vmem>> -> memref<128xi32, #tpu.memory_space<vmem>>
      %dma_wait3A_139 = tpu.memref_slice %arg3[%min3A_32] : memref<323584xi32, #tpu.memory_space<hbm>> -> memref<128xi32, #tpu.memory_space<hbm>>
      %dma_wait3A_140 = arith.constant 0 : i32
      %dma_wait3A_141 = tpu.memref_slice %arg7[%run_scoped3A_33, %dma_wait3A_140] : memref<2x128xi32, #tpu.memory_space<vmem>> -> memref<1x128xi32, #tpu.memory_space<vmem>>
      %dma_wait3A_142 = tpu.memref_squeeze %dma_wait3A_141 : memref<1x128xi32, #tpu.memory_space<vmem>> -> memref<128xi32, #tpu.memory_space<vmem>>
      %dma_wait3A_143 = tpu.memref_slice %arg3[%min3A_32] : memref<323584xi32, #tpu.memory_space<hbm>> -> memref<128xi32, #tpu.memory_space<hbm>>
      tpu.wait_dma2 semaphore(%run_scoped3A_127 : memref<!tpu.dma_semaphore, #tpu.memory_space<semaphore_mem>>) src(%dma_wait3A_143 : memref<128xi32, #tpu.memory_space<hbm>>) dst(%dma_wait3A_142 : memref<128xi32, #tpu.memory_space<vmem>>)
      tpu.yield
    }) : () -> ()
    %run_scoped3A_34 = arith.constant 0 : i32
    "tpu.region"() ({
      %run_scoped3A_127 = tpu.sem_alloc : memref<!tpu.dma_semaphore, #tpu.memory_space<semaphore_mem>>
      %dma_start3A_128 = arith.constant 0 : i32
      %dma_start3A_129 = tpu.memref_slice %arg8[%run_scoped3A_34, %dma_start3A_128] : memref<2x128xi32, #tpu.memory_space<vmem>> -> memref<1x128xi32, #tpu.memory_space<vmem>>
      %dma_start3A_130 = tpu.memref_squeeze %dma_start3A_129 : memref<1x128xi32, #tpu.memory_space<vmem>> -> memref<128xi32, #tpu.memory_space<vmem>>
      %dma_start3A_131 = tpu.memref_slice %arg4[%min3A_32] : memref<323584xi32, #tpu.memory_space<hbm>> -> memref<128xi32, #tpu.memory_space<hbm>>
      %dma_start3A_132 = arith.constant 0 : i32
      %dma_start3A_133 = tpu.memref_slice %arg8[%run_scoped3A_34, %dma_start3A_132] : memref<2x128xi32, #tpu.memory_space<vmem>> -> memref<1x128xi32, #tpu.memory_space<vmem>>
      %dma_start3A_134 = tpu.memref_squeeze %dma_start3A_133 : memref<1x128xi32, #tpu.memory_space<vmem>> -> memref<128xi32, #tpu.memory_space<vmem>>
      %dma_start3A_135 = tpu.memref_slice %arg4[%min3A_32] : memref<323584xi32, #tpu.memory_space<hbm>> -> memref<128xi32, #tpu.memory_space<hbm>>
      tpu.enqueue_dma source(%dma_start3A_135 : memref<128xi32, #tpu.memory_space<hbm>>) target(%dma_start3A_134 : memref<128xi32, #tpu.memory_space<vmem>>) target_semaphore(%run_scoped3A_127 : memref<!tpu.dma_semaphore, #tpu.memory_space<semaphore_mem>>)
      %dma_wait3A_136 = arith.constant 0 : i32
      %dma_wait3A_137 = tpu.memref_slice %arg8[%run_scoped3A_34, %dma_wait3A_136] : memref<2x128xi32, #tpu.memory_space<vmem>> -> memref<1x128xi32, #tpu.memory_space<vmem>>
      %dma_wait3A_138 = tpu.memref_squeeze %dma_wait3A_137 : memref<1x128xi32, #tpu.memory_space<vmem>> -> memref<128xi32, #tpu.memory_space<vmem>>
      %dma_wait3A_139 = tpu.memref_slice %arg4[%min3A_32] : memref<323584xi32, #tpu.memory_space<hbm>> -> memref<128xi32, #tpu.memory_space<hbm>>
      %dma_wait3A_140 = arith.constant 0 : i32
      %dma_wait3A_141 = tpu.memref_slice %arg8[%run_scoped3A_34, %dma_wait3A_140] : memref<2x128xi32, #tpu.memory_space<vmem>> -> memref<1x128xi32, #tpu.memory_space<vmem>>
      %dma_wait3A_142 = tpu.memref_squeeze %dma_wait3A_141 : memref<1x128xi32, #tpu.memory_space<vmem>> -> memref<128xi32, #tpu.memory_space<vmem>>
      %dma_wait3A_143 = tpu.memref_slice %arg4[%min3A_32] : memref<323584xi32, #tpu.memory_space<hbm>> -> memref<128xi32, #tpu.memory_space<hbm>>
      tpu.wait_dma2 semaphore(%run_scoped3A_127 : memref<!tpu.dma_semaphore, #tpu.memory_space<semaphore_mem>>) src(%dma_wait3A_143 : memref<128xi32, #tpu.memory_space<hbm>>) dst(%dma_wait3A_142 : memref<128xi32, #tpu.memory_space<vmem>>)
      tpu.yield
    }) : () -> ()
    %dma_start3A = arith.constant 0 : i32
    %dma_start3A_35 = arith.constant 0 : i32
    %dma_start3A_36 = arith.constant 0 : i32
    %dma_start3A_37 = arith.constant 0 : i32
    %dma_start3A_38 = tpu.memref_slice %arg9[%dma_start3A_35, %dma_start3A_36, %dma_start3A_37] : memref<2x128x128xf32, #tpu.memory_space<vmem>> -> memref<1x128x128xf32, #tpu.memory_space<vmem>>
    %dma_start3A_39 = tpu.memref_squeeze %dma_start3A_38 : memref<1x128x128xf32, #tpu.memory_space<vmem>> -> memref<128x128xf32, #tpu.memory_space<vmem>>
    %dma_start3A_40 = arith.constant 0 : i32
    %dma_start3A_41 = tpu.memref_slice %arg7[%dma_start3A, %dma_start3A_40] : memref<2x128xi32, #tpu.memory_space<vmem>> -> memref<1x128xi32, #tpu.memory_space<vmem>>
    %dma_start3A_42 = tpu.memref_squeeze %dma_start3A_41 : memref<1x128xi32, #tpu.memory_space<vmem>> -> memref<128xi32, #tpu.memory_space<vmem>>
    %dma_start3A_43 = arith.constant 0 : i32
    %dma_start3A_44 = arith.constant 0 : i32
    %dma_start3A_45 = tpu.memref_slice %arg2[%dma_start3A_43, %dma_start3A_44] : memref<10240x128xf32, #tpu.memory_space<hbm>> -> memref<10240x128xf32, #tpu.memory_space<hbm>>
    tpu.enqueue_indirect_dma source(%dma_start3A_45 : memref<10240x128xf32, #tpu.memory_space<hbm>>) target(%dma_start3A_39 : memref<128x128xf32, #tpu.memory_space<vmem>>) offsets(%dma_start3A_42 : memref<128xi32, #tpu.memory_space<vmem>>) semaphore(%arg10 : memref<!tpu.dma_semaphore, #tpu.memory_space<semaphore_mem>>)
    %scan3A = arith.constant 0 : i32
    %scan3A_46 = arith.constant 39 : i32
    %scan3A_47 = arith.addi %scan3A, %scan3A_46 : i32
    %scan3A_48 = arith.constant 1 : i32
    scf.for %scan3A_127 = %scan3A to %scan3A_47 step %scan3A_48  : i32 {
      %mul3A_128 = arith.constant 1 : i32
      %mul3A_129 = arith.muli %scan3A_127, %mul3A_128 : i32
      %add3A_130 = arith.constant 0 : i32
      %add3A_131 = arith.addi %add3A_130, %mul3A_129 : i32
      %mul3A_132 = arith.constant 2 : i32
      %mul3A_133 = arith.muli %mul3A_132, %add3A_131 : i32
      %add3A_134 = arith.constant 0 : i32
      %add3A_135 = arith.addi %mul3A_133, %add3A_134 : i32
      %add3A_136 = arith.constant 1 : i32
      %add3A_137 = arith.addi %add3A_135, %add3A_136 : i32
      %mul3A_138 = arith.constant 128 : i32
      %mul3A_139 = arith.muli %add3A_137, %mul3A_138 : i32
      %add3A_140 = arith.addi %mul3A_29, %mul3A_139 : i32
      %min3A_141 = arith.constant 323456 : i32
      %min3A_142 = arith.minsi %add3A_140, %min3A_141 : i32
      %run_scoped3A_143 = arith.constant 1 : i32
      "tpu.region"() ({
        %run_scoped3A_210 = tpu.sem_alloc : memref<!tpu.dma_semaphore, #tpu.memory_space<semaphore_mem>>
        %dma_start3A_211 = arith.constant 0 : i32
        %dma_start3A_212 = tpu.memref_slice %arg7[%run_scoped3A_143, %dma_start3A_211] : memref<2x128xi32, #tpu.memory_space<vmem>> -> memref<1x128xi32, #tpu.memory_space<vmem>>
        %dma_start3A_213 = tpu.memref_squeeze %dma_start3A_212 : memref<1x128xi32, #tpu.memory_space<vmem>> -> memref<128xi32, #tpu.memory_space<vmem>>
        %dma_start3A_214 = tpu.memref_slice %arg3[%min3A_142] : memref<323584xi32, #tpu.memory_space<hbm>> -> memref<128xi32, #tpu.memory_space<hbm>>
        %dma_start3A_215 = arith.constant 0 : i32
        %dma_start3A_216 = tpu.memref_slice %arg7[%run_scoped3A_143, %dma_start3A_215] : memref<2x128xi32, #tpu.memory_space<vmem>> -> memref<1x128xi32, #tpu.memory_space<vmem>>
        %dma_start3A_217 = tpu.memref_squeeze %dma_start3A_216 : memref<1x128xi32, #tpu.memory_space<vmem>> -> memref<128xi32, #tpu.memory_space<vmem>>
        %dma_start3A_218 = tpu.memref_slice %arg3[%min3A_142] : memref<323584xi32, #tpu.memory_space<hbm>> -> memref<128xi32, #tpu.memory_space<hbm>>
        tpu.enqueue_dma source(%dma_start3A_218 : memref<128xi32, #tpu.memory_space<hbm>>) target(%dma_start3A_217 : memref<128xi32, #tpu.memory_space<vmem>>) target_semaphore(%run_scoped3A_210 : memref<!tpu.dma_semaphore, #tpu.memory_space<semaphore_mem>>)
        %dma_wait3A_219 = arith.constant 0 : i32
        %dma_wait3A_220 = tpu.memref_slice %arg7[%run_scoped3A_143, %dma_wait3A_219] : memref<2x128xi32, #tpu.memory_space<vmem>> -> memref<1x128xi32, #tpu.memory_space<vmem>>
        %dma_wait3A_221 = tpu.memref_squeeze %dma_wait3A_220 : memref<1x128xi32, #tpu.memory_space<vmem>> -> memref<128xi32, #tpu.memory_space<vmem>>
        %dma_wait3A_222 = tpu.memref_slice %arg3[%min3A_142] : memref<323584xi32, #tpu.memory_space<hbm>> -> memref<128xi32, #tpu.memory_space<hbm>>
        %dma_wait3A_223 = arith.constant 0 : i32
        %dma_wait3A_224 = tpu.memref_slice %arg7[%run_scoped3A_143, %dma_wait3A_223] : memref<2x128xi32, #tpu.memory_space<vmem>> -> memref<1x128xi32, #tpu.memory_space<vmem>>
        %dma_wait3A_225 = tpu.memref_squeeze %dma_wait3A_224 : memref<1x128xi32, #tpu.memory_space<vmem>> -> memref<128xi32, #tpu.memory_space<vmem>>
        %dma_wait3A_226 = tpu.memref_slice %arg3[%min3A_142] : memref<323584xi32, #tpu.memory_space<hbm>> -> memref<128xi32, #tpu.memory_space<hbm>>
        tpu.wait_dma2 semaphore(%run_scoped3A_210 : memref<!tpu.dma_semaphore, #tpu.memory_space<semaphore_mem>>) src(%dma_wait3A_226 : memref<128xi32, #tpu.memory_space<hbm>>) dst(%dma_wait3A_225 : memref<128xi32, #tpu.memory_space<vmem>>)
        tpu.yield
      }) : () -> ()
      %run_scoped3A_144 = arith.constant 1 : i32
      "tpu.region"() ({
        %run_scoped3A_210 = tpu.sem_alloc : memref<!tpu.dma_semaphore, #tpu.memory_space<semaphore_mem>>
        %dma_start3A_211 = arith.constant 0 : i32
        %dma_start3A_212 = tpu.memref_slice %arg8[%run_scoped3A_144, %dma_start3A_211] : memref<2x128xi32, #tpu.memory_space<vmem>> -> memref<1x128xi32, #tpu.memory_space<vmem>>
        %dma_start3A_213 = tpu.memref_squeeze %dma_start3A_212 : memref<1x128xi32, #tpu.memory_space<vmem>> -> memref<128xi32, #tpu.memory_space<vmem>>
        %dma_start3A_214 = tpu.memref_slice %arg4[%min3A_142] : memref<323584xi32, #tpu.memory_space<hbm>> -> memref<128xi32, #tpu.memory_space<hbm>>
        %dma_start3A_215 = arith.constant 0 : i32
        %dma_start3A_216 = tpu.memref_slice %arg8[%run_scoped3A_144, %dma_start3A_215] : memref<2x128xi32, #tpu.memory_space<vmem>> -> memref<1x128xi32, #tpu.memory_space<vmem>>
        %dma_start3A_217 = tpu.memref_squeeze %dma_start3A_216 : memref<1x128xi32, #tpu.memory_space<vmem>> -> memref<128xi32, #tpu.memory_space<vmem>>
        %dma_start3A_218 = tpu.memref_slice %arg4[%min3A_142] : memref<323584xi32, #tpu.memory_space<hbm>> -> memref<128xi32, #tpu.memory_space<hbm>>
        tpu.enqueue_dma source(%dma_start3A_218 : memref<128xi32, #tpu.memory_space<hbm>>) target(%dma_start3A_217 : memref<128xi32, #tpu.memory_space<vmem>>) target_semaphore(%run_scoped3A_210 : memref<!tpu.dma_semaphore, #tpu.memory_space<semaphore_mem>>)
        %dma_wait3A_219 = arith.constant 0 : i32
        %dma_wait3A_220 = tpu.memref_slice %arg8[%run_scoped3A_144, %dma_wait3A_219] : memref<2x128xi32, #tpu.memory_space<vmem>> -> memref<1x128xi32, #tpu.memory_space<vmem>>
        %dma_wait3A_221 = tpu.memref_squeeze %dma_wait3A_220 : memref<1x128xi32, #tpu.memory_space<vmem>> -> memref<128xi32, #tpu.memory_space<vmem>>
        %dma_wait3A_222 = tpu.memref_slice %arg4[%min3A_142] : memref<323584xi32, #tpu.memory_space<hbm>> -> memref<128xi32, #tpu.memory_space<hbm>>
        %dma_wait3A_223 = arith.constant 0 : i32
        %dma_wait3A_224 = tpu.memref_slice %arg8[%run_scoped3A_144, %dma_wait3A_223] : memref<2x128xi32, #tpu.memory_space<vmem>> -> memref<1x128xi32, #tpu.memory_space<vmem>>
        %dma_wait3A_225 = tpu.memref_squeeze %dma_wait3A_224 : memref<1x128xi32, #tpu.memory_space<vmem>> -> memref<128xi32, #tpu.memory_space<vmem>>
        %dma_wait3A_226 = tpu.memref_slice %arg4[%min3A_142] : memref<323584xi32, #tpu.memory_space<hbm>> -> memref<128xi32, #tpu.memory_space<hbm>>
        tpu.wait_dma2 semaphore(%run_scoped3A_210 : memref<!tpu.dma_semaphore, #tpu.memory_space<semaphore_mem>>) src(%dma_wait3A_226 : memref<128xi32, #tpu.memory_space<hbm>>) dst(%dma_wait3A_225 : memref<128xi32, #tpu.memory_space<vmem>>)
        tpu.yield
      }) : () -> ()
      %dma_start3A_145 = arith.constant 1 : i32
      %dma_start3A_146 = arith.constant 1 : i32
      %dma_start3A_147 = arith.constant 0 : i32
      %dma_start3A_148 = arith.constant 0 : i32
      %dma_start3A_149 = tpu.memref_slice %arg9[%dma_start3A_146, %dma_start3A_147, %dma_start3A_148] : memref<2x128x128xf32, #tpu.memory_space<vmem>> -> memref<1x128x128xf32, #tpu.memory_space<vmem>>
      %dma_start3A_150 = tpu.memref_squeeze %dma_start3A_149 : memref<1x128x128xf32, #tpu.memory_space<vmem>> -> memref<128x128xf32, #tpu.memory_space<vmem>>
      %dma_start3A_151 = arith.constant 0 : i32
      %dma_start3A_152 = tpu.memref_slice %arg7[%dma_start3A_145, %dma_start3A_151] : memref<2x128xi32, #tpu.memory_space<vmem>> -> memref<1x128xi32, #tpu.memory_space<vmem>>
      %dma_start3A_153 = tpu.memref_squeeze %dma_start3A_152 : memref<1x128xi32, #tpu.memory_space<vmem>> -> memref<128xi32, #tpu.memory_space<vmem>>
      %dma_start3A_154 = arith.constant 0 : i32
      %dma_start3A_155 = arith.constant 0 : i32
      %dma_start3A_156 = tpu.memref_slice %arg2[%dma_start3A_154, %dma_start3A_155] : memref<10240x128xf32, #tpu.memory_space<hbm>> -> memref<10240x128xf32, #tpu.memory_space<hbm>>
      tpu.enqueue_indirect_dma source(%dma_start3A_156 : memref<10240x128xf32, #tpu.memory_space<hbm>>) target(%dma_start3A_150 : memref<128x128xf32, #tpu.memory_space<vmem>>) offsets(%dma_start3A_153 : memref<128xi32, #tpu.memory_space<vmem>>) semaphore(%arg11 : memref<!tpu.dma_semaphore, #tpu.memory_space<semaphore_mem>>)
      %dma_wait3A_157 = arith.constant 0 : i32
      %dma_wait3A_158 = arith.constant 0 : i32
      %dma_wait3A_159 = arith.constant 0 : i32
      %dma_wait3A_160 = arith.constant 0 : i32
      %dma_wait3A_161 = tpu.memref_slice %arg9[%dma_wait3A_158, %dma_wait3A_159, %dma_wait3A_160] : memref<2x128x128xf32, #tpu.memory_space<vmem>> -> memref<1x128x128xf32, #tpu.memory_space<vmem>>
      %dma_wait3A_162 = tpu.memref_squeeze %dma_wait3A_161 : memref<1x128x128xf32, #tpu.memory_space<vmem>> -> memref<128x128xf32, #tpu.memory_space<vmem>>
      %dma_wait3A_163 = arith.constant 0 : i32
      %dma_wait3A_164 = tpu.memref_slice %arg7[%dma_wait3A_157, %dma_wait3A_163] : memref<2x128xi32, #tpu.memory_space<vmem>> -> memref<1x128xi32, #tpu.memory_space<vmem>>
      %dma_wait3A_165 = tpu.memref_squeeze %dma_wait3A_164 : memref<1x128xi32, #tpu.memory_space<vmem>> -> memref<128xi32, #tpu.memory_space<vmem>>
      %dma_wait3A_166 = arith.constant 0 : i32
      %dma_wait3A_167 = arith.constant 0 : i32
      %dma_wait3A_168 = tpu.memref_slice %arg2[%dma_wait3A_166, %dma_wait3A_167] : memref<10240x128xf32, #tpu.memory_space<hbm>> -> memref<10240x128xf32, #tpu.memory_space<hbm>>
      tpu.wait_indirect_dma semaphore(%arg10 : memref<!tpu.dma_semaphore, #tpu.memory_space<semaphore_mem>>) src(%dma_wait3A_168 : memref<10240x128xf32, #tpu.memory_space<hbm>>) dst(%dma_wait3A_162 : memref<128x128xf32, #tpu.memory_space<vmem>>)
      %run_scoped3A_169 = arith.constant 0 : i32
      %run_scoped3A_170 = arith.constant 0 : i32
      "tpu.region"() ({
        %run_scoped3A_210 = tpu.sem_alloc : memref<!tpu.dma_semaphore, #tpu.memory_space<semaphore_mem>>
        %dma_start3A_211 = arith.constant 0 : i32
        %dma_start3A_212 = arith.constant 0 : i32
        %dma_start3A_213 = tpu.memref_slice %arg9[%run_scoped3A_169, %dma_start3A_211, %dma_start3A_212] : memref<2x128x128xf32, #tpu.memory_space<vmem>> -> memref<1x128x128xf32, #tpu.memory_space<vmem>>
        %dma_start3A_214 = tpu.memref_squeeze %dma_start3A_213 : memref<1x128x128xf32, #tpu.memory_space<vmem>> -> memref<128x128xf32, #tpu.memory_space<vmem>>
        %dma_start3A_215 = arith.constant 0 : i32
        %dma_start3A_216 = tpu.memref_slice %arg8[%run_scoped3A_170, %dma_start3A_215] : memref<2x128xi32, #tpu.memory_space<vmem>> -> memref<1x128xi32, #tpu.memory_space<vmem>>
        %dma_start3A_217 = tpu.memref_squeeze %dma_start3A_216 : memref<1x128xi32, #tpu.memory_space<vmem>> -> memref<128xi32, #tpu.memory_space<vmem>>
        %dma_start3A_218 = arith.constant 0 : i32
        %dma_start3A_219 = arith.constant 0 : i32
        %dma_start3A_220 = tpu.memref_slice %arg12[%dma_start3A_218, %dma_start3A_219] : memref<10112x128xf32, #tpu.memory_space<vmem_shared>> -> memref<10112x128xf32, #tpu.memory_space<vmem_shared>>
        tpu.enqueue_indirect_dma source(%dma_start3A_214 : memref<128x128xf32, #tpu.memory_space<vmem>>) target(%dma_start3A_220 : memref<10112x128xf32, #tpu.memory_space<vmem_shared>>) offsets(%dma_start3A_217 : memref<128xi32, #tpu.memory_space<vmem>>) semaphore(%run_scoped3A_210 : memref<!tpu.dma_semaphore, #tpu.memory_space<semaphore_mem>>) {add = true}
        %dma_wait3A_221 = arith.constant 0 : i32
        %dma_wait3A_222 = arith.constant 0 : i32
        %dma_wait3A_223 = tpu.memref_slice %arg9[%run_scoped3A_169, %dma_wait3A_221, %dma_wait3A_222] : memref<2x128x128xf32, #tpu.memory_space<vmem>> -> memref<1x128x128xf32, #tpu.memory_space<vmem>>
        %dma_wait3A_224 = tpu.memref_squeeze %dma_wait3A_223 : memref<1x128x128xf32, #tpu.memory_space<vmem>> -> memref<128x128xf32, #tpu.memory_space<vmem>>
        %dma_wait3A_225 = arith.constant 0 : i32
        %dma_wait3A_226 = tpu.memref_slice %arg8[%run_scoped3A_170, %dma_wait3A_225] : memref<2x128xi32, #tpu.memory_space<vmem>> -> memref<1x128xi32, #tpu.memory_space<vmem>>
        %dma_wait3A_227 = tpu.memref_squeeze %dma_wait3A_226 : memref<1x128xi32, #tpu.memory_space<vmem>> -> memref<128xi32, #tpu.memory_space<vmem>>
        %dma_wait3A_228 = arith.constant 0 : i32
        %dma_wait3A_229 = arith.constant 0 : i32
        %dma_wait3A_230 = tpu.memref_slice %arg12[%dma_wait3A_228, %dma_wait3A_229] : memref<10112x128xf32, #tpu.memory_space<vmem_shared>> -> memref<10112x128xf32, #tpu.memory_space<vmem_shared>>
        tpu.wait_indirect_dma semaphore(%run_scoped3A_210 : memref<!tpu.dma_semaphore, #tpu.memory_space<semaphore_mem>>) src(%dma_wait3A_224 : memref<128x128xf32, #tpu.memory_space<vmem>>) dst(%dma_wait3A_230 : memref<10112x128xf32, #tpu.memory_space<vmem_shared>>)
        tpu.yield
      }) : () -> ()
      %mul3A_171 = arith.constant 2 : i32
      %mul3A_172 = arith.muli %mul3A_171, %add3A_131 : i32
      %add3A_173 = arith.constant 1 : i32
      %add3A_174 = arith.addi %mul3A_172, %add3A_173 : i32
      %add3A_175 = arith.constant 1 : i32
      %add3A_176 = arith.addi %add3A_174, %add3A_175 : i32
      %mul3A_177 = arith.constant 128 : i32
      %mul3A_178 = arith.muli %add3A_176, %mul3A_177 : i32
      %add3A_179 = arith.addi %mul3A_29, %mul3A_178 : i32
      %min3A_180 = arith.constant 323456 : i32
      %min3A_181 = arith.minsi %add3A_179, %min3A_180 : i32
      %run_scoped3A_182 = arith.constant 0 : i32
      "tpu.region"() ({
        %run_scoped3A_210 = tpu.sem_alloc : memref<!tpu.dma_semaphore, #tpu.memory_space<semaphore_mem>>
        %dma_start3A_211 = arith.constant 0 : i32
        %dma_start3A_212 = tpu.memref_slice %arg7[%run_scoped3A_182, %dma_start3A_211] : memref<2x128xi32, #tpu.memory_space<vmem>> -> memref<1x128xi32, #tpu.memory_space<vmem>>
        %dma_start3A_213 = tpu.memref_squeeze %dma_start3A_212 : memref<1x128xi32, #tpu.memory_space<vmem>> -> memref<128xi32, #tpu.memory_space<vmem>>
        %dma_start3A_214 = tpu.memref_slice %arg3[%min3A_181] : memref<323584xi32, #tpu.memory_space<hbm>> -> memref<128xi32, #tpu.memory_space<hbm>>
        %dma_start3A_215 = arith.constant 0 : i32
        %dma_start3A_216 = tpu.memref_slice %arg7[%run_scoped3A_182, %dma_start3A_215] : memref<2x128xi32, #tpu.memory_space<vmem>> -> memref<1x128xi32, #tpu.memory_space<vmem>>
        %dma_start3A_217 = tpu.memref_squeeze %dma_start3A_216 : memref<1x128xi32, #tpu.memory_space<vmem>> -> memref<128xi32, #tpu.memory_space<vmem>>
        %dma_start3A_218 = tpu.memref_slice %arg3[%min3A_181] : memref<323584xi32, #tpu.memory_space<hbm>> -> memref<128xi32, #tpu.memory_space<hbm>>
        tpu.enqueue_dma source(%dma_start3A_218 : memref<128xi32, #tpu.memory_space<hbm>>) target(%dma_start3A_217 : memref<128xi32, #tpu.memory_space<vmem>>) target_semaphore(%run_scoped3A_210 : memref<!tpu.dma_semaphore, #tpu.memory_space<semaphore_mem>>)
        %dma_wait3A_219 = arith.constant 0 : i32
        %dma_wait3A_220 = tpu.memref_slice %arg7[%run_scoped3A_182, %dma_wait3A_219] : memref<2x128xi32, #tpu.memory_space<vmem>> -> memref<1x128xi32, #tpu.memory_space<vmem>>
        %dma_wait3A_221 = tpu.memref_squeeze %dma_wait3A_220 : memref<1x128xi32, #tpu.memory_space<vmem>> -> memref<128xi32, #tpu.memory_space<vmem>>
        %dma_wait3A_222 = tpu.memref_slice %arg3[%min3A_181] : memref<323584xi32, #tpu.memory_space<hbm>> -> memref<128xi32, #tpu.memory_space<hbm>>
        %dma_wait3A_223 = arith.constant 0 : i32
        %dma_wait3A_224 = tpu.memref_slice %arg7[%run_scoped3A_182, %dma_wait3A_223] : memref<2x128xi32, #tpu.memory_space<vmem>> -> memref<1x128xi32, #tpu.memory_space<vmem>>
        %dma_wait3A_225 = tpu.memref_squeeze %dma_wait3A_224 : memref<1x128xi32, #tpu.memory_space<vmem>> -> memref<128xi32, #tpu.memory_space<vmem>>
        %dma_wait3A_226 = tpu.memref_slice %arg3[%min3A_181] : memref<323584xi32, #tpu.memory_space<hbm>> -> memref<128xi32, #tpu.memory_space<hbm>>
        tpu.wait_dma2 semaphore(%run_scoped3A_210 : memref<!tpu.dma_semaphore, #tpu.memory_space<semaphore_mem>>) src(%dma_wait3A_226 : memref<128xi32, #tpu.memory_space<hbm>>) dst(%dma_wait3A_225 : memref<128xi32, #tpu.memory_space<vmem>>)
        tpu.yield
      }) : () -> ()
      %run_scoped3A_183 = arith.constant 0 : i32
      "tpu.region"() ({
        %run_scoped3A_210 = tpu.sem_alloc : memref<!tpu.dma_semaphore, #tpu.memory_space<semaphore_mem>>
        %dma_start3A_211 = arith.constant 0 : i32
        %dma_start3A_212 = tpu.memref_slice %arg8[%run_scoped3A_183, %dma_start3A_211] : memref<2x128xi32, #tpu.memory_space<vmem>> -> memref<1x128xi32, #tpu.memory_space<vmem>>
        %dma_start3A_213 = tpu.memref_squeeze %dma_start3A_212 : memref<1x128xi32, #tpu.memory_space<vmem>> -> memref<128xi32, #tpu.memory_space<vmem>>
        %dma_start3A_214 = tpu.memref_slice %arg4[%min3A_181] : memref<323584xi32, #tpu.memory_space<hbm>> -> memref<128xi32, #tpu.memory_space<hbm>>
        %dma_start3A_215 = arith.constant 0 : i32
        %dma_start3A_216 = tpu.memref_slice %arg8[%run_scoped3A_183, %dma_start3A_215] : memref<2x128xi32, #tpu.memory_space<vmem>> -> memref<1x128xi32, #tpu.memory_space<vmem>>
        %dma_start3A_217 = tpu.memref_squeeze %dma_start3A_216 : memref<1x128xi32, #tpu.memory_space<vmem>> -> memref<128xi32, #tpu.memory_space<vmem>>
        %dma_start3A_218 = tpu.memref_slice %arg4[%min3A_181] : memref<323584xi32, #tpu.memory_space<hbm>> -> memref<128xi32, #tpu.memory_space<hbm>>
        tpu.enqueue_dma source(%dma_start3A_218 : memref<128xi32, #tpu.memory_space<hbm>>) target(%dma_start3A_217 : memref<128xi32, #tpu.memory_space<vmem>>) target_semaphore(%run_scoped3A_210 : memref<!tpu.dma_semaphore, #tpu.memory_space<semaphore_mem>>)
        %dma_wait3A_219 = arith.constant 0 : i32
        %dma_wait3A_220 = tpu.memref_slice %arg8[%run_scoped3A_183, %dma_wait3A_219] : memref<2x128xi32, #tpu.memory_space<vmem>> -> memref<1x128xi32, #tpu.memory_space<vmem>>
        %dma_wait3A_221 = tpu.memref_squeeze %dma_wait3A_220 : memref<1x128xi32, #tpu.memory_space<vmem>> -> memref<128xi32, #tpu.memory_space<vmem>>
        %dma_wait3A_222 = tpu.memref_slice %arg4[%min3A_181] : memref<323584xi32, #tpu.memory_space<hbm>> -> memref<128xi32, #tpu.memory_space<hbm>>
        %dma_wait3A_223 = arith.constant 0 : i32
        %dma_wait3A_224 = tpu.memref_slice %arg8[%run_scoped3A_183, %dma_wait3A_223] : memref<2x128xi32, #tpu.memory_space<vmem>> -> memref<1x128xi32, #tpu.memory_space<vmem>>
        %dma_wait3A_225 = tpu.memref_squeeze %dma_wait3A_224 : memref<1x128xi32, #tpu.memory_space<vmem>> -> memref<128xi32, #tpu.memory_space<vmem>>
        %dma_wait3A_226 = tpu.memref_slice %arg4[%min3A_181] : memref<323584xi32, #tpu.memory_space<hbm>> -> memref<128xi32, #tpu.memory_space<hbm>>
        tpu.wait_dma2 semaphore(%run_scoped3A_210 : memref<!tpu.dma_semaphore, #tpu.memory_space<semaphore_mem>>) src(%dma_wait3A_226 : memref<128xi32, #tpu.memory_space<hbm>>) dst(%dma_wait3A_225 : memref<128xi32, #tpu.memory_space<vmem>>)
        tpu.yield
      }) : () -> ()
      %dma_start3A_184 = arith.constant 0 : i32
      %dma_start3A_185 = arith.constant 0 : i32
      %dma_start3A_186 = arith.constant 0 : i32
      %dma_start3A_187 = arith.constant 0 : i32
      %dma_start3A_188 = tpu.memref_slice %arg9[%dma_start3A_185, %dma_start3A_186, %dma_start3A_187] : memref<2x128x128xf32, #tpu.memory_space<vmem>> -> memref<1x128x128xf32, #tpu.memory_space<vmem>>
      %dma_start3A_189 = tpu.memref_squeeze %dma_start3A_188 : memref<1x128x128xf32, #tpu.memory_space<vmem>> -> memref<128x128xf32, #tpu.memory_space<vmem>>
      %dma_start3A_190 = arith.constant 0 : i32
      %dma_start3A_191 = tpu.memref_slice %arg7[%dma_start3A_184, %dma_start3A_190] : memref<2x128xi32, #tpu.memory_space<vmem>> -> memref<1x128xi32, #tpu.memory_space<vmem>>
      %dma_start3A_192 = tpu.memref_squeeze %dma_start3A_191 : memref<1x128xi32, #tpu.memory_space<vmem>> -> memref<128xi32, #tpu.memory_space<vmem>>
      %dma_start3A_193 = arith.constant 0 : i32
      %dma_start3A_194 = arith.constant 0 : i32
      %dma_start3A_195 = tpu.memref_slice %arg2[%dma_start3A_193, %dma_start3A_194] : memref<10240x128xf32, #tpu.memory_space<hbm>> -> memref<10240x128xf32, #tpu.memory_space<hbm>>
      tpu.enqueue_indirect_dma source(%dma_start3A_195 : memref<10240x128xf32, #tpu.memory_space<hbm>>) target(%dma_start3A_189 : memref<128x128xf32, #tpu.memory_space<vmem>>) offsets(%dma_start3A_192 : memref<128xi32, #tpu.memory_space<vmem>>) semaphore(%arg10 : memref<!tpu.dma_semaphore, #tpu.memory_space<semaphore_mem>>)
      %dma_wait3A_196 = arith.constant 1 : i32
      %dma_wait3A_197 = arith.constant 1 : i32
      %dma_wait3A_198 = arith.constant 0 : i32
      %dma_wait3A_199 = arith.constant 0 : i32
      %dma_wait3A_200 = tpu.memref_slice %arg9[%dma_wait3A_197, %dma_wait3A_198, %dma_wait3A_199] : memref<2x128x128xf32, #tpu.memory_space<vmem>> -> memref<1x128x128xf32, #tpu.memory_space<vmem>>
      %dma_wait3A_201 = tpu.memref_squeeze %dma_wait3A_200 : memref<1x128x128xf32, #tpu.memory_space<vmem>> -> memref<128x128xf32, #tpu.memory_space<vmem>>
      %dma_wait3A_202 = arith.constant 0 : i32
      %dma_wait3A_203 = tpu.memref_slice %arg7[%dma_wait3A_196, %dma_wait3A_202] : memref<2x128xi32, #tpu.memory_space<vmem>> -> memref<1x128xi32, #tpu.memory_space<vmem>>
      %dma_wait3A_204 = tpu.memref_squeeze %dma_wait3A_203 : memref<1x128xi32, #tpu.memory_space<vmem>> -> memref<128xi32, #tpu.memory_space<vmem>>
      %dma_wait3A_205 = arith.constant 0 : i32
      %dma_wait3A_206 = arith.constant 0 : i32
      %dma_wait3A_207 = tpu.memref_slice %arg2[%dma_wait3A_205, %dma_wait3A_206] : memref<10240x128xf32, #tpu.memory_space<hbm>> -> memref<10240x128xf32, #tpu.memory_space<hbm>>
      tpu.wait_indirect_dma semaphore(%arg11 : memref<!tpu.dma_semaphore, #tpu.memory_space<semaphore_mem>>) src(%dma_wait3A_207 : memref<10240x128xf32, #tpu.memory_space<hbm>>) dst(%dma_wait3A_201 : memref<128x128xf32, #tpu.memory_space<vmem>>)
      %run_scoped3A_208 = arith.constant 1 : i32
      %run_scoped3A_209 = arith.constant 1 : i32
      "tpu.region"() ({
        %run_scoped3A_210 = tpu.sem_alloc : memref<!tpu.dma_semaphore, #tpu.memory_space<semaphore_mem>>
        %dma_start3A_211 = arith.constant 0 : i32
        %dma_start3A_212 = arith.constant 0 : i32
        %dma_start3A_213 = tpu.memref_slice %arg9[%run_scoped3A_208, %dma_start3A_211, %dma_start3A_212] : memref<2x128x128xf32, #tpu.memory_space<vmem>> -> memref<1x128x128xf32, #tpu.memory_space<vmem>>
        %dma_start3A_214 = tpu.memref_squeeze %dma_start3A_213 : memref<1x128x128xf32, #tpu.memory_space<vmem>> -> memref<128x128xf32, #tpu.memory_space<vmem>>
        %dma_start3A_215 = arith.constant 0 : i32
        %dma_start3A_216 = tpu.memref_slice %arg8[%run_scoped3A_209, %dma_start3A_215] : memref<2x128xi32, #tpu.memory_space<vmem>> -> memref<1x128xi32, #tpu.memory_space<vmem>>
        %dma_start3A_217 = tpu.memref_squeeze %dma_start3A_216 : memref<1x128xi32, #tpu.memory_space<vmem>> -> memref<128xi32, #tpu.memory_space<vmem>>
        %dma_start3A_218 = arith.constant 0 : i32
        %dma_start3A_219 = arith.constant 0 : i32
        %dma_start3A_220 = tpu.memref_slice %arg12[%dma_start3A_218, %dma_start3A_219] : memref<10112x128xf32, #tpu.memory_space<vmem_shared>> -> memref<10112x128xf32, #tpu.memory_space<vmem_shared>>
        tpu.enqueue_indirect_dma source(%dma_start3A_214 : memref<128x128xf32, #tpu.memory_space<vmem>>) target(%dma_start3A_220 : memref<10112x128xf32, #tpu.memory_space<vmem_shared>>) offsets(%dma_start3A_217 : memref<128xi32, #tpu.memory_space<vmem>>) semaphore(%run_scoped3A_210 : memref<!tpu.dma_semaphore, #tpu.memory_space<semaphore_mem>>) {add = true}
        %dma_wait3A_221 = arith.constant 0 : i32
        %dma_wait3A_222 = arith.constant 0 : i32
        %dma_wait3A_223 = tpu.memref_slice %arg9[%run_scoped3A_208, %dma_wait3A_221, %dma_wait3A_222] : memref<2x128x128xf32, #tpu.memory_space<vmem>> -> memref<1x128x128xf32, #tpu.memory_space<vmem>>
        %dma_wait3A_224 = tpu.memref_squeeze %dma_wait3A_223 : memref<1x128x128xf32, #tpu.memory_space<vmem>> -> memref<128x128xf32, #tpu.memory_space<vmem>>
        %dma_wait3A_225 = arith.constant 0 : i32
        %dma_wait3A_226 = tpu.memref_slice %arg8[%run_scoped3A_209, %dma_wait3A_225] : memref<2x128xi32, #tpu.memory_space<vmem>> -> memref<1x128xi32, #tpu.memory_space<vmem>>
        %dma_wait3A_227 = tpu.memref_squeeze %dma_wait3A_226 : memref<1x128xi32, #tpu.memory_space<vmem>> -> memref<128xi32, #tpu.memory_space<vmem>>
        %dma_wait3A_228 = arith.constant 0 : i32
        %dma_wait3A_229 = arith.constant 0 : i32
        %dma_wait3A_230 = tpu.memref_slice %arg12[%dma_wait3A_228, %dma_wait3A_229] : memref<10112x128xf32, #tpu.memory_space<vmem_shared>> -> memref<10112x128xf32, #tpu.memory_space<vmem_shared>>
        tpu.wait_indirect_dma semaphore(%run_scoped3A_210 : memref<!tpu.dma_semaphore, #tpu.memory_space<semaphore_mem>>) src(%dma_wait3A_224 : memref<128x128xf32, #tpu.memory_space<vmem>>) dst(%dma_wait3A_230 : memref<10112x128xf32, #tpu.memory_space<vmem_shared>>)
        tpu.yield
      }) : () -> ()
    }
    %scan3A_49 = arith.constant 39 : i32
    %dma_wait3A = arith.constant 0 : i32
    %dma_wait3A_50 = arith.constant 0 : i32
    %dma_wait3A_51 = arith.constant 0 : i32
    %dma_wait3A_52 = arith.constant 0 : i32
    %dma_wait3A_53 = tpu.memref_slice %arg9[%dma_wait3A_50, %dma_wait3A_51, %dma_wait3A_52] : memref<2x128x128xf32, #tpu.memory_space<vmem>> -> memref<1x128x128xf32, #tpu.memory_space<vmem>>
    %dma_wait3A_54 = tpu.memref_squeeze %dma_wait3A_53 : memref<1x128x128xf32, #tpu.memory_space<vmem>> -> memref<128x128xf32, #tpu.memory_space<vmem>>
    %dma_wait3A_55 = arith.constant 0 : i32
    %dma_wait3A_56 = tpu.memref_slice %arg7[%dma_wait3A, %dma_wait3A_55] : memref<2x128xi32, #tpu.memory_space<vmem>> -> memref<1x128xi32, #tpu.memory_space<vmem>>
    %dma_wait3A_57 = tpu.memref_squeeze %dma_wait3A_56 : memref<1x128xi32, #tpu.memory_space<vmem>> -> memref<128xi32, #tpu.memory_space<vmem>>
    %dma_wait3A_58 = arith.constant 0 : i32
    %dma_wait3A_59 = arith.constant 0 : i32
    %dma_wait3A_60 = tpu.memref_slice %arg2[%dma_wait3A_58, %dma_wait3A_59] : memref<10240x128xf32, #tpu.memory_space<hbm>> -> memref<10240x128xf32, #tpu.memory_space<hbm>>
    tpu.wait_indirect_dma semaphore(%arg10 : memref<!tpu.dma_semaphore, #tpu.memory_space<semaphore_mem>>) src(%dma_wait3A_60 : memref<10240x128xf32, #tpu.memory_space<hbm>>) dst(%dma_wait3A_54 : memref<128x128xf32, #tpu.memory_space<vmem>>)
    %barrier3A_61 = arith.constant 0 : index
    tpu.barrier barrier_id(%barrier3A_61)
    %mul3A_62 = arith.constant 632 : i32
    %mul3A_63 = arith.muli %arg1, %mul3A_62 : i32
    %add3A_64 = arith.constant 0 : i32
    %add3A_65 = arith.addi %mul3A_63, %add3A_64 : i32
    %mul3A_66 = arith.constant 10112 : i32
    %mul3A_67 = arith.muli %arg0, %mul3A_66 : i32
    %mul3A_68 = arith.constant 632 : i32
    %mul3A_69 = arith.muli %arg1, %mul3A_68 : i32
    %add3A_70 = arith.addi %mul3A_67, %mul3A_69 : i32
    %add3A_71 = arith.constant 0 : i32
    %add3A_72 = arith.addi %add3A_70, %add3A_71 : i32
    %run_scoped3A_73 = arith.constant 0 : i32
    "tpu.region"() ({
      %run_scoped3A_127 = tpu.sem_alloc : memref<!tpu.dma_semaphore, #tpu.memory_space<semaphore_mem>>
      %dma_start3A_128 = arith.constant 0 : i32
      %dma_start3A_129 = arith.constant 0 : i32
      %dma_start3A_130 = tpu.memref_slice %arg9[%run_scoped3A_73, %dma_start3A_128, %dma_start3A_129] : memref<2x128x128xf32, #tpu.memory_space<vmem>> -> memref<1x128x128xf32, #tpu.memory_space<vmem>>
      %dma_start3A_131 = tpu.memref_squeeze %dma_start3A_130 : memref<1x128x128xf32, #tpu.memory_space<vmem>> -> memref<128x128xf32, #tpu.memory_space<vmem>>
      %dma_start3A_132 = arith.constant 0 : i32
      %dma_start3A_133 = arith.constant 0 : i32
      %dma_start3A_134 = tpu.memref_slice %dma_start3A_131[%dma_start3A_132, %dma_start3A_133] : memref<128x128xf32, #tpu.memory_space<vmem>> -> memref<128x128xf32, #tpu.memory_space<vmem>>
      %dma_start3A_135 = arith.constant 0 : i32
      %dma_start3A_136 = tpu.memref_slice %arg12[%add3A_65, %dma_start3A_135] : memref<10112x128xf32, #tpu.memory_space<vmem_shared>> -> memref<128x128xf32, #tpu.memory_space<vmem_shared>>
      %dma_start3A_137 = arith.constant 0 : i32
      %dma_start3A_138 = arith.constant 0 : i32
      %dma_start3A_139 = tpu.memref_slice %arg9[%run_scoped3A_73, %dma_start3A_137, %dma_start3A_138] : memref<2x128x128xf32, #tpu.memory_space<vmem>> -> memref<1x128x128xf32, #tpu.memory_space<vmem>>
      %dma_start3A_140 = tpu.memref_squeeze %dma_start3A_139 : memref<1x128x128xf32, #tpu.memory_space<vmem>> -> memref<128x128xf32, #tpu.memory_space<vmem>>
      %dma_start3A_141 = arith.constant 0 : i32
      %dma_start3A_142 = arith.constant 0 : i32
      %dma_start3A_143 = tpu.memref_slice %dma_start3A_140[%dma_start3A_141, %dma_start3A_142] : memref<128x128xf32, #tpu.memory_space<vmem>> -> memref<128x128xf32, #tpu.memory_space<vmem>>
      %dma_start3A_144 = arith.constant 0 : i32
      %dma_start3A_145 = tpu.memref_slice %arg12[%add3A_65, %dma_start3A_144] : memref<10112x128xf32, #tpu.memory_space<vmem_shared>> -> memref<128x128xf32, #tpu.memory_space<vmem_shared>>
      tpu.enqueue_dma source(%dma_start3A_145 : memref<128x128xf32, #tpu.memory_space<vmem_shared>>) target(%dma_start3A_143 : memref<128x128xf32, #tpu.memory_space<vmem>>) target_semaphore(%run_scoped3A_127 : memref<!tpu.dma_semaphore, #tpu.memory_space<semaphore_mem>>)
      %dma_wait3A_146 = arith.constant 0 : i32
      %dma_wait3A_147 = arith.constant 0 : i32
      %dma_wait3A_148 = tpu.memref_slice %arg9[%run_scoped3A_73, %dma_wait3A_146, %dma_wait3A_147] : memref<2x128x128xf32, #tpu.memory_space<vmem>> -> memref<1x128x128xf32, #tpu.memory_space<vmem>>
      %dma_wait3A_149 = tpu.memref_squeeze %dma_wait3A_148 : memref<1x128x128xf32, #tpu.memory_space<vmem>> -> memref<128x128xf32, #tpu.memory_space<vmem>>
      %dma_wait3A_150 = arith.constant 0 : i32
      %dma_wait3A_151 = arith.constant 0 : i32
      %dma_wait3A_152 = tpu.memref_slice %dma_wait3A_149[%dma_wait3A_150, %dma_wait3A_151] : memref<128x128xf32, #tpu.memory_space<vmem>> -> memref<128x128xf32, #tpu.memory_space<vmem>>
      %dma_wait3A_153 = arith.constant 0 : i32
      %dma_wait3A_154 = tpu.memref_slice %arg12[%add3A_65, %dma_wait3A_153] : memref<10112x128xf32, #tpu.memory_space<vmem_shared>> -> memref<128x128xf32, #tpu.memory_space<vmem_shared>>
      %dma_wait3A_155 = arith.constant 0 : i32
      %dma_wait3A_156 = arith.constant 0 : i32
      %dma_wait3A_157 = tpu.memref_slice %arg9[%run_scoped3A_73, %dma_wait3A_155, %dma_wait3A_156] : memref<2x128x128xf32, #tpu.memory_space<vmem>> -> memref<1x128x128xf32, #tpu.memory_space<vmem>>
      %dma_wait3A_158 = tpu.memref_squeeze %dma_wait3A_157 : memref<1x128x128xf32, #tpu.memory_space<vmem>> -> memref<128x128xf32, #tpu.memory_space<vmem>>
      %dma_wait3A_159 = arith.constant 0 : i32
      %dma_wait3A_160 = arith.constant 0 : i32
      %dma_wait3A_161 = tpu.memref_slice %dma_wait3A_158[%dma_wait3A_159, %dma_wait3A_160] : memref<128x128xf32, #tpu.memory_space<vmem>> -> memref<128x128xf32, #tpu.memory_space<vmem>>
      %dma_wait3A_162 = arith.constant 0 : i32
      %dma_wait3A_163 = tpu.memref_slice %arg12[%add3A_65, %dma_wait3A_162] : memref<10112x128xf32, #tpu.memory_space<vmem_shared>> -> memref<128x128xf32, #tpu.memory_space<vmem_shared>>
      tpu.wait_dma2 semaphore(%run_scoped3A_127 : memref<!tpu.dma_semaphore, #tpu.memory_space<semaphore_mem>>) src(%dma_wait3A_163 : memref<128x128xf32, #tpu.memory_space<vmem_shared>>) dst(%dma_wait3A_161 : memref<128x128xf32, #tpu.memory_space<vmem>>)
      tpu.yield
    }) : () -> ()
    %run_scoped3A_74 = arith.constant 0 : i32
    "tpu.region"() ({
      %run_scoped3A_127 = tpu.sem_alloc : memref<!tpu.dma_semaphore, #tpu.memory_space<semaphore_mem>>
      %dma_start3A_128 = arith.constant 0 : i32
      %dma_start3A_129 = arith.constant 0 : i32
      %dma_start3A_130 = tpu.memref_slice %arg9[%run_scoped3A_74, %dma_start3A_128, %dma_start3A_129] : memref<2x128x128xf32, #tpu.memory_space<vmem>> -> memref<1x128x128xf32, #tpu.memory_space<vmem>>
      %dma_start3A_131 = tpu.memref_squeeze %dma_start3A_130 : memref<1x128x128xf32, #tpu.memory_space<vmem>> -> memref<128x128xf32, #tpu.memory_space<vmem>>
      %dma_start3A_132 = arith.constant 0 : i32
      %dma_start3A_133 = arith.constant 0 : i32
      %dma_start3A_134 = tpu.memref_slice %dma_start3A_131[%dma_start3A_132, %dma_start3A_133] : memref<128x128xf32, #tpu.memory_space<vmem>> -> memref<128x128xf32, #tpu.memory_space<vmem>>
      %dma_start3A_135 = arith.constant 0 : i32
      %dma_start3A_136 = tpu.memref_slice %arg6[%add3A_72, %dma_start3A_135] : memref<20224x128xf32, #tpu.memory_space<hbm>> -> memref<128x128xf32, #tpu.memory_space<hbm>>
      %dma_start3A_137 = arith.constant 0 : i32
      %dma_start3A_138 = tpu.memref_slice %arg6[%add3A_72, %dma_start3A_137] : memref<20224x128xf32, #tpu.memory_space<hbm>> -> memref<128x128xf32, #tpu.memory_space<hbm>>
      %dma_start3A_139 = arith.constant 0 : i32
      %dma_start3A_140 = arith.constant 0 : i32
      %dma_start3A_141 = tpu.memref_slice %arg9[%run_scoped3A_74, %dma_start3A_139, %dma_start3A_140] : memref<2x128x128xf32, #tpu.memory_space<vmem>> -> memref<1x128x128xf32, #tpu.memory_space<vmem>>
      %dma_start3A_142 = tpu.memref_squeeze %dma_start3A_141 : memref<1x128x128xf32, #tpu.memory_space<vmem>> -> memref<128x128xf32, #tpu.memory_space<vmem>>
      %dma_start3A_143 = arith.constant 0 : i32
      %dma_start3A_144 = arith.constant 0 : i32
      %dma_start3A_145 = tpu.memref_slice %dma_start3A_142[%dma_start3A_143, %dma_start3A_144] : memref<128x128xf32, #tpu.memory_space<vmem>> -> memref<128x128xf32, #tpu.memory_space<vmem>>
      tpu.enqueue_dma source(%dma_start3A_145 : memref<128x128xf32, #tpu.memory_space<vmem>>) target(%dma_start3A_138 : memref<128x128xf32, #tpu.memory_space<hbm>>) target_semaphore(%run_scoped3A_127 : memref<!tpu.dma_semaphore, #tpu.memory_space<semaphore_mem>>)
      %dma_wait3A_146 = arith.constant 0 : i32
      %dma_wait3A_147 = arith.constant 0 : i32
      %dma_wait3A_148 = tpu.memref_slice %arg9[%run_scoped3A_74, %dma_wait3A_146, %dma_wait3A_147] : memref<2x128x128xf32, #tpu.memory_space<vmem>> -> memref<1x128x128xf32, #tpu.memory_space<vmem>>
      %dma_wait3A_149 = tpu.memref_squeeze %dma_wait3A_148 : memref<1x128x128xf32, #tpu.memory_space<vmem>> -> memref<128x128xf32, #tpu.memory_space<vmem>>
      %dma_wait3A_150 = arith.constant 0 : i32
      %dma_wait3A_151 = arith.constant 0 : i32
      %dma_wait3A_152 = tpu.memref_slice %dma_wait3A_149[%dma_wait3A_150, %dma_wait3A_151] : memref<128x128xf32, #tpu.memory_space<vmem>> -> memref<128x128xf32, #tpu.memory_space<vmem>>
      %dma_wait3A_153 = arith.constant 0 : i32
      %dma_wait3A_154 = tpu.memref_slice %arg6[%add3A_72, %dma_wait3A_153] : memref<20224x128xf32, #tpu.memory_space<hbm>> -> memref<128x128xf32, #tpu.memory_space<hbm>>
      %dma_wait3A_155 = arith.constant 0 : i32
      %dma_wait3A_156 = tpu.memref_slice %arg6[%add3A_72, %dma_wait3A_155] : memref<20224x128xf32, #tpu.memory_space<hbm>> -> memref<128x128xf32, #tpu.memory_space<hbm>>
      %dma_wait3A_157 = arith.constant 0 : i32
      %dma_wait3A_158 = arith.constant 0 : i32
      %dma_wait3A_159 = tpu.memref_slice %arg9[%run_scoped3A_74, %dma_wait3A_157, %dma_wait3A_158] : memref<2x128x128xf32, #tpu.memory_space<vmem>> -> memref<1x128x128xf32, #tpu.memory_space<vmem>>
      %dma_wait3A_160 = tpu.memref_squeeze %dma_wait3A_159 : memref<1x128x128xf32, #tpu.memory_space<vmem>> -> memref<128x128xf32, #tpu.memory_space<vmem>>
      %dma_wait3A_161 = arith.constant 0 : i32
      %dma_wait3A_162 = arith.constant 0 : i32
      %dma_wait3A_163 = tpu.memref_slice %dma_wait3A_160[%dma_wait3A_161, %dma_wait3A_162] : memref<128x128xf32, #tpu.memory_space<vmem>> -> memref<128x128xf32, #tpu.memory_space<vmem>>
      tpu.wait_dma2 semaphore(%run_scoped3A_127 : memref<!tpu.dma_semaphore, #tpu.memory_space<semaphore_mem>>) src(%dma_wait3A_163 : memref<128x128xf32, #tpu.memory_space<vmem>>) dst(%dma_wait3A_156 : memref<128x128xf32, #tpu.memory_space<hbm>>)
      tpu.yield
    }) : () -> ()
    %mul3A_75 = arith.constant 632 : i32
    %mul3A_76 = arith.muli %arg1, %mul3A_75 : i32
    %add3A_77 = arith.constant 128 : i32
    %add3A_78 = arith.addi %mul3A_76, %add3A_77 : i32
    %mul3A_79 = arith.constant 10112 : i32
    %mul3A_80 = arith.muli %arg0, %mul3A_79 : i32
    %mul3A_81 = arith.constant 632 : i32
    %mul3A_82 = arith.muli %arg1, %mul3A_81 : i32
    %add3A_83 = arith.addi %mul3A_80, %mul3A_82 : i32
    %add3A_84 = arith.constant 128 : i32
    %add3A_85 = arith.addi %add3A_83, %add3A_84 : i32
    %run_scoped3A_86 = arith.constant 0 : i32
    "tpu.region"() ({
      %run_scoped3A_127 = tpu.sem_alloc : memref<!tpu.dma_semaphore, #tpu.memory_space<semaphore_mem>>
      %dma_start3A_128 = arith.constant 0 : i32
      %dma_start3A_129 = arith.constant 0 : i32
      %dma_start3A_130 = tpu.memref_slice %arg9[%run_scoped3A_86, %dma_start3A_128, %dma_start3A_129] : memref<2x128x128xf32, #tpu.memory_space<vmem>> -> memref<1x128x128xf32, #tpu.memory_space<vmem>>
      %dma_start3A_131 = tpu.memref_squeeze %dma_start3A_130 : memref<1x128x128xf32, #tpu.memory_space<vmem>> -> memref<128x128xf32, #tpu.memory_space<vmem>>
      %dma_start3A_132 = arith.constant 0 : i32
      %dma_start3A_133 = arith.constant 0 : i32
      %dma_start3A_134 = tpu.memref_slice %dma_start3A_131[%dma_start3A_132, %dma_start3A_133] : memref<128x128xf32, #tpu.memory_space<vmem>> -> memref<128x128xf32, #tpu.memory_space<vmem>>
      %dma_start3A_135 = arith.constant 0 : i32
      %dma_start3A_136 = tpu.memref_slice %arg12[%add3A_78, %dma_start3A_135] : memref<10112x128xf32, #tpu.memory_space<vmem_shared>> -> memref<128x128xf32, #tpu.memory_space<vmem_shared>>
      %dma_start3A_137 = arith.constant 0 : i32
      %dma_start3A_138 = arith.constant 0 : i32
      %dma_start3A_139 = tpu.memref_slice %arg9[%run_scoped3A_86, %dma_start3A_137, %dma_start3A_138] : memref<2x128x128xf32, #tpu.memory_space<vmem>> -> memref<1x128x128xf32, #tpu.memory_space<vmem>>
      %dma_start3A_140 = tpu.memref_squeeze %dma_start3A_139 : memref<1x128x128xf32, #tpu.memory_space<vmem>> -> memref<128x128xf32, #tpu.memory_space<vmem>>
      %dma_start3A_141 = arith.constant 0 : i32
      %dma_start3A_142 = arith.constant 0 : i32
      %dma_start3A_143 = tpu.memref_slice %dma_start3A_140[%dma_start3A_141, %dma_start3A_142] : memref<128x128xf32, #tpu.memory_space<vmem>> -> memref<128x128xf32, #tpu.memory_space<vmem>>
      %dma_start3A_144 = arith.constant 0 : i32
      %dma_start3A_145 = tpu.memref_slice %arg12[%add3A_78, %dma_start3A_144] : memref<10112x128xf32, #tpu.memory_space<vmem_shared>> -> memref<128x128xf32, #tpu.memory_space<vmem_shared>>
      tpu.enqueue_dma source(%dma_start3A_145 : memref<128x128xf32, #tpu.memory_space<vmem_shared>>) target(%dma_start3A_143 : memref<128x128xf32, #tpu.memory_space<vmem>>) target_semaphore(%run_scoped3A_127 : memref<!tpu.dma_semaphore, #tpu.memory_space<semaphore_mem>>)
      %dma_wait3A_146 = arith.constant 0 : i32
      %dma_wait3A_147 = arith.constant 0 : i32
      %dma_wait3A_148 = tpu.memref_slice %arg9[%run_scoped3A_86, %dma_wait3A_146, %dma_wait3A_147] : memref<2x128x128xf32, #tpu.memory_space<vmem>> -> memref<1x128x128xf32, #tpu.memory_space<vmem>>
      %dma_wait3A_149 = tpu.memref_squeeze %dma_wait3A_148 : memref<1x128x128xf32, #tpu.memory_space<vmem>> -> memref<128x128xf32, #tpu.memory_space<vmem>>
      %dma_wait3A_150 = arith.constant 0 : i32
      %dma_wait3A_151 = arith.constant 0 : i32
      %dma_wait3A_152 = tpu.memref_slice %dma_wait3A_149[%dma_wait3A_150, %dma_wait3A_151] : memref<128x128xf32, #tpu.memory_space<vmem>> -> memref<128x128xf32, #tpu.memory_space<vmem>>
      %dma_wait3A_153 = arith.constant 0 : i32
      %dma_wait3A_154 = tpu.memref_slice %arg12[%add3A_78, %dma_wait3A_153] : memref<10112x128xf32, #tpu.memory_space<vmem_shared>> -> memref<128x128xf32, #tpu.memory_space<vmem_shared>>
      %dma_wait3A_155 = arith.constant 0 : i32
      %dma_wait3A_156 = arith.constant 0 : i32
      %dma_wait3A_157 = tpu.memref_slice %arg9[%run_scoped3A_86, %dma_wait3A_155, %dma_wait3A_156] : memref<2x128x128xf32, #tpu.memory_space<vmem>> -> memref<1x128x128xf32, #tpu.memory_space<vmem>>
      %dma_wait3A_158 = tpu.memref_squeeze %dma_wait3A_157 : memref<1x128x128xf32, #tpu.memory_space<vmem>> -> memref<128x128xf32, #tpu.memory_space<vmem>>
      %dma_wait3A_159 = arith.constant 0 : i32
      %dma_wait3A_160 = arith.constant 0 : i32
      %dma_wait3A_161 = tpu.memref_slice %dma_wait3A_158[%dma_wait3A_159, %dma_wait3A_160] : memref<128x128xf32, #tpu.memory_space<vmem>> -> memref<128x128xf32, #tpu.memory_space<vmem>>
      %dma_wait3A_162 = arith.constant 0 : i32
      %dma_wait3A_163 = tpu.memref_slice %arg12[%add3A_78, %dma_wait3A_162] : memref<10112x128xf32, #tpu.memory_space<vmem_shared>> -> memref<128x128xf32, #tpu.memory_space<vmem_shared>>
      tpu.wait_dma2 semaphore(%run_scoped3A_127 : memref<!tpu.dma_semaphore, #tpu.memory_space<semaphore_mem>>) src(%dma_wait3A_163 : memref<128x128xf32, #tpu.memory_space<vmem_shared>>) dst(%dma_wait3A_161 : memref<128x128xf32, #tpu.memory_space<vmem>>)
      tpu.yield
    }) : () -> ()
    %run_scoped3A_87 = arith.constant 0 : i32
    "tpu.region"() ({
      %run_scoped3A_127 = tpu.sem_alloc : memref<!tpu.dma_semaphore, #tpu.memory_space<semaphore_mem>>
      %dma_start3A_128 = arith.constant 0 : i32
      %dma_start3A_129 = arith.constant 0 : i32
      %dma_start3A_130 = tpu.memref_slice %arg9[%run_scoped3A_87, %dma_start3A_128, %dma_start3A_129] : memref<2x128x128xf32, #tpu.memory_space<vmem>> -> memref<1x128x128xf32, #tpu.memory_space<vmem>>
      %dma_start3A_131 = tpu.memref_squeeze %dma_start3A_130 : memref<1x128x128xf32, #tpu.memory_space<vmem>> -> memref<128x128xf32, #tpu.memory_space<vmem>>
      %dma_start3A_132 = arith.constant 0 : i32
      %dma_start3A_133 = arith.constant 0 : i32
      %dma_start3A_134 = tpu.memref_slice %dma_start3A_131[%dma_start3A_132, %dma_start3A_133] : memref<128x128xf32, #tpu.memory_space<vmem>> -> memref<128x128xf32, #tpu.memory_space<vmem>>
      %dma_start3A_135 = arith.constant 0 : i32
      %dma_start3A_136 = tpu.memref_slice %arg6[%add3A_85, %dma_start3A_135] : memref<20224x128xf32, #tpu.memory_space<hbm>> -> memref<128x128xf32, #tpu.memory_space<hbm>>
      %dma_start3A_137 = arith.constant 0 : i32
      %dma_start3A_138 = tpu.memref_slice %arg6[%add3A_85, %dma_start3A_137] : memref<20224x128xf32, #tpu.memory_space<hbm>> -> memref<128x128xf32, #tpu.memory_space<hbm>>
      %dma_start3A_139 = arith.constant 0 : i32
      %dma_start3A_140 = arith.constant 0 : i32
      %dma_start3A_141 = tpu.memref_slice %arg9[%run_scoped3A_87, %dma_start3A_139, %dma_start3A_140] : memref<2x128x128xf32, #tpu.memory_space<vmem>> -> memref<1x128x128xf32, #tpu.memory_space<vmem>>
      %dma_start3A_142 = tpu.memref_squeeze %dma_start3A_141 : memref<1x128x128xf32, #tpu.memory_space<vmem>> -> memref<128x128xf32, #tpu.memory_space<vmem>>
      %dma_start3A_143 = arith.constant 0 : i32
      %dma_start3A_144 = arith.constant 0 : i32
      %dma_start3A_145 = tpu.memref_slice %dma_start3A_142[%dma_start3A_143, %dma_start3A_144] : memref<128x128xf32, #tpu.memory_space<vmem>> -> memref<128x128xf32, #tpu.memory_space<vmem>>
      tpu.enqueue_dma source(%dma_start3A_145 : memref<128x128xf32, #tpu.memory_space<vmem>>) target(%dma_start3A_138 : memref<128x128xf32, #tpu.memory_space<hbm>>) target_semaphore(%run_scoped3A_127 : memref<!tpu.dma_semaphore, #tpu.memory_space<semaphore_mem>>)
      %dma_wait3A_146 = arith.constant 0 : i32
      %dma_wait3A_147 = arith.constant 0 : i32
      %dma_wait3A_148 = tpu.memref_slice %arg9[%run_scoped3A_87, %dma_wait3A_146, %dma_wait3A_147] : memref<2x128x128xf32, #tpu.memory_space<vmem>> -> memref<1x128x128xf32, #tpu.memory_space<vmem>>
      %dma_wait3A_149 = tpu.memref_squeeze %dma_wait3A_148 : memref<1x128x128xf32, #tpu.memory_space<vmem>> -> memref<128x128xf32, #tpu.memory_space<vmem>>
      %dma_wait3A_150 = arith.constant 0 : i32
      %dma_wait3A_151 = arith.constant 0 : i32
      %dma_wait3A_152 = tpu.memref_slice %dma_wait3A_149[%dma_wait3A_150, %dma_wait3A_151] : memref<128x128xf32, #tpu.memory_space<vmem>> -> memref<128x128xf32, #tpu.memory_space<vmem>>
      %dma_wait3A_153 = arith.constant 0 : i32
      %dma_wait3A_154 = tpu.memref_slice %arg6[%add3A_85, %dma_wait3A_153] : memref<20224x128xf32, #tpu.memory_space<hbm>> -> memref<128x128xf32, #tpu.memory_space<hbm>>
      %dma_wait3A_155 = arith.constant 0 : i32
      %dma_wait3A_156 = tpu.memref_slice %arg6[%add3A_85, %dma_wait3A_155] : memref<20224x128xf32, #tpu.memory_space<hbm>> -> memref<128x128xf32, #tpu.memory_space<hbm>>
      %dma_wait3A_157 = arith.constant 0 : i32
      %dma_wait3A_158 = arith.constant 0 : i32
      %dma_wait3A_159 = tpu.memref_slice %arg9[%run_scoped3A_87, %dma_wait3A_157, %dma_wait3A_158] : memref<2x128x128xf32, #tpu.memory_space<vmem>> -> memref<1x128x128xf32, #tpu.memory_space<vmem>>
      %dma_wait3A_160 = tpu.memref_squeeze %dma_wait3A_159 : memref<1x128x128xf32, #tpu.memory_space<vmem>> -> memref<128x128xf32, #tpu.memory_space<vmem>>
      %dma_wait3A_161 = arith.constant 0 : i32
      %dma_wait3A_162 = arith.constant 0 : i32
      %dma_wait3A_163 = tpu.memref_slice %dma_wait3A_160[%dma_wait3A_161, %dma_wait3A_162] : memref<128x128xf32, #tpu.memory_space<vmem>> -> memref<128x128xf32, #tpu.memory_space<vmem>>
      tpu.wait_dma2 semaphore(%run_scoped3A_127 : memref<!tpu.dma_semaphore, #tpu.memory_space<semaphore_mem>>) src(%dma_wait3A_163 : memref<128x128xf32, #tpu.memory_space<vmem>>) dst(%dma_wait3A_156 : memref<128x128xf32, #tpu.memory_space<hbm>>)
      tpu.yield
    }) : () -> ()
    %mul3A_88 = arith.constant 632 : i32
    %mul3A_89 = arith.muli %arg1, %mul3A_88 : i32
    %add3A_90 = arith.constant 256 : i32
    %add3A_91 = arith.addi %mul3A_89, %add3A_90 : i32
    %mul3A_92 = arith.constant 10112 : i32
    %mul3A_93 = arith.muli %arg0, %mul3A_92 : i32
    %mul3A_94 = arith.constant 632 : i32
    %mul3A_95 = arith.muli %arg1, %mul3A_94 : i32
    %add3A_96 = arith.addi %mul3A_93, %mul3A_95 : i32
    %add3A_97 = arith.constant 256 : i32
    %add3A_98 = arith.addi %add3A_96, %add3A_97 : i32
    %run_scoped3A_99 = arith.constant 0 : i32
    "tpu.region"() ({
      %run_scoped3A_127 = tpu.sem_alloc : memref<!tpu.dma_semaphore, #tpu.memory_space<semaphore_mem>>
      %dma_start3A_128 = arith.constant 0 : i32
      %dma_start3A_129 = arith.constant 0 : i32
      %dma_start3A_130 = tpu.memref_slice %arg9[%run_scoped3A_99, %dma_start3A_128, %dma_start3A_129] : memref<2x128x128xf32, #tpu.memory_space<vmem>> -> memref<1x128x128xf32, #tpu.memory_space<vmem>>
      %dma_start3A_131 = tpu.memref_squeeze %dma_start3A_130 : memref<1x128x128xf32, #tpu.memory_space<vmem>> -> memref<128x128xf32, #tpu.memory_space<vmem>>
      %dma_start3A_132 = arith.constant 0 : i32
      %dma_start3A_133 = arith.constant 0 : i32
      %dma_start3A_134 = tpu.memref_slice %dma_start3A_131[%dma_start3A_132, %dma_start3A_133] : memref<128x128xf32, #tpu.memory_space<vmem>> -> memref<128x128xf32, #tpu.memory_space<vmem>>
      %dma_start3A_135 = arith.constant 0 : i32
      %dma_start3A_136 = tpu.memref_slice %arg12[%add3A_91, %dma_start3A_135] : memref<10112x128xf32, #tpu.memory_space<vmem_shared>> -> memref<128x128xf32, #tpu.memory_space<vmem_shared>>
      %dma_start3A_137 = arith.constant 0 : i32
      %dma_start3A_138 = arith.constant 0 : i32
      %dma_start3A_139 = tpu.memref_slice %arg9[%run_scoped3A_99, %dma_start3A_137, %dma_start3A_138] : memref<2x128x128xf32, #tpu.memory_space<vmem>> -> memref<1x128x128xf32, #tpu.memory_space<vmem>>
      %dma_start3A_140 = tpu.memref_squeeze %dma_start3A_139 : memref<1x128x128xf32, #tpu.memory_space<vmem>> -> memref<128x128xf32, #tpu.memory_space<vmem>>
      %dma_start3A_141 = arith.constant 0 : i32
      %dma_start3A_142 = arith.constant 0 : i32
      %dma_start3A_143 = tpu.memref_slice %dma_start3A_140[%dma_start3A_141, %dma_start3A_142] : memref<128x128xf32, #tpu.memory_space<vmem>> -> memref<128x128xf32, #tpu.memory_space<vmem>>
      %dma_start3A_144 = arith.constant 0 : i32
      %dma_start3A_145 = tpu.memref_slice %arg12[%add3A_91, %dma_start3A_144] : memref<10112x128xf32, #tpu.memory_space<vmem_shared>> -> memref<128x128xf32, #tpu.memory_space<vmem_shared>>
      tpu.enqueue_dma source(%dma_start3A_145 : memref<128x128xf32, #tpu.memory_space<vmem_shared>>) target(%dma_start3A_143 : memref<128x128xf32, #tpu.memory_space<vmem>>) target_semaphore(%run_scoped3A_127 : memref<!tpu.dma_semaphore, #tpu.memory_space<semaphore_mem>>)
      %dma_wait3A_146 = arith.constant 0 : i32
      %dma_wait3A_147 = arith.constant 0 : i32
      %dma_wait3A_148 = tpu.memref_slice %arg9[%run_scoped3A_99, %dma_wait3A_146, %dma_wait3A_147] : memref<2x128x128xf32, #tpu.memory_space<vmem>> -> memref<1x128x128xf32, #tpu.memory_space<vmem>>
      %dma_wait3A_149 = tpu.memref_squeeze %dma_wait3A_148 : memref<1x128x128xf32, #tpu.memory_space<vmem>> -> memref<128x128xf32, #tpu.memory_space<vmem>>
      %dma_wait3A_150 = arith.constant 0 : i32
      %dma_wait3A_151 = arith.constant 0 : i32
      %dma_wait3A_152 = tpu.memref_slice %dma_wait3A_149[%dma_wait3A_150, %dma_wait3A_151] : memref<128x128xf32, #tpu.memory_space<vmem>> -> memref<128x128xf32, #tpu.memory_space<vmem>>
      %dma_wait3A_153 = arith.constant 0 : i32
      %dma_wait3A_154 = tpu.memref_slice %arg12[%add3A_91, %dma_wait3A_153] : memref<10112x128xf32, #tpu.memory_space<vmem_shared>> -> memref<128x128xf32, #tpu.memory_space<vmem_shared>>
      %dma_wait3A_155 = arith.constant 0 : i32
      %dma_wait3A_156 = arith.constant 0 : i32
      %dma_wait3A_157 = tpu.memref_slice %arg9[%run_scoped3A_99, %dma_wait3A_155, %dma_wait3A_156] : memref<2x128x128xf32, #tpu.memory_space<vmem>> -> memref<1x128x128xf32, #tpu.memory_space<vmem>>
      %dma_wait3A_158 = tpu.memref_squeeze %dma_wait3A_157 : memref<1x128x128xf32, #tpu.memory_space<vmem>> -> memref<128x128xf32, #tpu.memory_space<vmem>>
      %dma_wait3A_159 = arith.constant 0 : i32
      %dma_wait3A_160 = arith.constant 0 : i32
      %dma_wait3A_161 = tpu.memref_slice %dma_wait3A_158[%dma_wait3A_159, %dma_wait3A_160] : memref<128x128xf32, #tpu.memory_space<vmem>> -> memref<128x128xf32, #tpu.memory_space<vmem>>
      %dma_wait3A_162 = arith.constant 0 : i32
      %dma_wait3A_163 = tpu.memref_slice %arg12[%add3A_91, %dma_wait3A_162] : memref<10112x128xf32, #tpu.memory_space<vmem_shared>> -> memref<128x128xf32, #tpu.memory_space<vmem_shared>>
      tpu.wait_dma2 semaphore(%run_scoped3A_127 : memref<!tpu.dma_semaphore, #tpu.memory_space<semaphore_mem>>) src(%dma_wait3A_163 : memref<128x128xf32, #tpu.memory_space<vmem_shared>>) dst(%dma_wait3A_161 : memref<128x128xf32, #tpu.memory_space<vmem>>)
      tpu.yield
    }) : () -> ()
    %run_scoped3A_100 = arith.constant 0 : i32
    "tpu.region"() ({
      %run_scoped3A_127 = tpu.sem_alloc : memref<!tpu.dma_semaphore, #tpu.memory_space<semaphore_mem>>
      %dma_start3A_128 = arith.constant 0 : i32
      %dma_start3A_129 = arith.constant 0 : i32
      %dma_start3A_130 = tpu.memref_slice %arg9[%run_scoped3A_100, %dma_start3A_128, %dma_start3A_129] : memref<2x128x128xf32, #tpu.memory_space<vmem>> -> memref<1x128x128xf32, #tpu.memory_space<vmem>>
      %dma_start3A_131 = tpu.memref_squeeze %dma_start3A_130 : memref<1x128x128xf32, #tpu.memory_space<vmem>> -> memref<128x128xf32, #tpu.memory_space<vmem>>
      %dma_start3A_132 = arith.constant 0 : i32
      %dma_start3A_133 = arith.constant 0 : i32
      %dma_start3A_134 = tpu.memref_slice %dma_start3A_131[%dma_start3A_132, %dma_start3A_133] : memref<128x128xf32, #tpu.memory_space<vmem>> -> memref<128x128xf32, #tpu.memory_space<vmem>>
      %dma_start3A_135 = arith.constant 0 : i32
      %dma_start3A_136 = tpu.memref_slice %arg6[%add3A_98, %dma_start3A_135] : memref<20224x128xf32, #tpu.memory_space<hbm>> -> memref<128x128xf32, #tpu.memory_space<hbm>>
      %dma_start3A_137 = arith.constant 0 : i32
      %dma_start3A_138 = tpu.memref_slice %arg6[%add3A_98, %dma_start3A_137] : memref<20224x128xf32, #tpu.memory_space<hbm>> -> memref<128x128xf32, #tpu.memory_space<hbm>>
      %dma_start3A_139 = arith.constant 0 : i32
      %dma_start3A_140 = arith.constant 0 : i32
      %dma_start3A_141 = tpu.memref_slice %arg9[%run_scoped3A_100, %dma_start3A_139, %dma_start3A_140] : memref<2x128x128xf32, #tpu.memory_space<vmem>> -> memref<1x128x128xf32, #tpu.memory_space<vmem>>
      %dma_start3A_142 = tpu.memref_squeeze %dma_start3A_141 : memref<1x128x128xf32, #tpu.memory_space<vmem>> -> memref<128x128xf32, #tpu.memory_space<vmem>>
      %dma_start3A_143 = arith.constant 0 : i32
      %dma_start3A_144 = arith.constant 0 : i32
      %dma_start3A_145 = tpu.memref_slice %dma_start3A_142[%dma_start3A_143, %dma_start3A_144] : memref<128x128xf32, #tpu.memory_space<vmem>> -> memref<128x128xf32, #tpu.memory_space<vmem>>
      tpu.enqueue_dma source(%dma_start3A_145 : memref<128x128xf32, #tpu.memory_space<vmem>>) target(%dma_start3A_138 : memref<128x128xf32, #tpu.memory_space<hbm>>) target_semaphore(%run_scoped3A_127 : memref<!tpu.dma_semaphore, #tpu.memory_space<semaphore_mem>>)
      %dma_wait3A_146 = arith.constant 0 : i32
      %dma_wait3A_147 = arith.constant 0 : i32
      %dma_wait3A_148 = tpu.memref_slice %arg9[%run_scoped3A_100, %dma_wait3A_146, %dma_wait3A_147] : memref<2x128x128xf32, #tpu.memory_space<vmem>> -> memref<1x128x128xf32, #tpu.memory_space<vmem>>
      %dma_wait3A_149 = tpu.memref_squeeze %dma_wait3A_148 : memref<1x128x128xf32, #tpu.memory_space<vmem>> -> memref<128x128xf32, #tpu.memory_space<vmem>>
      %dma_wait3A_150 = arith.constant 0 : i32
      %dma_wait3A_151 = arith.constant 0 : i32
      %dma_wait3A_152 = tpu.memref_slice %dma_wait3A_149[%dma_wait3A_150, %dma_wait3A_151] : memref<128x128xf32, #tpu.memory_space<vmem>> -> memref<128x128xf32, #tpu.memory_space<vmem>>
      %dma_wait3A_153 = arith.constant 0 : i32
      %dma_wait3A_154 = tpu.memref_slice %arg6[%add3A_98, %dma_wait3A_153] : memref<20224x128xf32, #tpu.memory_space<hbm>> -> memref<128x128xf32, #tpu.memory_space<hbm>>
      %dma_wait3A_155 = arith.constant 0 : i32
      %dma_wait3A_156 = tpu.memref_slice %arg6[%add3A_98, %dma_wait3A_155] : memref<20224x128xf32, #tpu.memory_space<hbm>> -> memref<128x128xf32, #tpu.memory_space<hbm>>
      %dma_wait3A_157 = arith.constant 0 : i32
      %dma_wait3A_158 = arith.constant 0 : i32
      %dma_wait3A_159 = tpu.memref_slice %arg9[%run_scoped3A_100, %dma_wait3A_157, %dma_wait3A_158] : memref<2x128x128xf32, #tpu.memory_space<vmem>> -> memref<1x128x128xf32, #tpu.memory_space<vmem>>
      %dma_wait3A_160 = tpu.memref_squeeze %dma_wait3A_159 : memref<1x128x128xf32, #tpu.memory_space<vmem>> -> memref<128x128xf32, #tpu.memory_space<vmem>>
      %dma_wait3A_161 = arith.constant 0 : i32
      %dma_wait3A_162 = arith.constant 0 : i32
      %dma_wait3A_163 = tpu.memref_slice %dma_wait3A_160[%dma_wait3A_161, %dma_wait3A_162] : memref<128x128xf32, #tpu.memory_space<vmem>> -> memref<128x128xf32, #tpu.memory_space<vmem>>
      tpu.wait_dma2 semaphore(%run_scoped3A_127 : memref<!tpu.dma_semaphore, #tpu.memory_space<semaphore_mem>>) src(%dma_wait3A_163 : memref<128x128xf32, #tpu.memory_space<vmem>>) dst(%dma_wait3A_156 : memref<128x128xf32, #tpu.memory_space<hbm>>)
      tpu.yield
    }) : () -> ()
    %mul3A_101 = arith.constant 632 : i32
    %mul3A_102 = arith.muli %arg1, %mul3A_101 : i32
    %add3A_103 = arith.constant 384 : i32
    %add3A_104 = arith.addi %mul3A_102, %add3A_103 : i32
    %mul3A_105 = arith.constant 10112 : i32
    %mul3A_106 = arith.muli %arg0, %mul3A_105 : i32
    %mul3A_107 = arith.constant 632 : i32
    %mul3A_108 = arith.muli %arg1, %mul3A_107 : i32
    %add3A_109 = arith.addi %mul3A_106, %mul3A_108 : i32
    %add3A_110 = arith.constant 384 : i32
    %add3A_111 = arith.addi %add3A_109, %add3A_110 : i32
    %run_scoped3A_112 = arith.constant 0 : i32
    "tpu.region"() ({
      %run_scoped3A_127 = tpu.sem_alloc : memref<!tpu.dma_semaphore, #tpu.memory_space<semaphore_mem>>
      %dma_start3A_128 = arith.constant 0 : i32
      %dma_start3A_129 = arith.constant 0 : i32
      %dma_start3A_130 = tpu.memref_slice %arg9[%run_scoped3A_112, %dma_start3A_128, %dma_start3A_129] : memref<2x128x128xf32, #tpu.memory_space<vmem>> -> memref<1x128x128xf32, #tpu.memory_space<vmem>>
      %dma_start3A_131 = tpu.memref_squeeze %dma_start3A_130 : memref<1x128x128xf32, #tpu.memory_space<vmem>> -> memref<128x128xf32, #tpu.memory_space<vmem>>
      %dma_start3A_132 = arith.constant 0 : i32
      %dma_start3A_133 = arith.constant 0 : i32
      %dma_start3A_134 = tpu.memref_slice %dma_start3A_131[%dma_start3A_132, %dma_start3A_133] : memref<128x128xf32, #tpu.memory_space<vmem>> -> memref<128x128xf32, #tpu.memory_space<vmem>>
      %dma_start3A_135 = arith.constant 0 : i32
      %dma_start3A_136 = tpu.memref_slice %arg12[%add3A_104, %dma_start3A_135] : memref<10112x128xf32, #tpu.memory_space<vmem_shared>> -> memref<128x128xf32, #tpu.memory_space<vmem_shared>>
      %dma_start3A_137 = arith.constant 0 : i32
      %dma_start3A_138 = arith.constant 0 : i32
      %dma_start3A_139 = tpu.memref_slice %arg9[%run_scoped3A_112, %dma_start3A_137, %dma_start3A_138] : memref<2x128x128xf32, #tpu.memory_space<vmem>> -> memref<1x128x128xf32, #tpu.memory_space<vmem>>
      %dma_start3A_140 = tpu.memref_squeeze %dma_start3A_139 : memref<1x128x128xf32, #tpu.memory_space<vmem>> -> memref<128x128xf32, #tpu.memory_space<vmem>>
      %dma_start3A_141 = arith.constant 0 : i32
      %dma_start3A_142 = arith.constant 0 : i32
      %dma_start3A_143 = tpu.memref_slice %dma_start3A_140[%dma_start3A_141, %dma_start3A_142] : memref<128x128xf32, #tpu.memory_space<vmem>> -> memref<128x128xf32, #tpu.memory_space<vmem>>
      %dma_start3A_144 = arith.constant 0 : i32
      %dma_start3A_145 = tpu.memref_slice %arg12[%add3A_104, %dma_start3A_144] : memref<10112x128xf32, #tpu.memory_space<vmem_shared>> -> memref<128x128xf32, #tpu.memory_space<vmem_shared>>
      tpu.enqueue_dma source(%dma_start3A_145 : memref<128x128xf32, #tpu.memory_space<vmem_shared>>) target(%dma_start3A_143 : memref<128x128xf32, #tpu.memory_space<vmem>>) target_semaphore(%run_scoped3A_127 : memref<!tpu.dma_semaphore, #tpu.memory_space<semaphore_mem>>)
      %dma_wait3A_146 = arith.constant 0 : i32
      %dma_wait3A_147 = arith.constant 0 : i32
      %dma_wait3A_148 = tpu.memref_slice %arg9[%run_scoped3A_112, %dma_wait3A_146, %dma_wait3A_147] : memref<2x128x128xf32, #tpu.memory_space<vmem>> -> memref<1x128x128xf32, #tpu.memory_space<vmem>>
      %dma_wait3A_149 = tpu.memref_squeeze %dma_wait3A_148 : memref<1x128x128xf32, #tpu.memory_space<vmem>> -> memref<128x128xf32, #tpu.memory_space<vmem>>
      %dma_wait3A_150 = arith.constant 0 : i32
      %dma_wait3A_151 = arith.constant 0 : i32
      %dma_wait3A_152 = tpu.memref_slice %dma_wait3A_149[%dma_wait3A_150, %dma_wait3A_151] : memref<128x128xf32, #tpu.memory_space<vmem>> -> memref<128x128xf32, #tpu.memory_space<vmem>>
      %dma_wait3A_153 = arith.constant 0 : i32
      %dma_wait3A_154 = tpu.memref_slice %arg12[%add3A_104, %dma_wait3A_153] : memref<10112x128xf32, #tpu.memory_space<vmem_shared>> -> memref<128x128xf32, #tpu.memory_space<vmem_shared>>
      %dma_wait3A_155 = arith.constant 0 : i32
      %dma_wait3A_156 = arith.constant 0 : i32
      %dma_wait3A_157 = tpu.memref_slice %arg9[%run_scoped3A_112, %dma_wait3A_155, %dma_wait3A_156] : memref<2x128x128xf32, #tpu.memory_space<vmem>> -> memref<1x128x128xf32, #tpu.memory_space<vmem>>
      %dma_wait3A_158 = tpu.memref_squeeze %dma_wait3A_157 : memref<1x128x128xf32, #tpu.memory_space<vmem>> -> memref<128x128xf32, #tpu.memory_space<vmem>>
      %dma_wait3A_159 = arith.constant 0 : i32
      %dma_wait3A_160 = arith.constant 0 : i32
      %dma_wait3A_161 = tpu.memref_slice %dma_wait3A_158[%dma_wait3A_159, %dma_wait3A_160] : memref<128x128xf32, #tpu.memory_space<vmem>> -> memref<128x128xf32, #tpu.memory_space<vmem>>
      %dma_wait3A_162 = arith.constant 0 : i32
      %dma_wait3A_163 = tpu.memref_slice %arg12[%add3A_104, %dma_wait3A_162] : memref<10112x128xf32, #tpu.memory_space<vmem_shared>> -> memref<128x128xf32, #tpu.memory_space<vmem_shared>>
      tpu.wait_dma2 semaphore(%run_scoped3A_127 : memref<!tpu.dma_semaphore, #tpu.memory_space<semaphore_mem>>) src(%dma_wait3A_163 : memref<128x128xf32, #tpu.memory_space<vmem_shared>>) dst(%dma_wait3A_161 : memref<128x128xf32, #tpu.memory_space<vmem>>)
      tpu.yield
    }) : () -> ()
    %run_scoped3A_113 = arith.constant 0 : i32
    "tpu.region"() ({
      %run_scoped3A_127 = tpu.sem_alloc : memref<!tpu.dma_semaphore, #tpu.memory_space<semaphore_mem>>
      %dma_start3A_128 = arith.constant 0 : i32
      %dma_start3A_129 = arith.constant 0 : i32
      %dma_start3A_130 = tpu.memref_slice %arg9[%run_scoped3A_113, %dma_start3A_128, %dma_start3A_129] : memref<2x128x128xf32, #tpu.memory_space<vmem>> -> memref<1x128x128xf32, #tpu.memory_space<vmem>>
      %dma_start3A_131 = tpu.memref_squeeze %dma_start3A_130 : memref<1x128x128xf32, #tpu.memory_space<vmem>> -> memref<128x128xf32, #tpu.memory_space<vmem>>
      %dma_start3A_132 = arith.constant 0 : i32
      %dma_start3A_133 = arith.constant 0 : i32
      %dma_start3A_134 = tpu.memref_slice %dma_start3A_131[%dma_start3A_132, %dma_start3A_133] : memref<128x128xf32, #tpu.memory_space<vmem>> -> memref<128x128xf32, #tpu.memory_space<vmem>>
      %dma_start3A_135 = arith.constant 0 : i32
      %dma_start3A_136 = tpu.memref_slice %arg6[%add3A_111, %dma_start3A_135] : memref<20224x128xf32, #tpu.memory_space<hbm>> -> memref<128x128xf32, #tpu.memory_space<hbm>>
      %dma_start3A_137 = arith.constant 0 : i32
      %dma_start3A_138 = tpu.memref_slice %arg6[%add3A_111, %dma_start3A_137] : memref<20224x128xf32, #tpu.memory_space<hbm>> -> memref<128x128xf32, #tpu.memory_space<hbm>>
      %dma_start3A_139 = arith.constant 0 : i32
      %dma_start3A_140 = arith.constant 0 : i32
      %dma_start3A_141 = tpu.memref_slice %arg9[%run_scoped3A_113, %dma_start3A_139, %dma_start3A_140] : memref<2x128x128xf32, #tpu.memory_space<vmem>> -> memref<1x128x128xf32, #tpu.memory_space<vmem>>
      %dma_start3A_142 = tpu.memref_squeeze %dma_start3A_141 : memref<1x128x128xf32, #tpu.memory_space<vmem>> -> memref<128x128xf32, #tpu.memory_space<vmem>>
      %dma_start3A_143 = arith.constant 0 : i32
      %dma_start3A_144 = arith.constant 0 : i32
      %dma_start3A_145 = tpu.memref_slice %dma_start3A_142[%dma_start3A_143, %dma_start3A_144] : memref<128x128xf32, #tpu.memory_space<vmem>> -> memref<128x128xf32, #tpu.memory_space<vmem>>
      tpu.enqueue_dma source(%dma_start3A_145 : memref<128x128xf32, #tpu.memory_space<vmem>>) target(%dma_start3A_138 : memref<128x128xf32, #tpu.memory_space<hbm>>) target_semaphore(%run_scoped3A_127 : memref<!tpu.dma_semaphore, #tpu.memory_space<semaphore_mem>>)
      %dma_wait3A_146 = arith.constant 0 : i32
      %dma_wait3A_147 = arith.constant 0 : i32
      %dma_wait3A_148 = tpu.memref_slice %arg9[%run_scoped3A_113, %dma_wait3A_146, %dma_wait3A_147] : memref<2x128x128xf32, #tpu.memory_space<vmem>> -> memref<1x128x128xf32, #tpu.memory_space<vmem>>
      %dma_wait3A_149 = tpu.memref_squeeze %dma_wait3A_148 : memref<1x128x128xf32, #tpu.memory_space<vmem>> -> memref<128x128xf32, #tpu.memory_space<vmem>>
      %dma_wait3A_150 = arith.constant 0 : i32
      %dma_wait3A_151 = arith.constant 0 : i32
      %dma_wait3A_152 = tpu.memref_slice %dma_wait3A_149[%dma_wait3A_150, %dma_wait3A_151] : memref<128x128xf32, #tpu.memory_space<vmem>> -> memref<128x128xf32, #tpu.memory_space<vmem>>
      %dma_wait3A_153 = arith.constant 0 : i32
      %dma_wait3A_154 = tpu.memref_slice %arg6[%add3A_111, %dma_wait3A_153] : memref<20224x128xf32, #tpu.memory_space<hbm>> -> memref<128x128xf32, #tpu.memory_space<hbm>>
      %dma_wait3A_155 = arith.constant 0 : i32
      %dma_wait3A_156 = tpu.memref_slice %arg6[%add3A_111, %dma_wait3A_155] : memref<20224x128xf32, #tpu.memory_space<hbm>> -> memref<128x128xf32, #tpu.memory_space<hbm>>
      %dma_wait3A_157 = arith.constant 0 : i32
      %dma_wait3A_158 = arith.constant 0 : i32
      %dma_wait3A_159 = tpu.memref_slice %arg9[%run_scoped3A_113, %dma_wait3A_157, %dma_wait3A_158] : memref<2x128x128xf32, #tpu.memory_space<vmem>> -> memref<1x128x128xf32, #tpu.memory_space<vmem>>
      %dma_wait3A_160 = tpu.memref_squeeze %dma_wait3A_159 : memref<1x128x128xf32, #tpu.memory_space<vmem>> -> memref<128x128xf32, #tpu.memory_space<vmem>>
      %dma_wait3A_161 = arith.constant 0 : i32
      %dma_wait3A_162 = arith.constant 0 : i32
      %dma_wait3A_163 = tpu.memref_slice %dma_wait3A_160[%dma_wait3A_161, %dma_wait3A_162] : memref<128x128xf32, #tpu.memory_space<vmem>> -> memref<128x128xf32, #tpu.memory_space<vmem>>
      tpu.wait_dma2 semaphore(%run_scoped3A_127 : memref<!tpu.dma_semaphore, #tpu.memory_space<semaphore_mem>>) src(%dma_wait3A_163 : memref<128x128xf32, #tpu.memory_space<vmem>>) dst(%dma_wait3A_156 : memref<128x128xf32, #tpu.memory_space<hbm>>)
      tpu.yield
    }) : () -> ()
    %mul3A_114 = arith.constant 632 : i32
    %mul3A_115 = arith.muli %arg1, %mul3A_114 : i32
    %add3A_116 = arith.constant 512 : i32
    %add3A_117 = arith.addi %mul3A_115, %add3A_116 : i32
    %mul3A_118 = arith.constant 10112 : i32
    %mul3A_119 = arith.muli %arg0, %mul3A_118 : i32
    %mul3A_120 = arith.constant 632 : i32
    %mul3A_121 = arith.muli %arg1, %mul3A_120 : i32
    %add3A_122 = arith.addi %mul3A_119, %mul3A_121 : i32
    %add3A_123 = arith.constant 512 : i32
    %add3A_124 = arith.addi %add3A_122, %add3A_123 : i32
    %run_scoped3A_125 = arith.constant 0 : i32
    "tpu.region"() ({
      %run_scoped3A_127 = tpu.sem_alloc : memref<!tpu.dma_semaphore, #tpu.memory_space<semaphore_mem>>
      %dma_start3A_128 = arith.constant 0 : i32
      %dma_start3A_129 = arith.constant 0 : i32
      %dma_start3A_130 = tpu.memref_slice %arg9[%run_scoped3A_125, %dma_start3A_128, %dma_start3A_129] : memref<2x128x128xf32, #tpu.memory_space<vmem>> -> memref<1x128x128xf32, #tpu.memory_space<vmem>>
      %dma_start3A_131 = tpu.memref_squeeze %dma_start3A_130 : memref<1x128x128xf32, #tpu.memory_space<vmem>> -> memref<128x128xf32, #tpu.memory_space<vmem>>
      %dma_start3A_132 = arith.constant 0 : i32
      %dma_start3A_133 = arith.constant 0 : i32
      %dma_start3A_134 = tpu.memref_slice %dma_start3A_131[%dma_start3A_132, %dma_start3A_133] : memref<128x128xf32, #tpu.memory_space<vmem>> -> memref<120x128xf32, #tpu.memory_space<vmem>>
      %dma_start3A_135 = arith.constant 0 : i32
      %dma_start3A_136 = tpu.memref_slice %arg12[%add3A_117, %dma_start3A_135] : memref<10112x128xf32, #tpu.memory_space<vmem_shared>> -> memref<120x128xf32, #tpu.memory_space<vmem_shared>>
      %dma_start3A_137 = arith.constant 0 : i32
      %dma_start3A_138 = arith.constant 0 : i32
      %dma_start3A_139 = tpu.memref_slice %arg9[%run_scoped3A_125, %dma_start3A_137, %dma_start3A_138] : memref<2x128x128xf32, #tpu.memory_space<vmem>> -> memref<1x128x128xf32, #tpu.memory_space<vmem>>
      %dma_start3A_140 = tpu.memref_squeeze %dma_start3A_139 : memref<1x128x128xf32, #tpu.memory_space<vmem>> -> memref<128x128xf32, #tpu.memory_space<vmem>>
      %dma_start3A_141 = arith.constant 0 : i32
      %dma_start3A_142 = arith.constant 0 : i32
      %dma_start3A_143 = tpu.memref_slice %dma_start3A_140[%dma_start3A_141, %dma_start3A_142] : memref<128x128xf32, #tpu.memory_space<vmem>> -> memref<120x128xf32, #tpu.memory_space<vmem>>
      %dma_start3A_144 = arith.constant 0 : i32
      %dma_start3A_145 = tpu.memref_slice %arg12[%add3A_117, %dma_start3A_144] : memref<10112x128xf32, #tpu.memory_space<vmem_shared>> -> memref<120x128xf32, #tpu.memory_space<vmem_shared>>
      tpu.enqueue_dma source(%dma_start3A_145 : memref<120x128xf32, #tpu.memory_space<vmem_shared>>) target(%dma_start3A_143 : memref<120x128xf32, #tpu.memory_space<vmem>>) target_semaphore(%run_scoped3A_127 : memref<!tpu.dma_semaphore, #tpu.memory_space<semaphore_mem>>)
      %dma_wait3A_146 = arith.constant 0 : i32
      %dma_wait3A_147 = arith.constant 0 : i32
      %dma_wait3A_148 = tpu.memref_slice %arg9[%run_scoped3A_125, %dma_wait3A_146, %dma_wait3A_147] : memref<2x128x128xf32, #tpu.memory_space<vmem>> -> memref<1x128x128xf32, #tpu.memory_space<vmem>>
      %dma_wait3A_149 = tpu.memref_squeeze %dma_wait3A_148 : memref<1x128x128xf32, #tpu.memory_space<vmem>> -> memref<128x128xf32, #tpu.memory_space<vmem>>
      %dma_wait3A_150 = arith.constant 0 : i32
      %dma_wait3A_151 = arith.constant 0 : i32
      %dma_wait3A_152 = tpu.memref_slice %dma_wait3A_149[%dma_wait3A_150, %dma_wait3A_151] : memref<128x128xf32, #tpu.memory_space<vmem>> -> memref<120x128xf32, #tpu.memory_space<vmem>>
      %dma_wait3A_153 = arith.constant 0 : i32
      %dma_wait3A_154 = tpu.memref_slice %arg12[%add3A_117, %dma_wait3A_153] : memref<10112x128xf32, #tpu.memory_space<vmem_shared>> -> memref<120x128xf32, #tpu.memory_space<vmem_shared>>
      %dma_wait3A_155 = arith.constant 0 : i32
      %dma_wait3A_156 = arith.constant 0 : i32
      %dma_wait3A_157 = tpu.memref_slice %arg9[%run_scoped3A_125, %dma_wait3A_155, %dma_wait3A_156] : memref<2x128x128xf32, #tpu.memory_space<vmem>> -> memref<1x128x128xf32, #tpu.memory_space<vmem>>
      %dma_wait3A_158 = tpu.memref_squeeze %dma_wait3A_157 : memref<1x128x128xf32, #tpu.memory_space<vmem>> -> memref<128x128xf32, #tpu.memory_space<vmem>>
      %dma_wait3A_159 = arith.constant 0 : i32
      %dma_wait3A_160 = arith.constant 0 : i32
      %dma_wait3A_161 = tpu.memref_slice %dma_wait3A_158[%dma_wait3A_159, %dma_wait3A_160] : memref<128x128xf32, #tpu.memory_space<vmem>> -> memref<120x128xf32, #tpu.memory_space<vmem>>
      %dma_wait3A_162 = arith.constant 0 : i32
      %dma_wait3A_163 = tpu.memref_slice %arg12[%add3A_117, %dma_wait3A_162] : memref<10112x128xf32, #tpu.memory_space<vmem_shared>> -> memref<120x128xf32, #tpu.memory_space<vmem_shared>>
      tpu.wait_dma2 semaphore(%run_scoped3A_127 : memref<!tpu.dma_semaphore, #tpu.memory_space<semaphore_mem>>) src(%dma_wait3A_163 : memref<120x128xf32, #tpu.memory_space<vmem_shared>>) dst(%dma_wait3A_161 : memref<120x128xf32, #tpu.memory_space<vmem>>)
      tpu.yield
    }) : () -> ()
    %run_scoped3A_126 = arith.constant 0 : i32
    "tpu.region"() ({
      %run_scoped3A_127 = tpu.sem_alloc : memref<!tpu.dma_semaphore, #tpu.memory_space<semaphore_mem>>
      %dma_start3A_128 = arith.constant 0 : i32
      %dma_start3A_129 = arith.constant 0 : i32
      %dma_start3A_130 = tpu.memref_slice %arg9[%run_scoped3A_126, %dma_start3A_128, %dma_start3A_129] : memref<2x128x128xf32, #tpu.memory_space<vmem>> -> memref<1x128x128xf32, #tpu.memory_space<vmem>>
      %dma_start3A_131 = tpu.memref_squeeze %dma_start3A_130 : memref<1x128x128xf32, #tpu.memory_space<vmem>> -> memref<128x128xf32, #tpu.memory_space<vmem>>
      %dma_start3A_132 = arith.constant 0 : i32
      %dma_start3A_133 = arith.constant 0 : i32
      %dma_start3A_134 = tpu.memref_slice %dma_start3A_131[%dma_start3A_132, %dma_start3A_133] : memref<128x128xf32, #tpu.memory_space<vmem>> -> memref<120x128xf32, #tpu.memory_space<vmem>>
      %dma_start3A_135 = arith.constant 0 : i32
      %dma_start3A_136 = tpu.memref_slice %arg6[%add3A_124, %dma_start3A_135] : memref<20224x128xf32, #tpu.memory_space<hbm>> -> memref<120x128xf32, #tpu.memory_space<hbm>>
      %dma_start3A_137 = arith.constant 0 : i32
      %dma_start3A_138 = tpu.memref_slice %arg6[%add3A_124, %dma_start3A_137] : memref<20224x128xf32, #tpu.memory_space<hbm>> -> memref<120x128xf32, #tpu.memory_space<hbm>>
      %dma_start3A_139 = arith.constant 0 : i32
      %dma_start3A_140 = arith.constant 0 : i32
      %dma_start3A_141 = tpu.memref_slice %arg9[%run_scoped3A_126, %dma_start3A_139, %dma_start3A_140] : memref<2x128x128xf32, #tpu.memory_space<vmem>> -> memref<1x128x128xf32, #tpu.memory_space<vmem>>
      %dma_start3A_142 = tpu.memref_squeeze %dma_start3A_141 : memref<1x128x128xf32, #tpu.memory_space<vmem>> -> memref<128x128xf32, #tpu.memory_space<vmem>>
      %dma_start3A_143 = arith.constant 0 : i32
      %dma_start3A_144 = arith.constant 0 : i32
      %dma_start3A_145 = tpu.memref_slice %dma_start3A_142[%dma_start3A_143, %dma_start3A_144] : memref<128x128xf32, #tpu.memory_space<vmem>> -> memref<120x128xf32, #tpu.memory_space<vmem>>
      tpu.enqueue_dma source(%dma_start3A_145 : memref<120x128xf32, #tpu.memory_space<vmem>>) target(%dma_start3A_138 : memref<120x128xf32, #tpu.memory_space<hbm>>) target_semaphore(%run_scoped3A_127 : memref<!tpu.dma_semaphore, #tpu.memory_space<semaphore_mem>>)
      %dma_wait3A_146 = arith.constant 0 : i32
      %dma_wait3A_147 = arith.constant 0 : i32
      %dma_wait3A_148 = tpu.memref_slice %arg9[%run_scoped3A_126, %dma_wait3A_146, %dma_wait3A_147] : memref<2x128x128xf32, #tpu.memory_space<vmem>> -> memref<1x128x128xf32, #tpu.memory_space<vmem>>
      %dma_wait3A_149 = tpu.memref_squeeze %dma_wait3A_148 : memref<1x128x128xf32, #tpu.memory_space<vmem>> -> memref<128x128xf32, #tpu.memory_space<vmem>>
      %dma_wait3A_150 = arith.constant 0 : i32
      %dma_wait3A_151 = arith.constant 0 : i32
      %dma_wait3A_152 = tpu.memref_slice %dma_wait3A_149[%dma_wait3A_150, %dma_wait3A_151] : memref<128x128xf32, #tpu.memory_space<vmem>> -> memref<120x128xf32, #tpu.memory_space<vmem>>
      %dma_wait3A_153 = arith.constant 0 : i32
      %dma_wait3A_154 = tpu.memref_slice %arg6[%add3A_124, %dma_wait3A_153] : memref<20224x128xf32, #tpu.memory_space<hbm>> -> memref<120x128xf32, #tpu.memory_space<hbm>>
      %dma_wait3A_155 = arith.constant 0 : i32
      %dma_wait3A_156 = tpu.memref_slice %arg6[%add3A_124, %dma_wait3A_155] : memref<20224x128xf32, #tpu.memory_space<hbm>> -> memref<120x128xf32, #tpu.memory_space<hbm>>
      %dma_wait3A_157 = arith.constant 0 : i32
      %dma_wait3A_158 = arith.constant 0 : i32
      %dma_wait3A_159 = tpu.memref_slice %arg9[%run_scoped3A_126, %dma_wait3A_157, %dma_wait3A_158] : memref<2x128x128xf32, #tpu.memory_space<vmem>> -> memref<1x128x128xf32, #tpu.memory_space<vmem>>
      %dma_wait3A_160 = tpu.memref_squeeze %dma_wait3A_159 : memref<1x128x128xf32, #tpu.memory_space<vmem>> -> memref<128x128xf32, #tpu.memory_space<vmem>>
      %dma_wait3A_161 = arith.constant 0 : i32
      %dma_wait3A_162 = arith.constant 0 : i32
      %dma_wait3A_163 = tpu.memref_slice %dma_wait3A_160[%dma_wait3A_161, %dma_wait3A_162] : memref<128x128xf32, #tpu.memory_space<vmem>> -> memref<120x128xf32, #tpu.memory_space<vmem>>
      tpu.wait_dma2 semaphore(%run_scoped3A_127 : memref<!tpu.dma_semaphore, #tpu.memory_space<semaphore_mem>>) src(%dma_wait3A_163 : memref<120x128xf32, #tpu.memory_space<vmem>>) dst(%dma_wait3A_156 : memref<120x128xf32, #tpu.memory_space<hbm>>)
      tpu.yield
    }) : () -> ()
    return
  }
}

#map = affine_map<(d0, d1) -> (0, 0)>
#map1 = affine_map<(d0, d1) -> (0)>
module attributes {stable_mosaic.version = 14 : i64} {
  func.func @body(%arg0: i32, %arg1: i32, %arg2: memref<100000x128xf32, #tpu.memory_space<hbm>>, %arg3: memref<10240xi32, #tpu.memory_space<hbm>>, %arg4: memref<10240x128xf32, #tpu.memory_space<hbm>>, %arg5: memref<64xi32, #tpu.memory_space<vmem>>, %arg6: memref<64x128xf32, #tpu.memory_space<vmem>>, %arg7: memref<!tpu.dma_semaphore, #tpu.memory_space<semaphore_mem>>) attributes {dimension_semantics = [#tpu.dimension_semantics<core_parallel>, #tpu.dimension_semantics<subcore_parallel>], iteration_bounds = array<i64: 2, 16>, scalar_prefetch = 0 : i64, scratch_operands = 3 : i64, tpu.core_type = #tpu.core_type<sc_vector_subcore>, window_params = [{transform_indices = #map}, {transform_indices = #map1}, {transform_indices = #map}]} {
    %mul3A = arith.constant 2 : i32
    %mul3A_0 = arith.muli %arg1, %mul3A : i32
    %add3A = arith.addi %mul3A_0, %arg0 : i32
    %mul3A_1 = arith.constant 320 : i32
    %mul3A_2 = arith.muli %add3A, %mul3A_1 : i32
    %add3A_3 = arith.constant 0 : i32
    %add3A_4 = arith.addi %mul3A_2, %add3A_3 : i32
    "tpu.region"() ({
      %run_scoped3A = tpu.sem_alloc : memref<!tpu.dma_semaphore, #tpu.memory_space<semaphore_mem>>
      %dma_start3A_41 = tpu.memref_slice %arg3[%add3A_4] : memref<10240xi32, #tpu.memory_space<hbm>> -> memref<64xi32, #tpu.memory_space<hbm>>
      %dma_start3A_42 = tpu.memref_slice %arg3[%add3A_4] : memref<10240xi32, #tpu.memory_space<hbm>> -> memref<64xi32, #tpu.memory_space<hbm>>
      tpu.enqueue_dma source(%dma_start3A_42 : memref<64xi32, #tpu.memory_space<hbm>>) target(%arg5 : memref<64xi32, #tpu.memory_space<vmem>>) target_semaphore(%run_scoped3A : memref<!tpu.dma_semaphore, #tpu.memory_space<semaphore_mem>>)
      %dma_wait3A_43 = tpu.memref_slice %arg3[%add3A_4] : memref<10240xi32, #tpu.memory_space<hbm>> -> memref<64xi32, #tpu.memory_space<hbm>>
      %dma_wait3A_44 = tpu.memref_slice %arg3[%add3A_4] : memref<10240xi32, #tpu.memory_space<hbm>> -> memref<64xi32, #tpu.memory_space<hbm>>
      tpu.wait_dma2 semaphore(%run_scoped3A : memref<!tpu.dma_semaphore, #tpu.memory_space<semaphore_mem>>) src(%dma_wait3A_44 : memref<64xi32, #tpu.memory_space<hbm>>) dst(%arg5 : memref<64xi32, #tpu.memory_space<vmem>>)
      tpu.yield
    }) : () -> ()
    %dma_start3A = arith.constant 0 : i32
    %dma_start3A_5 = arith.constant 0 : i32
    %dma_start3A_6 = tpu.memref_slice %arg2[%dma_start3A, %dma_start3A_5] : memref<100000x128xf32, #tpu.memory_space<hbm>> -> memref<100000x128xf32, #tpu.memory_space<hbm>>
    tpu.enqueue_indirect_dma source(%dma_start3A_6 : memref<100000x128xf32, #tpu.memory_space<hbm>>) target(%arg6 : memref<64x128xf32, #tpu.memory_space<vmem>>) offsets(%arg5 : memref<64xi32, #tpu.memory_space<vmem>>) semaphore(%arg7 : memref<!tpu.dma_semaphore, #tpu.memory_space<semaphore_mem>>)
    %dma_wait3A = arith.constant 0 : i32
    %dma_wait3A_7 = arith.constant 0 : i32
    %dma_wait3A_8 = tpu.memref_slice %arg2[%dma_wait3A, %dma_wait3A_7] : memref<100000x128xf32, #tpu.memory_space<hbm>> -> memref<100000x128xf32, #tpu.memory_space<hbm>>
    tpu.wait_indirect_dma semaphore(%arg7 : memref<!tpu.dma_semaphore, #tpu.memory_space<semaphore_mem>>) src(%dma_wait3A_8 : memref<100000x128xf32, #tpu.memory_space<hbm>>) dst(%arg6 : memref<64x128xf32, #tpu.memory_space<vmem>>)
    "tpu.region"() ({
      %run_scoped3A = tpu.sem_alloc : memref<!tpu.dma_semaphore, #tpu.memory_space<semaphore_mem>>
      %dma_start3A_41 = arith.constant 0 : i32
      %dma_start3A_42 = tpu.memref_slice %arg4[%add3A_4, %dma_start3A_41] : memref<10240x128xf32, #tpu.memory_space<hbm>> -> memref<64x128xf32, #tpu.memory_space<hbm>>
      %dma_start3A_43 = arith.constant 0 : i32
      %dma_start3A_44 = tpu.memref_slice %arg4[%add3A_4, %dma_start3A_43] : memref<10240x128xf32, #tpu.memory_space<hbm>> -> memref<64x128xf32, #tpu.memory_space<hbm>>
      tpu.enqueue_dma source(%arg6 : memref<64x128xf32, #tpu.memory_space<vmem>>) target(%dma_start3A_44 : memref<64x128xf32, #tpu.memory_space<hbm>>) target_semaphore(%run_scoped3A : memref<!tpu.dma_semaphore, #tpu.memory_space<semaphore_mem>>)
      %dma_wait3A_45 = arith.constant 0 : i32
      %dma_wait3A_46 = tpu.memref_slice %arg4[%add3A_4, %dma_wait3A_45] : memref<10240x128xf32, #tpu.memory_space<hbm>> -> memref<64x128xf32, #tpu.memory_space<hbm>>
      %dma_wait3A_47 = arith.constant 0 : i32
      %dma_wait3A_48 = tpu.memref_slice %arg4[%add3A_4, %dma_wait3A_47] : memref<10240x128xf32, #tpu.memory_space<hbm>> -> memref<64x128xf32, #tpu.memory_space<hbm>>
      tpu.wait_dma2 semaphore(%run_scoped3A : memref<!tpu.dma_semaphore, #tpu.memory_space<semaphore_mem>>) src(%arg6 : memref<64x128xf32, #tpu.memory_space<vmem>>) dst(%dma_wait3A_48 : memref<64x128xf32, #tpu.memory_space<hbm>>)
      tpu.yield
    }) : () -> ()
    %add3A_9 = arith.constant 64 : i32
    %add3A_10 = arith.addi %mul3A_2, %add3A_9 : i32
    "tpu.region"() ({
      %run_scoped3A = tpu.sem_alloc : memref<!tpu.dma_semaphore, #tpu.memory_space<semaphore_mem>>
      %dma_start3A_41 = tpu.memref_slice %arg3[%add3A_10] : memref<10240xi32, #tpu.memory_space<hbm>> -> memref<64xi32, #tpu.memory_space<hbm>>
      %dma_start3A_42 = tpu.memref_slice %arg3[%add3A_10] : memref<10240xi32, #tpu.memory_space<hbm>> -> memref<64xi32, #tpu.memory_space<hbm>>
      tpu.enqueue_dma source(%dma_start3A_42 : memref<64xi32, #tpu.memory_space<hbm>>) target(%arg5 : memref<64xi32, #tpu.memory_space<vmem>>) target_semaphore(%run_scoped3A : memref<!tpu.dma_semaphore, #tpu.memory_space<semaphore_mem>>)
      %dma_wait3A_43 = tpu.memref_slice %arg3[%add3A_10] : memref<10240xi32, #tpu.memory_space<hbm>> -> memref<64xi32, #tpu.memory_space<hbm>>
      %dma_wait3A_44 = tpu.memref_slice %arg3[%add3A_10] : memref<10240xi32, #tpu.memory_space<hbm>> -> memref<64xi32, #tpu.memory_space<hbm>>
      tpu.wait_dma2 semaphore(%run_scoped3A : memref<!tpu.dma_semaphore, #tpu.memory_space<semaphore_mem>>) src(%dma_wait3A_44 : memref<64xi32, #tpu.memory_space<hbm>>) dst(%arg5 : memref<64xi32, #tpu.memory_space<vmem>>)
      tpu.yield
    }) : () -> ()
    %dma_start3A_11 = arith.constant 0 : i32
    %dma_start3A_12 = arith.constant 0 : i32
    %dma_start3A_13 = tpu.memref_slice %arg2[%dma_start3A_11, %dma_start3A_12] : memref<100000x128xf32, #tpu.memory_space<hbm>> -> memref<100000x128xf32, #tpu.memory_space<hbm>>
    tpu.enqueue_indirect_dma source(%dma_start3A_13 : memref<100000x128xf32, #tpu.memory_space<hbm>>) target(%arg6 : memref<64x128xf32, #tpu.memory_space<vmem>>) offsets(%arg5 : memref<64xi32, #tpu.memory_space<vmem>>) semaphore(%arg7 : memref<!tpu.dma_semaphore, #tpu.memory_space<semaphore_mem>>)
    %dma_wait3A_14 = arith.constant 0 : i32
    %dma_wait3A_15 = arith.constant 0 : i32
    %dma_wait3A_16 = tpu.memref_slice %arg2[%dma_wait3A_14, %dma_wait3A_15] : memref<100000x128xf32, #tpu.memory_space<hbm>> -> memref<100000x128xf32, #tpu.memory_space<hbm>>
    tpu.wait_indirect_dma semaphore(%arg7 : memref<!tpu.dma_semaphore, #tpu.memory_space<semaphore_mem>>) src(%dma_wait3A_16 : memref<100000x128xf32, #tpu.memory_space<hbm>>) dst(%arg6 : memref<64x128xf32, #tpu.memory_space<vmem>>)
    "tpu.region"() ({
      %run_scoped3A = tpu.sem_alloc : memref<!tpu.dma_semaphore, #tpu.memory_space<semaphore_mem>>
      %dma_start3A_41 = arith.constant 0 : i32
      %dma_start3A_42 = tpu.memref_slice %arg4[%add3A_10, %dma_start3A_41] : memref<10240x128xf32, #tpu.memory_space<hbm>> -> memref<64x128xf32, #tpu.memory_space<hbm>>
      %dma_start3A_43 = arith.constant 0 : i32
      %dma_start3A_44 = tpu.memref_slice %arg4[%add3A_10, %dma_start3A_43] : memref<10240x128xf32, #tpu.memory_space<hbm>> -> memref<64x128xf32, #tpu.memory_space<hbm>>
      tpu.enqueue_dma source(%arg6 : memref<64x128xf32, #tpu.memory_space<vmem>>) target(%dma_start3A_44 : memref<64x128xf32, #tpu.memory_space<hbm>>) target_semaphore(%run_scoped3A : memref<!tpu.dma_semaphore, #tpu.memory_space<semaphore_mem>>)
      %dma_wait3A_45 = arith.constant 0 : i32
      %dma_wait3A_46 = tpu.memref_slice %arg4[%add3A_10, %dma_wait3A_45] : memref<10240x128xf32, #tpu.memory_space<hbm>> -> memref<64x128xf32, #tpu.memory_space<hbm>>
      %dma_wait3A_47 = arith.constant 0 : i32
      %dma_wait3A_48 = tpu.memref_slice %arg4[%add3A_10, %dma_wait3A_47] : memref<10240x128xf32, #tpu.memory_space<hbm>> -> memref<64x128xf32, #tpu.memory_space<hbm>>
      tpu.wait_dma2 semaphore(%run_scoped3A : memref<!tpu.dma_semaphore, #tpu.memory_space<semaphore_mem>>) src(%arg6 : memref<64x128xf32, #tpu.memory_space<vmem>>) dst(%dma_wait3A_48 : memref<64x128xf32, #tpu.memory_space<hbm>>)
      tpu.yield
    }) : () -> ()
    %add3A_17 = arith.constant 128 : i32
    %add3A_18 = arith.addi %mul3A_2, %add3A_17 : i32
    "tpu.region"() ({
      %run_scoped3A = tpu.sem_alloc : memref<!tpu.dma_semaphore, #tpu.memory_space<semaphore_mem>>
      %dma_start3A_41 = tpu.memref_slice %arg3[%add3A_18] : memref<10240xi32, #tpu.memory_space<hbm>> -> memref<64xi32, #tpu.memory_space<hbm>>
      %dma_start3A_42 = tpu.memref_slice %arg3[%add3A_18] : memref<10240xi32, #tpu.memory_space<hbm>> -> memref<64xi32, #tpu.memory_space<hbm>>
      tpu.enqueue_dma source(%dma_start3A_42 : memref<64xi32, #tpu.memory_space<hbm>>) target(%arg5 : memref<64xi32, #tpu.memory_space<vmem>>) target_semaphore(%run_scoped3A : memref<!tpu.dma_semaphore, #tpu.memory_space<semaphore_mem>>)
      %dma_wait3A_43 = tpu.memref_slice %arg3[%add3A_18] : memref<10240xi32, #tpu.memory_space<hbm>> -> memref<64xi32, #tpu.memory_space<hbm>>
      %dma_wait3A_44 = tpu.memref_slice %arg3[%add3A_18] : memref<10240xi32, #tpu.memory_space<hbm>> -> memref<64xi32, #tpu.memory_space<hbm>>
      tpu.wait_dma2 semaphore(%run_scoped3A : memref<!tpu.dma_semaphore, #tpu.memory_space<semaphore_mem>>) src(%dma_wait3A_44 : memref<64xi32, #tpu.memory_space<hbm>>) dst(%arg5 : memref<64xi32, #tpu.memory_space<vmem>>)
      tpu.yield
    }) : () -> ()
    %dma_start3A_19 = arith.constant 0 : i32
    %dma_start3A_20 = arith.constant 0 : i32
    %dma_start3A_21 = tpu.memref_slice %arg2[%dma_start3A_19, %dma_start3A_20] : memref<100000x128xf32, #tpu.memory_space<hbm>> -> memref<100000x128xf32, #tpu.memory_space<hbm>>
    tpu.enqueue_indirect_dma source(%dma_start3A_21 : memref<100000x128xf32, #tpu.memory_space<hbm>>) target(%arg6 : memref<64x128xf32, #tpu.memory_space<vmem>>) offsets(%arg5 : memref<64xi32, #tpu.memory_space<vmem>>) semaphore(%arg7 : memref<!tpu.dma_semaphore, #tpu.memory_space<semaphore_mem>>)
    %dma_wait3A_22 = arith.constant 0 : i32
    %dma_wait3A_23 = arith.constant 0 : i32
    %dma_wait3A_24 = tpu.memref_slice %arg2[%dma_wait3A_22, %dma_wait3A_23] : memref<100000x128xf32, #tpu.memory_space<hbm>> -> memref<100000x128xf32, #tpu.memory_space<hbm>>
    tpu.wait_indirect_dma semaphore(%arg7 : memref<!tpu.dma_semaphore, #tpu.memory_space<semaphore_mem>>) src(%dma_wait3A_24 : memref<100000x128xf32, #tpu.memory_space<hbm>>) dst(%arg6 : memref<64x128xf32, #tpu.memory_space<vmem>>)
    "tpu.region"() ({
      %run_scoped3A = tpu.sem_alloc : memref<!tpu.dma_semaphore, #tpu.memory_space<semaphore_mem>>
      %dma_start3A_41 = arith.constant 0 : i32
      %dma_start3A_42 = tpu.memref_slice %arg4[%add3A_18, %dma_start3A_41] : memref<10240x128xf32, #tpu.memory_space<hbm>> -> memref<64x128xf32, #tpu.memory_space<hbm>>
      %dma_start3A_43 = arith.constant 0 : i32
      %dma_start3A_44 = tpu.memref_slice %arg4[%add3A_18, %dma_start3A_43] : memref<10240x128xf32, #tpu.memory_space<hbm>> -> memref<64x128xf32, #tpu.memory_space<hbm>>
      tpu.enqueue_dma source(%arg6 : memref<64x128xf32, #tpu.memory_space<vmem>>) target(%dma_start3A_44 : memref<64x128xf32, #tpu.memory_space<hbm>>) target_semaphore(%run_scoped3A : memref<!tpu.dma_semaphore, #tpu.memory_space<semaphore_mem>>)
      %dma_wait3A_45 = arith.constant 0 : i32
      %dma_wait3A_46 = tpu.memref_slice %arg4[%add3A_18, %dma_wait3A_45] : memref<10240x128xf32, #tpu.memory_space<hbm>> -> memref<64x128xf32, #tpu.memory_space<hbm>>
      %dma_wait3A_47 = arith.constant 0 : i32
      %dma_wait3A_48 = tpu.memref_slice %arg4[%add3A_18, %dma_wait3A_47] : memref<10240x128xf32, #tpu.memory_space<hbm>> -> memref<64x128xf32, #tpu.memory_space<hbm>>
      tpu.wait_dma2 semaphore(%run_scoped3A : memref<!tpu.dma_semaphore, #tpu.memory_space<semaphore_mem>>) src(%arg6 : memref<64x128xf32, #tpu.memory_space<vmem>>) dst(%dma_wait3A_48 : memref<64x128xf32, #tpu.memory_space<hbm>>)
      tpu.yield
    }) : () -> ()
    %add3A_25 = arith.constant 192 : i32
    %add3A_26 = arith.addi %mul3A_2, %add3A_25 : i32
    "tpu.region"() ({
      %run_scoped3A = tpu.sem_alloc : memref<!tpu.dma_semaphore, #tpu.memory_space<semaphore_mem>>
      %dma_start3A_41 = tpu.memref_slice %arg3[%add3A_26] : memref<10240xi32, #tpu.memory_space<hbm>> -> memref<64xi32, #tpu.memory_space<hbm>>
      %dma_start3A_42 = tpu.memref_slice %arg3[%add3A_26] : memref<10240xi32, #tpu.memory_space<hbm>> -> memref<64xi32, #tpu.memory_space<hbm>>
      tpu.enqueue_dma source(%dma_start3A_42 : memref<64xi32, #tpu.memory_space<hbm>>) target(%arg5 : memref<64xi32, #tpu.memory_space<vmem>>) target_semaphore(%run_scoped3A : memref<!tpu.dma_semaphore, #tpu.memory_space<semaphore_mem>>)
      %dma_wait3A_43 = tpu.memref_slice %arg3[%add3A_26] : memref<10240xi32, #tpu.memory_space<hbm>> -> memref<64xi32, #tpu.memory_space<hbm>>
      %dma_wait3A_44 = tpu.memref_slice %arg3[%add3A_26] : memref<10240xi32, #tpu.memory_space<hbm>> -> memref<64xi32, #tpu.memory_space<hbm>>
      tpu.wait_dma2 semaphore(%run_scoped3A : memref<!tpu.dma_semaphore, #tpu.memory_space<semaphore_mem>>) src(%dma_wait3A_44 : memref<64xi32, #tpu.memory_space<hbm>>) dst(%arg5 : memref<64xi32, #tpu.memory_space<vmem>>)
      tpu.yield
    }) : () -> ()
    %dma_start3A_27 = arith.constant 0 : i32
    %dma_start3A_28 = arith.constant 0 : i32
    %dma_start3A_29 = tpu.memref_slice %arg2[%dma_start3A_27, %dma_start3A_28] : memref<100000x128xf32, #tpu.memory_space<hbm>> -> memref<100000x128xf32, #tpu.memory_space<hbm>>
    tpu.enqueue_indirect_dma source(%dma_start3A_29 : memref<100000x128xf32, #tpu.memory_space<hbm>>) target(%arg6 : memref<64x128xf32, #tpu.memory_space<vmem>>) offsets(%arg5 : memref<64xi32, #tpu.memory_space<vmem>>) semaphore(%arg7 : memref<!tpu.dma_semaphore, #tpu.memory_space<semaphore_mem>>)
    %dma_wait3A_30 = arith.constant 0 : i32
    %dma_wait3A_31 = arith.constant 0 : i32
    %dma_wait3A_32 = tpu.memref_slice %arg2[%dma_wait3A_30, %dma_wait3A_31] : memref<100000x128xf32, #tpu.memory_space<hbm>> -> memref<100000x128xf32, #tpu.memory_space<hbm>>
    tpu.wait_indirect_dma semaphore(%arg7 : memref<!tpu.dma_semaphore, #tpu.memory_space<semaphore_mem>>) src(%dma_wait3A_32 : memref<100000x128xf32, #tpu.memory_space<hbm>>) dst(%arg6 : memref<64x128xf32, #tpu.memory_space<vmem>>)
    "tpu.region"() ({
      %run_scoped3A = tpu.sem_alloc : memref<!tpu.dma_semaphore, #tpu.memory_space<semaphore_mem>>
      %dma_start3A_41 = arith.constant 0 : i32
      %dma_start3A_42 = tpu.memref_slice %arg4[%add3A_26, %dma_start3A_41] : memref<10240x128xf32, #tpu.memory_space<hbm>> -> memref<64x128xf32, #tpu.memory_space<hbm>>
      %dma_start3A_43 = arith.constant 0 : i32
      %dma_start3A_44 = tpu.memref_slice %arg4[%add3A_26, %dma_start3A_43] : memref<10240x128xf32, #tpu.memory_space<hbm>> -> memref<64x128xf32, #tpu.memory_space<hbm>>
      tpu.enqueue_dma source(%arg6 : memref<64x128xf32, #tpu.memory_space<vmem>>) target(%dma_start3A_44 : memref<64x128xf32, #tpu.memory_space<hbm>>) target_semaphore(%run_scoped3A : memref<!tpu.dma_semaphore, #tpu.memory_space<semaphore_mem>>)
      %dma_wait3A_45 = arith.constant 0 : i32
      %dma_wait3A_46 = tpu.memref_slice %arg4[%add3A_26, %dma_wait3A_45] : memref<10240x128xf32, #tpu.memory_space<hbm>> -> memref<64x128xf32, #tpu.memory_space<hbm>>
      %dma_wait3A_47 = arith.constant 0 : i32
      %dma_wait3A_48 = tpu.memref_slice %arg4[%add3A_26, %dma_wait3A_47] : memref<10240x128xf32, #tpu.memory_space<hbm>> -> memref<64x128xf32, #tpu.memory_space<hbm>>
      tpu.wait_dma2 semaphore(%run_scoped3A : memref<!tpu.dma_semaphore, #tpu.memory_space<semaphore_mem>>) src(%arg6 : memref<64x128xf32, #tpu.memory_space<vmem>>) dst(%dma_wait3A_48 : memref<64x128xf32, #tpu.memory_space<hbm>>)
      tpu.yield
    }) : () -> ()
    %add3A_33 = arith.constant 256 : i32
    %add3A_34 = arith.addi %mul3A_2, %add3A_33 : i32
    "tpu.region"() ({
      %run_scoped3A = tpu.sem_alloc : memref<!tpu.dma_semaphore, #tpu.memory_space<semaphore_mem>>
      %dma_start3A_41 = tpu.memref_slice %arg3[%add3A_34] : memref<10240xi32, #tpu.memory_space<hbm>> -> memref<64xi32, #tpu.memory_space<hbm>>
      %dma_start3A_42 = tpu.memref_slice %arg3[%add3A_34] : memref<10240xi32, #tpu.memory_space<hbm>> -> memref<64xi32, #tpu.memory_space<hbm>>
      tpu.enqueue_dma source(%dma_start3A_42 : memref<64xi32, #tpu.memory_space<hbm>>) target(%arg5 : memref<64xi32, #tpu.memory_space<vmem>>) target_semaphore(%run_scoped3A : memref<!tpu.dma_semaphore, #tpu.memory_space<semaphore_mem>>)
      %dma_wait3A_43 = tpu.memref_slice %arg3[%add3A_34] : memref<10240xi32, #tpu.memory_space<hbm>> -> memref<64xi32, #tpu.memory_space<hbm>>
      %dma_wait3A_44 = tpu.memref_slice %arg3[%add3A_34] : memref<10240xi32, #tpu.memory_space<hbm>> -> memref<64xi32, #tpu.memory_space<hbm>>
      tpu.wait_dma2 semaphore(%run_scoped3A : memref<!tpu.dma_semaphore, #tpu.memory_space<semaphore_mem>>) src(%dma_wait3A_44 : memref<64xi32, #tpu.memory_space<hbm>>) dst(%arg5 : memref<64xi32, #tpu.memory_space<vmem>>)
      tpu.yield
    }) : () -> ()
    %dma_start3A_35 = arith.constant 0 : i32
    %dma_start3A_36 = arith.constant 0 : i32
    %dma_start3A_37 = tpu.memref_slice %arg2[%dma_start3A_35, %dma_start3A_36] : memref<100000x128xf32, #tpu.memory_space<hbm>> -> memref<100000x128xf32, #tpu.memory_space<hbm>>
    tpu.enqueue_indirect_dma source(%dma_start3A_37 : memref<100000x128xf32, #tpu.memory_space<hbm>>) target(%arg6 : memref<64x128xf32, #tpu.memory_space<vmem>>) offsets(%arg5 : memref<64xi32, #tpu.memory_space<vmem>>) semaphore(%arg7 : memref<!tpu.dma_semaphore, #tpu.memory_space<semaphore_mem>>)
    %dma_wait3A_38 = arith.constant 0 : i32
    %dma_wait3A_39 = arith.constant 0 : i32
    %dma_wait3A_40 = tpu.memref_slice %arg2[%dma_wait3A_38, %dma_wait3A_39] : memref<100000x128xf32, #tpu.memory_space<hbm>> -> memref<100000x128xf32, #tpu.memory_space<hbm>>
    tpu.wait_indirect_dma semaphore(%arg7 : memref<!tpu.dma_semaphore, #tpu.memory_space<semaphore_mem>>) src(%dma_wait3A_40 : memref<100000x128xf32, #tpu.memory_space<hbm>>) dst(%arg6 : memref<64x128xf32, #tpu.memory_space<vmem>>)
    "tpu.region"() ({
      %run_scoped3A = tpu.sem_alloc : memref<!tpu.dma_semaphore, #tpu.memory_space<semaphore_mem>>
      %dma_start3A_41 = arith.constant 0 : i32
      %dma_start3A_42 = tpu.memref_slice %arg4[%add3A_34, %dma_start3A_41] : memref<10240x128xf32, #tpu.memory_space<hbm>> -> memref<64x128xf32, #tpu.memory_space<hbm>>
      %dma_start3A_43 = arith.constant 0 : i32
      %dma_start3A_44 = tpu.memref_slice %arg4[%add3A_34, %dma_start3A_43] : memref<10240x128xf32, #tpu.memory_space<hbm>> -> memref<64x128xf32, #tpu.memory_space<hbm>>
      tpu.enqueue_dma source(%arg6 : memref<64x128xf32, #tpu.memory_space<vmem>>) target(%dma_start3A_44 : memref<64x128xf32, #tpu.memory_space<hbm>>) target_semaphore(%run_scoped3A : memref<!tpu.dma_semaphore, #tpu.memory_space<semaphore_mem>>)
      %dma_wait3A_45 = arith.constant 0 : i32
      %dma_wait3A_46 = tpu.memref_slice %arg4[%add3A_34, %dma_wait3A_45] : memref<10240x128xf32, #tpu.memory_space<hbm>> -> memref<64x128xf32, #tpu.memory_space<hbm>>
      %dma_wait3A_47 = arith.constant 0 : i32
      %dma_wait3A_48 = tpu.memref_slice %arg4[%add3A_34, %dma_wait3A_47] : memref<10240x128xf32, #tpu.memory_space<hbm>> -> memref<64x128xf32, #tpu.memory_space<hbm>>
      tpu.wait_dma2 semaphore(%run_scoped3A : memref<!tpu.dma_semaphore, #tpu.memory_space<semaphore_mem>>) src(%arg6 : memref<64x128xf32, #tpu.memory_space<vmem>>) dst(%dma_wait3A_48 : memref<64x128xf32, #tpu.memory_space<hbm>>)
      tpu.yield
    }) : () -> ()
    return
  }
}

#map = affine_map<(d0, d1) -> (0)>
#map1 = affine_map<(d0, d1) -> (0, 0)>
module attributes {stable_mosaic.version = 14 : i64} {
  func.func @body(%arg0: i32, %arg1: i32, %arg2: memref<323584xi32, #tpu.memory_space<hbm>>, %arg3: memref<128x128xf32, #tpu.memory_space<hbm>>, %arg4: memref<128x128xf32, #tpu.memory_space<hbm>>, %arg5: memref<20224x128xf32, #tpu.memory_space<hbm>>, %arg6: memref<128xi32, #tpu.memory_space<vmem>>, %arg7: memref<128x128xf32, #tpu.memory_space<vmem>>, %arg8: memref<10112x128xf32, #tpu.memory_space<vmem_shared>>) attributes {dimension_semantics = [#tpu.dimension_semantics<core_parallel>, #tpu.dimension_semantics<subcore_parallel>], iteration_bounds = array<i64: 2, 16>, scalar_prefetch = 0 : i64, scratch_operands = 3 : i64, tpu.core_type = #tpu.core_type<sc_vector_subcore>, window_params = [{transform_indices = #map}, {transform_indices = #map1}, {transform_indices = #map1}, {transform_indices = #map1}]} {
    %mul3A = arith.constant 2 : i32
    %mul3A_0 = arith.muli %arg1, %mul3A : i32
    %add3A = arith.addi %mul3A_0, %arg0 : i32
    "tpu.region"() ({
      %run_scoped3A = tpu.sem_alloc : memref<!tpu.dma_semaphore, #tpu.memory_space<semaphore_mem>>
      tpu.enqueue_dma source(%arg3 : memref<128x128xf32, #tpu.memory_space<hbm>>) target(%arg7 : memref<128x128xf32, #tpu.memory_space<vmem>>) target_semaphore(%run_scoped3A : memref<!tpu.dma_semaphore, #tpu.memory_space<semaphore_mem>>)
      tpu.wait_dma2 semaphore(%run_scoped3A : memref<!tpu.dma_semaphore, #tpu.memory_space<semaphore_mem>>) src(%arg3 : memref<128x128xf32, #tpu.memory_space<hbm>>) dst(%arg7 : memref<128x128xf32, #tpu.memory_space<vmem>>)
      tpu.yield
    }) : () -> ()
    %mul3A_1 = arith.constant 632 : i32
    %mul3A_2 = arith.muli %arg1, %mul3A_1 : i32
    %add3A_3 = arith.constant 0 : i32
    %add3A_4 = arith.addi %mul3A_2, %add3A_3 : i32
    "tpu.region"() ({
      %run_scoped3A = tpu.sem_alloc : memref<!tpu.dma_semaphore, #tpu.memory_space<semaphore_mem>>
      %dma_start3A = arith.constant 0 : i32
      %dma_start3A_85 = arith.constant 0 : i32
      %dma_start3A_86 = tpu.memref_slice %arg7[%dma_start3A, %dma_start3A_85] : memref<128x128xf32, #tpu.memory_space<vmem>> -> memref<128x128xf32, #tpu.memory_space<vmem>>
      %dma_start3A_87 = arith.constant 0 : i32
      %dma_start3A_88 = tpu.memref_slice %arg8[%add3A_4, %dma_start3A_87] : memref<10112x128xf32, #tpu.memory_space<vmem_shared>> -> memref<128x128xf32, #tpu.memory_space<vmem_shared>>
      %dma_start3A_89 = arith.constant 0 : i32
      %dma_start3A_90 = tpu.memref_slice %arg8[%add3A_4, %dma_start3A_89] : memref<10112x128xf32, #tpu.memory_space<vmem_shared>> -> memref<128x128xf32, #tpu.memory_space<vmem_shared>>
      %dma_start3A_91 = arith.constant 0 : i32
      %dma_start3A_92 = arith.constant 0 : i32
      %dma_start3A_93 = tpu.memref_slice %arg7[%dma_start3A_91, %dma_start3A_92] : memref<128x128xf32, #tpu.memory_space<vmem>> -> memref<128x128xf32, #tpu.memory_space<vmem>>
      tpu.enqueue_dma source(%dma_start3A_93 : memref<128x128xf32, #tpu.memory_space<vmem>>) target(%dma_start3A_90 : memref<128x128xf32, #tpu.memory_space<vmem_shared>>) target_semaphore(%run_scoped3A : memref<!tpu.dma_semaphore, #tpu.memory_space<semaphore_mem>>)
      %dma_wait3A = arith.constant 0 : i32
      %dma_wait3A_94 = arith.constant 0 : i32
      %dma_wait3A_95 = tpu.memref_slice %arg7[%dma_wait3A, %dma_wait3A_94] : memref<128x128xf32, #tpu.memory_space<vmem>> -> memref<128x128xf32, #tpu.memory_space<vmem>>
      %dma_wait3A_96 = arith.constant 0 : i32
      %dma_wait3A_97 = tpu.memref_slice %arg8[%add3A_4, %dma_wait3A_96] : memref<10112x128xf32, #tpu.memory_space<vmem_shared>> -> memref<128x128xf32, #tpu.memory_space<vmem_shared>>
      %dma_wait3A_98 = arith.constant 0 : i32
      %dma_wait3A_99 = tpu.memref_slice %arg8[%add3A_4, %dma_wait3A_98] : memref<10112x128xf32, #tpu.memory_space<vmem_shared>> -> memref<128x128xf32, #tpu.memory_space<vmem_shared>>
      %dma_wait3A_100 = arith.constant 0 : i32
      %dma_wait3A_101 = arith.constant 0 : i32
      %dma_wait3A_102 = tpu.memref_slice %arg7[%dma_wait3A_100, %dma_wait3A_101] : memref<128x128xf32, #tpu.memory_space<vmem>> -> memref<128x128xf32, #tpu.memory_space<vmem>>
      tpu.wait_dma2 semaphore(%run_scoped3A : memref<!tpu.dma_semaphore, #tpu.memory_space<semaphore_mem>>) src(%dma_wait3A_102 : memref<128x128xf32, #tpu.memory_space<vmem>>) dst(%dma_wait3A_99 : memref<128x128xf32, #tpu.memory_space<vmem_shared>>)
      tpu.yield
    }) : () -> ()
    %mul3A_5 = arith.constant 632 : i32
    %mul3A_6 = arith.muli %arg1, %mul3A_5 : i32
    %add3A_7 = arith.constant 128 : i32
    %add3A_8 = arith.addi %mul3A_6, %add3A_7 : i32
    "tpu.region"() ({
      %run_scoped3A = tpu.sem_alloc : memref<!tpu.dma_semaphore, #tpu.memory_space<semaphore_mem>>
      %dma_start3A = arith.constant 0 : i32
      %dma_start3A_85 = arith.constant 0 : i32
      %dma_start3A_86 = tpu.memref_slice %arg7[%dma_start3A, %dma_start3A_85] : memref<128x128xf32, #tpu.memory_space<vmem>> -> memref<128x128xf32, #tpu.memory_space<vmem>>
      %dma_start3A_87 = arith.constant 0 : i32
      %dma_start3A_88 = tpu.memref_slice %arg8[%add3A_8, %dma_start3A_87] : memref<10112x128xf32, #tpu.memory_space<vmem_shared>> -> memref<128x128xf32, #tpu.memory_space<vmem_shared>>
      %dma_start3A_89 = arith.constant 0 : i32
      %dma_start3A_90 = tpu.memref_slice %arg8[%add3A_8, %dma_start3A_89] : memref<10112x128xf32, #tpu.memory_space<vmem_shared>> -> memref<128x128xf32, #tpu.memory_space<vmem_shared>>
      %dma_start3A_91 = arith.constant 0 : i32
      %dma_start3A_92 = arith.constant 0 : i32
      %dma_start3A_93 = tpu.memref_slice %arg7[%dma_start3A_91, %dma_start3A_92] : memref<128x128xf32, #tpu.memory_space<vmem>> -> memref<128x128xf32, #tpu.memory_space<vmem>>
      tpu.enqueue_dma source(%dma_start3A_93 : memref<128x128xf32, #tpu.memory_space<vmem>>) target(%dma_start3A_90 : memref<128x128xf32, #tpu.memory_space<vmem_shared>>) target_semaphore(%run_scoped3A : memref<!tpu.dma_semaphore, #tpu.memory_space<semaphore_mem>>)
      %dma_wait3A = arith.constant 0 : i32
      %dma_wait3A_94 = arith.constant 0 : i32
      %dma_wait3A_95 = tpu.memref_slice %arg7[%dma_wait3A, %dma_wait3A_94] : memref<128x128xf32, #tpu.memory_space<vmem>> -> memref<128x128xf32, #tpu.memory_space<vmem>>
      %dma_wait3A_96 = arith.constant 0 : i32
      %dma_wait3A_97 = tpu.memref_slice %arg8[%add3A_8, %dma_wait3A_96] : memref<10112x128xf32, #tpu.memory_space<vmem_shared>> -> memref<128x128xf32, #tpu.memory_space<vmem_shared>>
      %dma_wait3A_98 = arith.constant 0 : i32
      %dma_wait3A_99 = tpu.memref_slice %arg8[%add3A_8, %dma_wait3A_98] : memref<10112x128xf32, #tpu.memory_space<vmem_shared>> -> memref<128x128xf32, #tpu.memory_space<vmem_shared>>
      %dma_wait3A_100 = arith.constant 0 : i32
      %dma_wait3A_101 = arith.constant 0 : i32
      %dma_wait3A_102 = tpu.memref_slice %arg7[%dma_wait3A_100, %dma_wait3A_101] : memref<128x128xf32, #tpu.memory_space<vmem>> -> memref<128x128xf32, #tpu.memory_space<vmem>>
      tpu.wait_dma2 semaphore(%run_scoped3A : memref<!tpu.dma_semaphore, #tpu.memory_space<semaphore_mem>>) src(%dma_wait3A_102 : memref<128x128xf32, #tpu.memory_space<vmem>>) dst(%dma_wait3A_99 : memref<128x128xf32, #tpu.memory_space<vmem_shared>>)
      tpu.yield
    }) : () -> ()
    %mul3A_9 = arith.constant 632 : i32
    %mul3A_10 = arith.muli %arg1, %mul3A_9 : i32
    %add3A_11 = arith.constant 256 : i32
    %add3A_12 = arith.addi %mul3A_10, %add3A_11 : i32
    "tpu.region"() ({
      %run_scoped3A = tpu.sem_alloc : memref<!tpu.dma_semaphore, #tpu.memory_space<semaphore_mem>>
      %dma_start3A = arith.constant 0 : i32
      %dma_start3A_85 = arith.constant 0 : i32
      %dma_start3A_86 = tpu.memref_slice %arg7[%dma_start3A, %dma_start3A_85] : memref<128x128xf32, #tpu.memory_space<vmem>> -> memref<128x128xf32, #tpu.memory_space<vmem>>
      %dma_start3A_87 = arith.constant 0 : i32
      %dma_start3A_88 = tpu.memref_slice %arg8[%add3A_12, %dma_start3A_87] : memref<10112x128xf32, #tpu.memory_space<vmem_shared>> -> memref<128x128xf32, #tpu.memory_space<vmem_shared>>
      %dma_start3A_89 = arith.constant 0 : i32
      %dma_start3A_90 = tpu.memref_slice %arg8[%add3A_12, %dma_start3A_89] : memref<10112x128xf32, #tpu.memory_space<vmem_shared>> -> memref<128x128xf32, #tpu.memory_space<vmem_shared>>
      %dma_start3A_91 = arith.constant 0 : i32
      %dma_start3A_92 = arith.constant 0 : i32
      %dma_start3A_93 = tpu.memref_slice %arg7[%dma_start3A_91, %dma_start3A_92] : memref<128x128xf32, #tpu.memory_space<vmem>> -> memref<128x128xf32, #tpu.memory_space<vmem>>
      tpu.enqueue_dma source(%dma_start3A_93 : memref<128x128xf32, #tpu.memory_space<vmem>>) target(%dma_start3A_90 : memref<128x128xf32, #tpu.memory_space<vmem_shared>>) target_semaphore(%run_scoped3A : memref<!tpu.dma_semaphore, #tpu.memory_space<semaphore_mem>>)
      %dma_wait3A = arith.constant 0 : i32
      %dma_wait3A_94 = arith.constant 0 : i32
      %dma_wait3A_95 = tpu.memref_slice %arg7[%dma_wait3A, %dma_wait3A_94] : memref<128x128xf32, #tpu.memory_space<vmem>> -> memref<128x128xf32, #tpu.memory_space<vmem>>
      %dma_wait3A_96 = arith.constant 0 : i32
      %dma_wait3A_97 = tpu.memref_slice %arg8[%add3A_12, %dma_wait3A_96] : memref<10112x128xf32, #tpu.memory_space<vmem_shared>> -> memref<128x128xf32, #tpu.memory_space<vmem_shared>>
      %dma_wait3A_98 = arith.constant 0 : i32
      %dma_wait3A_99 = tpu.memref_slice %arg8[%add3A_12, %dma_wait3A_98] : memref<10112x128xf32, #tpu.memory_space<vmem_shared>> -> memref<128x128xf32, #tpu.memory_space<vmem_shared>>
      %dma_wait3A_100 = arith.constant 0 : i32
      %dma_wait3A_101 = arith.constant 0 : i32
      %dma_wait3A_102 = tpu.memref_slice %arg7[%dma_wait3A_100, %dma_wait3A_101] : memref<128x128xf32, #tpu.memory_space<vmem>> -> memref<128x128xf32, #tpu.memory_space<vmem>>
      tpu.wait_dma2 semaphore(%run_scoped3A : memref<!tpu.dma_semaphore, #tpu.memory_space<semaphore_mem>>) src(%dma_wait3A_102 : memref<128x128xf32, #tpu.memory_space<vmem>>) dst(%dma_wait3A_99 : memref<128x128xf32, #tpu.memory_space<vmem_shared>>)
      tpu.yield
    }) : () -> ()
    %mul3A_13 = arith.constant 632 : i32
    %mul3A_14 = arith.muli %arg1, %mul3A_13 : i32
    %add3A_15 = arith.constant 384 : i32
    %add3A_16 = arith.addi %mul3A_14, %add3A_15 : i32
    "tpu.region"() ({
      %run_scoped3A = tpu.sem_alloc : memref<!tpu.dma_semaphore, #tpu.memory_space<semaphore_mem>>
      %dma_start3A = arith.constant 0 : i32
      %dma_start3A_85 = arith.constant 0 : i32
      %dma_start3A_86 = tpu.memref_slice %arg7[%dma_start3A, %dma_start3A_85] : memref<128x128xf32, #tpu.memory_space<vmem>> -> memref<128x128xf32, #tpu.memory_space<vmem>>
      %dma_start3A_87 = arith.constant 0 : i32
      %dma_start3A_88 = tpu.memref_slice %arg8[%add3A_16, %dma_start3A_87] : memref<10112x128xf32, #tpu.memory_space<vmem_shared>> -> memref<128x128xf32, #tpu.memory_space<vmem_shared>>
      %dma_start3A_89 = arith.constant 0 : i32
      %dma_start3A_90 = tpu.memref_slice %arg8[%add3A_16, %dma_start3A_89] : memref<10112x128xf32, #tpu.memory_space<vmem_shared>> -> memref<128x128xf32, #tpu.memory_space<vmem_shared>>
      %dma_start3A_91 = arith.constant 0 : i32
      %dma_start3A_92 = arith.constant 0 : i32
      %dma_start3A_93 = tpu.memref_slice %arg7[%dma_start3A_91, %dma_start3A_92] : memref<128x128xf32, #tpu.memory_space<vmem>> -> memref<128x128xf32, #tpu.memory_space<vmem>>
      tpu.enqueue_dma source(%dma_start3A_93 : memref<128x128xf32, #tpu.memory_space<vmem>>) target(%dma_start3A_90 : memref<128x128xf32, #tpu.memory_space<vmem_shared>>) target_semaphore(%run_scoped3A : memref<!tpu.dma_semaphore, #tpu.memory_space<semaphore_mem>>)
      %dma_wait3A = arith.constant 0 : i32
      %dma_wait3A_94 = arith.constant 0 : i32
      %dma_wait3A_95 = tpu.memref_slice %arg7[%dma_wait3A, %dma_wait3A_94] : memref<128x128xf32, #tpu.memory_space<vmem>> -> memref<128x128xf32, #tpu.memory_space<vmem>>
      %dma_wait3A_96 = arith.constant 0 : i32
      %dma_wait3A_97 = tpu.memref_slice %arg8[%add3A_16, %dma_wait3A_96] : memref<10112x128xf32, #tpu.memory_space<vmem_shared>> -> memref<128x128xf32, #tpu.memory_space<vmem_shared>>
      %dma_wait3A_98 = arith.constant 0 : i32
      %dma_wait3A_99 = tpu.memref_slice %arg8[%add3A_16, %dma_wait3A_98] : memref<10112x128xf32, #tpu.memory_space<vmem_shared>> -> memref<128x128xf32, #tpu.memory_space<vmem_shared>>
      %dma_wait3A_100 = arith.constant 0 : i32
      %dma_wait3A_101 = arith.constant 0 : i32
      %dma_wait3A_102 = tpu.memref_slice %arg7[%dma_wait3A_100, %dma_wait3A_101] : memref<128x128xf32, #tpu.memory_space<vmem>> -> memref<128x128xf32, #tpu.memory_space<vmem>>
      tpu.wait_dma2 semaphore(%run_scoped3A : memref<!tpu.dma_semaphore, #tpu.memory_space<semaphore_mem>>) src(%dma_wait3A_102 : memref<128x128xf32, #tpu.memory_space<vmem>>) dst(%dma_wait3A_99 : memref<128x128xf32, #tpu.memory_space<vmem_shared>>)
      tpu.yield
    }) : () -> ()
    %mul3A_17 = arith.constant 632 : i32
    %mul3A_18 = arith.muli %arg1, %mul3A_17 : i32
    %add3A_19 = arith.constant 512 : i32
    %add3A_20 = arith.addi %mul3A_18, %add3A_19 : i32
    "tpu.region"() ({
      %run_scoped3A = tpu.sem_alloc : memref<!tpu.dma_semaphore, #tpu.memory_space<semaphore_mem>>
      %dma_start3A = arith.constant 0 : i32
      %dma_start3A_85 = arith.constant 0 : i32
      %dma_start3A_86 = tpu.memref_slice %arg7[%dma_start3A, %dma_start3A_85] : memref<128x128xf32, #tpu.memory_space<vmem>> -> memref<120x128xf32, #tpu.memory_space<vmem>>
      %dma_start3A_87 = arith.constant 0 : i32
      %dma_start3A_88 = tpu.memref_slice %arg8[%add3A_20, %dma_start3A_87] : memref<10112x128xf32, #tpu.memory_space<vmem_shared>> -> memref<120x128xf32, #tpu.memory_space<vmem_shared>>
      %dma_start3A_89 = arith.constant 0 : i32
      %dma_start3A_90 = tpu.memref_slice %arg8[%add3A_20, %dma_start3A_89] : memref<10112x128xf32, #tpu.memory_space<vmem_shared>> -> memref<120x128xf32, #tpu.memory_space<vmem_shared>>
      %dma_start3A_91 = arith.constant 0 : i32
      %dma_start3A_92 = arith.constant 0 : i32
      %dma_start3A_93 = tpu.memref_slice %arg7[%dma_start3A_91, %dma_start3A_92] : memref<128x128xf32, #tpu.memory_space<vmem>> -> memref<120x128xf32, #tpu.memory_space<vmem>>
      tpu.enqueue_dma source(%dma_start3A_93 : memref<120x128xf32, #tpu.memory_space<vmem>>) target(%dma_start3A_90 : memref<120x128xf32, #tpu.memory_space<vmem_shared>>) target_semaphore(%run_scoped3A : memref<!tpu.dma_semaphore, #tpu.memory_space<semaphore_mem>>)
      %dma_wait3A = arith.constant 0 : i32
      %dma_wait3A_94 = arith.constant 0 : i32
      %dma_wait3A_95 = tpu.memref_slice %arg7[%dma_wait3A, %dma_wait3A_94] : memref<128x128xf32, #tpu.memory_space<vmem>> -> memref<120x128xf32, #tpu.memory_space<vmem>>
      %dma_wait3A_96 = arith.constant 0 : i32
      %dma_wait3A_97 = tpu.memref_slice %arg8[%add3A_20, %dma_wait3A_96] : memref<10112x128xf32, #tpu.memory_space<vmem_shared>> -> memref<120x128xf32, #tpu.memory_space<vmem_shared>>
      %dma_wait3A_98 = arith.constant 0 : i32
      %dma_wait3A_99 = tpu.memref_slice %arg8[%add3A_20, %dma_wait3A_98] : memref<10112x128xf32, #tpu.memory_space<vmem_shared>> -> memref<120x128xf32, #tpu.memory_space<vmem_shared>>
      %dma_wait3A_100 = arith.constant 0 : i32
      %dma_wait3A_101 = arith.constant 0 : i32
      %dma_wait3A_102 = tpu.memref_slice %arg7[%dma_wait3A_100, %dma_wait3A_101] : memref<128x128xf32, #tpu.memory_space<vmem>> -> memref<120x128xf32, #tpu.memory_space<vmem>>
      tpu.wait_dma2 semaphore(%run_scoped3A : memref<!tpu.dma_semaphore, #tpu.memory_space<semaphore_mem>>) src(%dma_wait3A_102 : memref<120x128xf32, #tpu.memory_space<vmem>>) dst(%dma_wait3A_99 : memref<120x128xf32, #tpu.memory_space<vmem_shared>>)
      tpu.yield
    }) : () -> ()
    "tpu.region"() ({
      %run_scoped3A = tpu.sem_alloc : memref<!tpu.dma_semaphore, #tpu.memory_space<semaphore_mem>>
      tpu.enqueue_dma source(%arg4 : memref<128x128xf32, #tpu.memory_space<hbm>>) target(%arg7 : memref<128x128xf32, #tpu.memory_space<vmem>>) target_semaphore(%run_scoped3A : memref<!tpu.dma_semaphore, #tpu.memory_space<semaphore_mem>>)
      tpu.wait_dma2 semaphore(%run_scoped3A : memref<!tpu.dma_semaphore, #tpu.memory_space<semaphore_mem>>) src(%arg4 : memref<128x128xf32, #tpu.memory_space<hbm>>) dst(%arg7 : memref<128x128xf32, #tpu.memory_space<vmem>>)
      tpu.yield
    }) : () -> ()
    %barrier3A = arith.constant 0 : index
    tpu.barrier barrier_id(%barrier3A)
    %mul3A_21 = arith.constant 79 : i32
    %mul3A_22 = arith.muli %add3A, %mul3A_21 : i32
    %mul3A_23 = arith.constant 128 : i32
    %mul3A_24 = arith.muli %mul3A_22, %mul3A_23 : i32
    %scan3A = arith.constant 0 : i32
    %scan3A_25 = arith.constant 79 : i32
    %scan3A_26 = arith.addi %scan3A, %scan3A_25 : i32
    %scan3A_27 = arith.constant 1 : i32
    scf.for %scan3A_85 = %scan3A to %scan3A_26 step %scan3A_27  : i32 {
      %mul3A_86 = arith.constant 1 : i32
      %mul3A_87 = arith.muli %scan3A_85, %mul3A_86 : i32
      %add3A_88 = arith.constant 0 : i32
      %add3A_89 = arith.addi %add3A_88, %mul3A_87 : i32
      %mul3A_90 = arith.constant 128 : i32
      %mul3A_91 = arith.muli %add3A_89, %mul3A_90 : i32
      %add3A_92 = arith.addi %mul3A_24, %mul3A_91 : i32
      "tpu.region"() ({
        %run_scoped3A = tpu.sem_alloc : memref<!tpu.dma_semaphore, #tpu.memory_space<semaphore_mem>>
        %dma_start3A = tpu.memref_slice %arg2[%add3A_92] : memref<323584xi32, #tpu.memory_space<hbm>> -> memref<128xi32, #tpu.memory_space<hbm>>
        %dma_start3A_93 = tpu.memref_slice %arg2[%add3A_92] : memref<323584xi32, #tpu.memory_space<hbm>> -> memref<128xi32, #tpu.memory_space<hbm>>
        tpu.enqueue_dma source(%dma_start3A_93 : memref<128xi32, #tpu.memory_space<hbm>>) target(%arg6 : memref<128xi32, #tpu.memory_space<vmem>>) target_semaphore(%run_scoped3A : memref<!tpu.dma_semaphore, #tpu.memory_space<semaphore_mem>>)
        %dma_wait3A = tpu.memref_slice %arg2[%add3A_92] : memref<323584xi32, #tpu.memory_space<hbm>> -> memref<128xi32, #tpu.memory_space<hbm>>
        %dma_wait3A_94 = tpu.memref_slice %arg2[%add3A_92] : memref<323584xi32, #tpu.memory_space<hbm>> -> memref<128xi32, #tpu.memory_space<hbm>>
        tpu.wait_dma2 semaphore(%run_scoped3A : memref<!tpu.dma_semaphore, #tpu.memory_space<semaphore_mem>>) src(%dma_wait3A_94 : memref<128xi32, #tpu.memory_space<hbm>>) dst(%arg6 : memref<128xi32, #tpu.memory_space<vmem>>)
        tpu.yield
      }) : () -> ()
      "tpu.region"() ({
        %run_scoped3A = tpu.sem_alloc : memref<!tpu.dma_semaphore, #tpu.memory_space<semaphore_mem>>
        %dma_start3A = arith.constant 0 : i32
        %dma_start3A_93 = arith.constant 0 : i32
        %dma_start3A_94 = tpu.memref_slice %arg8[%dma_start3A, %dma_start3A_93] : memref<10112x128xf32, #tpu.memory_space<vmem_shared>> -> memref<10112x128xf32, #tpu.memory_space<vmem_shared>>
        tpu.enqueue_indirect_dma source(%arg7 : memref<128x128xf32, #tpu.memory_space<vmem>>) target(%dma_start3A_94 : memref<10112x128xf32, #tpu.memory_space<vmem_shared>>) offsets(%arg6 : memref<128xi32, #tpu.memory_space<vmem>>) semaphore(%run_scoped3A : memref<!tpu.dma_semaphore, #tpu.memory_space<semaphore_mem>>) {add = true}
        %dma_wait3A = arith.constant 0 : i32
        %dma_wait3A_95 = arith.constant 0 : i32
        %dma_wait3A_96 = tpu.memref_slice %arg8[%dma_wait3A, %dma_wait3A_95] : memref<10112x128xf32, #tpu.memory_space<vmem_shared>> -> memref<10112x128xf32, #tpu.memory_space<vmem_shared>>
        tpu.wait_indirect_dma semaphore(%run_scoped3A : memref<!tpu.dma_semaphore, #tpu.memory_space<semaphore_mem>>) src(%arg7 : memref<128x128xf32, #tpu.memory_space<vmem>>) dst(%dma_wait3A_96 : memref<10112x128xf32, #tpu.memory_space<vmem_shared>>)
        tpu.yield
      }) : () -> ()
    }
    %scan3A_28 = arith.constant 79 : i32
    %barrier3A_29 = arith.constant 0 : index
    tpu.barrier barrier_id(%barrier3A_29)
    %mul3A_30 = arith.constant 632 : i32
    %mul3A_31 = arith.muli %arg1, %mul3A_30 : i32
    %add3A_32 = arith.constant 0 : i32
    %add3A_33 = arith.addi %mul3A_31, %add3A_32 : i32
    %mul3A_34 = arith.constant 10112 : i32
    %mul3A_35 = arith.muli %arg0, %mul3A_34 : i32
    %mul3A_36 = arith.constant 632 : i32
    %mul3A_37 = arith.muli %arg1, %mul3A_36 : i32
    %add3A_38 = arith.addi %mul3A_35, %mul3A_37 : i32
    %add3A_39 = arith.constant 0 : i32
    %add3A_40 = arith.addi %add3A_38, %add3A_39 : i32
    "tpu.region"() ({
      %run_scoped3A = tpu.sem_alloc : memref<!tpu.dma_semaphore, #tpu.memory_space<semaphore_mem>>
      %dma_start3A = arith.constant 0 : i32
      %dma_start3A_85 = arith.constant 0 : i32
      %dma_start3A_86 = tpu.memref_slice %arg7[%dma_start3A, %dma_start3A_85] : memref<128x128xf32, #tpu.memory_space<vmem>> -> memref<128x128xf32, #tpu.memory_space<vmem>>
      %dma_start3A_87 = arith.constant 0 : i32
      %dma_start3A_88 = tpu.memref_slice %arg8[%add3A_33, %dma_start3A_87] : memref<10112x128xf32, #tpu.memory_space<vmem_shared>> -> memref<128x128xf32, #tpu.memory_space<vmem_shared>>
      %dma_start3A_89 = arith.constant 0 : i32
      %dma_start3A_90 = arith.constant 0 : i32
      %dma_start3A_91 = tpu.memref_slice %arg7[%dma_start3A_89, %dma_start3A_90] : memref<128x128xf32, #tpu.memory_space<vmem>> -> memref<128x128xf32, #tpu.memory_space<vmem>>
      %dma_start3A_92 = arith.constant 0 : i32
      %dma_start3A_93 = tpu.memref_slice %arg8[%add3A_33, %dma_start3A_92] : memref<10112x128xf32, #tpu.memory_space<vmem_shared>> -> memref<128x128xf32, #tpu.memory_space<vmem_shared>>
      tpu.enqueue_dma source(%dma_start3A_93 : memref<128x128xf32, #tpu.memory_space<vmem_shared>>) target(%dma_start3A_91 : memref<128x128xf32, #tpu.memory_space<vmem>>) target_semaphore(%run_scoped3A : memref<!tpu.dma_semaphore, #tpu.memory_space<semaphore_mem>>)
      %dma_wait3A = arith.constant 0 : i32
      %dma_wait3A_94 = arith.constant 0 : i32
      %dma_wait3A_95 = tpu.memref_slice %arg7[%dma_wait3A, %dma_wait3A_94] : memref<128x128xf32, #tpu.memory_space<vmem>> -> memref<128x128xf32, #tpu.memory_space<vmem>>
      %dma_wait3A_96 = arith.constant 0 : i32
      %dma_wait3A_97 = tpu.memref_slice %arg8[%add3A_33, %dma_wait3A_96] : memref<10112x128xf32, #tpu.memory_space<vmem_shared>> -> memref<128x128xf32, #tpu.memory_space<vmem_shared>>
      %dma_wait3A_98 = arith.constant 0 : i32
      %dma_wait3A_99 = arith.constant 0 : i32
      %dma_wait3A_100 = tpu.memref_slice %arg7[%dma_wait3A_98, %dma_wait3A_99] : memref<128x128xf32, #tpu.memory_space<vmem>> -> memref<128x128xf32, #tpu.memory_space<vmem>>
      %dma_wait3A_101 = arith.constant 0 : i32
      %dma_wait3A_102 = tpu.memref_slice %arg8[%add3A_33, %dma_wait3A_101] : memref<10112x128xf32, #tpu.memory_space<vmem_shared>> -> memref<128x128xf32, #tpu.memory_space<vmem_shared>>
      tpu.wait_dma2 semaphore(%run_scoped3A : memref<!tpu.dma_semaphore, #tpu.memory_space<semaphore_mem>>) src(%dma_wait3A_102 : memref<128x128xf32, #tpu.memory_space<vmem_shared>>) dst(%dma_wait3A_100 : memref<128x128xf32, #tpu.memory_space<vmem>>)
      tpu.yield
    }) : () -> ()
    "tpu.region"() ({
      %run_scoped3A = tpu.sem_alloc : memref<!tpu.dma_semaphore, #tpu.memory_space<semaphore_mem>>
      %dma_start3A = arith.constant 0 : i32
      %dma_start3A_85 = arith.constant 0 : i32
      %dma_start3A_86 = tpu.memref_slice %arg7[%dma_start3A, %dma_start3A_85] : memref<128x128xf32, #tpu.memory_space<vmem>> -> memref<128x128xf32, #tpu.memory_space<vmem>>
      %dma_start3A_87 = arith.constant 0 : i32
      %dma_start3A_88 = tpu.memref_slice %arg5[%add3A_40, %dma_start3A_87] : memref<20224x128xf32, #tpu.memory_space<hbm>> -> memref<128x128xf32, #tpu.memory_space<hbm>>
      %dma_start3A_89 = arith.constant 0 : i32
      %dma_start3A_90 = tpu.memref_slice %arg5[%add3A_40, %dma_start3A_89] : memref<20224x128xf32, #tpu.memory_space<hbm>> -> memref<128x128xf32, #tpu.memory_space<hbm>>
      %dma_start3A_91 = arith.constant 0 : i32
      %dma_start3A_92 = arith.constant 0 : i32
      %dma_start3A_93 = tpu.memref_slice %arg7[%dma_start3A_91, %dma_start3A_92] : memref<128x128xf32, #tpu.memory_space<vmem>> -> memref<128x128xf32, #tpu.memory_space<vmem>>
      tpu.enqueue_dma source(%dma_start3A_93 : memref<128x128xf32, #tpu.memory_space<vmem>>) target(%dma_start3A_90 : memref<128x128xf32, #tpu.memory_space<hbm>>) target_semaphore(%run_scoped3A : memref<!tpu.dma_semaphore, #tpu.memory_space<semaphore_mem>>)
      %dma_wait3A = arith.constant 0 : i32
      %dma_wait3A_94 = arith.constant 0 : i32
      %dma_wait3A_95 = tpu.memref_slice %arg7[%dma_wait3A, %dma_wait3A_94] : memref<128x128xf32, #tpu.memory_space<vmem>> -> memref<128x128xf32, #tpu.memory_space<vmem>>
      %dma_wait3A_96 = arith.constant 0 : i32
      %dma_wait3A_97 = tpu.memref_slice %arg5[%add3A_40, %dma_wait3A_96] : memref<20224x128xf32, #tpu.memory_space<hbm>> -> memref<128x128xf32, #tpu.memory_space<hbm>>
      %dma_wait3A_98 = arith.constant 0 : i32
      %dma_wait3A_99 = tpu.memref_slice %arg5[%add3A_40, %dma_wait3A_98] : memref<20224x128xf32, #tpu.memory_space<hbm>> -> memref<128x128xf32, #tpu.memory_space<hbm>>
      %dma_wait3A_100 = arith.constant 0 : i32
      %dma_wait3A_101 = arith.constant 0 : i32
      %dma_wait3A_102 = tpu.memref_slice %arg7[%dma_wait3A_100, %dma_wait3A_101] : memref<128x128xf32, #tpu.memory_space<vmem>> -> memref<128x128xf32, #tpu.memory_space<vmem>>
      tpu.wait_dma2 semaphore(%run_scoped3A : memref<!tpu.dma_semaphore, #tpu.memory_space<semaphore_mem>>) src(%dma_wait3A_102 : memref<128x128xf32, #tpu.memory_space<vmem>>) dst(%dma_wait3A_99 : memref<128x128xf32, #tpu.memory_space<hbm>>)
      tpu.yield
    }) : () -> ()
    %mul3A_41 = arith.constant 632 : i32
    %mul3A_42 = arith.muli %arg1, %mul3A_41 : i32
    %add3A_43 = arith.constant 128 : i32
    %add3A_44 = arith.addi %mul3A_42, %add3A_43 : i32
    %mul3A_45 = arith.constant 10112 : i32
    %mul3A_46 = arith.muli %arg0, %mul3A_45 : i32
    %mul3A_47 = arith.constant 632 : i32
    %mul3A_48 = arith.muli %arg1, %mul3A_47 : i32
    %add3A_49 = arith.addi %mul3A_46, %mul3A_48 : i32
    %add3A_50 = arith.constant 128 : i32
    %add3A_51 = arith.addi %add3A_49, %add3A_50 : i32
    "tpu.region"() ({
      %run_scoped3A = tpu.sem_alloc : memref<!tpu.dma_semaphore, #tpu.memory_space<semaphore_mem>>
      %dma_start3A = arith.constant 0 : i32
      %dma_start3A_85 = arith.constant 0 : i32
      %dma_start3A_86 = tpu.memref_slice %arg7[%dma_start3A, %dma_start3A_85] : memref<128x128xf32, #tpu.memory_space<vmem>> -> memref<128x128xf32, #tpu.memory_space<vmem>>
      %dma_start3A_87 = arith.constant 0 : i32
      %dma_start3A_88 = tpu.memref_slice %arg8[%add3A_44, %dma_start3A_87] : memref<10112x128xf32, #tpu.memory_space<vmem_shared>> -> memref<128x128xf32, #tpu.memory_space<vmem_shared>>
      %dma_start3A_89 = arith.constant 0 : i32
      %dma_start3A_90 = arith.constant 0 : i32
      %dma_start3A_91 = tpu.memref_slice %arg7[%dma_start3A_89, %dma_start3A_90] : memref<128x128xf32, #tpu.memory_space<vmem>> -> memref<128x128xf32, #tpu.memory_space<vmem>>
      %dma_start3A_92 = arith.constant 0 : i32
      %dma_start3A_93 = tpu.memref_slice %arg8[%add3A_44, %dma_start3A_92] : memref<10112x128xf32, #tpu.memory_space<vmem_shared>> -> memref<128x128xf32, #tpu.memory_space<vmem_shared>>
      tpu.enqueue_dma source(%dma_start3A_93 : memref<128x128xf32, #tpu.memory_space<vmem_shared>>) target(%dma_start3A_91 : memref<128x128xf32, #tpu.memory_space<vmem>>) target_semaphore(%run_scoped3A : memref<!tpu.dma_semaphore, #tpu.memory_space<semaphore_mem>>)
      %dma_wait3A = arith.constant 0 : i32
      %dma_wait3A_94 = arith.constant 0 : i32
      %dma_wait3A_95 = tpu.memref_slice %arg7[%dma_wait3A, %dma_wait3A_94] : memref<128x128xf32, #tpu.memory_space<vmem>> -> memref<128x128xf32, #tpu.memory_space<vmem>>
      %dma_wait3A_96 = arith.constant 0 : i32
      %dma_wait3A_97 = tpu.memref_slice %arg8[%add3A_44, %dma_wait3A_96] : memref<10112x128xf32, #tpu.memory_space<vmem_shared>> -> memref<128x128xf32, #tpu.memory_space<vmem_shared>>
      %dma_wait3A_98 = arith.constant 0 : i32
      %dma_wait3A_99 = arith.constant 0 : i32
      %dma_wait3A_100 = tpu.memref_slice %arg7[%dma_wait3A_98, %dma_wait3A_99] : memref<128x128xf32, #tpu.memory_space<vmem>> -> memref<128x128xf32, #tpu.memory_space<vmem>>
      %dma_wait3A_101 = arith.constant 0 : i32
      %dma_wait3A_102 = tpu.memref_slice %arg8[%add3A_44, %dma_wait3A_101] : memref<10112x128xf32, #tpu.memory_space<vmem_shared>> -> memref<128x128xf32, #tpu.memory_space<vmem_shared>>
      tpu.wait_dma2 semaphore(%run_scoped3A : memref<!tpu.dma_semaphore, #tpu.memory_space<semaphore_mem>>) src(%dma_wait3A_102 : memref<128x128xf32, #tpu.memory_space<vmem_shared>>) dst(%dma_wait3A_100 : memref<128x128xf32, #tpu.memory_space<vmem>>)
      tpu.yield
    }) : () -> ()
    "tpu.region"() ({
      %run_scoped3A = tpu.sem_alloc : memref<!tpu.dma_semaphore, #tpu.memory_space<semaphore_mem>>
      %dma_start3A = arith.constant 0 : i32
      %dma_start3A_85 = arith.constant 0 : i32
      %dma_start3A_86 = tpu.memref_slice %arg7[%dma_start3A, %dma_start3A_85] : memref<128x128xf32, #tpu.memory_space<vmem>> -> memref<128x128xf32, #tpu.memory_space<vmem>>
      %dma_start3A_87 = arith.constant 0 : i32
      %dma_start3A_88 = tpu.memref_slice %arg5[%add3A_51, %dma_start3A_87] : memref<20224x128xf32, #tpu.memory_space<hbm>> -> memref<128x128xf32, #tpu.memory_space<hbm>>
      %dma_start3A_89 = arith.constant 0 : i32
      %dma_start3A_90 = tpu.memref_slice %arg5[%add3A_51, %dma_start3A_89] : memref<20224x128xf32, #tpu.memory_space<hbm>> -> memref<128x128xf32, #tpu.memory_space<hbm>>
      %dma_start3A_91 = arith.constant 0 : i32
      %dma_start3A_92 = arith.constant 0 : i32
      %dma_start3A_93 = tpu.memref_slice %arg7[%dma_start3A_91, %dma_start3A_92] : memref<128x128xf32, #tpu.memory_space<vmem>> -> memref<128x128xf32, #tpu.memory_space<vmem>>
      tpu.enqueue_dma source(%dma_start3A_93 : memref<128x128xf32, #tpu.memory_space<vmem>>) target(%dma_start3A_90 : memref<128x128xf32, #tpu.memory_space<hbm>>) target_semaphore(%run_scoped3A : memref<!tpu.dma_semaphore, #tpu.memory_space<semaphore_mem>>)
      %dma_wait3A = arith.constant 0 : i32
      %dma_wait3A_94 = arith.constant 0 : i32
      %dma_wait3A_95 = tpu.memref_slice %arg7[%dma_wait3A, %dma_wait3A_94] : memref<128x128xf32, #tpu.memory_space<vmem>> -> memref<128x128xf32, #tpu.memory_space<vmem>>
      %dma_wait3A_96 = arith.constant 0 : i32
      %dma_wait3A_97 = tpu.memref_slice %arg5[%add3A_51, %dma_wait3A_96] : memref<20224x128xf32, #tpu.memory_space<hbm>> -> memref<128x128xf32, #tpu.memory_space<hbm>>
      %dma_wait3A_98 = arith.constant 0 : i32
      %dma_wait3A_99 = tpu.memref_slice %arg5[%add3A_51, %dma_wait3A_98] : memref<20224x128xf32, #tpu.memory_space<hbm>> -> memref<128x128xf32, #tpu.memory_space<hbm>>
      %dma_wait3A_100 = arith.constant 0 : i32
      %dma_wait3A_101 = arith.constant 0 : i32
      %dma_wait3A_102 = tpu.memref_slice %arg7[%dma_wait3A_100, %dma_wait3A_101] : memref<128x128xf32, #tpu.memory_space<vmem>> -> memref<128x128xf32, #tpu.memory_space<vmem>>
      tpu.wait_dma2 semaphore(%run_scoped3A : memref<!tpu.dma_semaphore, #tpu.memory_space<semaphore_mem>>) src(%dma_wait3A_102 : memref<128x128xf32, #tpu.memory_space<vmem>>) dst(%dma_wait3A_99 : memref<128x128xf32, #tpu.memory_space<hbm>>)
      tpu.yield
    }) : () -> ()
    %mul3A_52 = arith.constant 632 : i32
    %mul3A_53 = arith.muli %arg1, %mul3A_52 : i32
    %add3A_54 = arith.constant 256 : i32
    %add3A_55 = arith.addi %mul3A_53, %add3A_54 : i32
    %mul3A_56 = arith.constant 10112 : i32
    %mul3A_57 = arith.muli %arg0, %mul3A_56 : i32
    %mul3A_58 = arith.constant 632 : i32
    %mul3A_59 = arith.muli %arg1, %mul3A_58 : i32
    %add3A_60 = arith.addi %mul3A_57, %mul3A_59 : i32
    %add3A_61 = arith.constant 256 : i32
    %add3A_62 = arith.addi %add3A_60, %add3A_61 : i32
    "tpu.region"() ({
      %run_scoped3A = tpu.sem_alloc : memref<!tpu.dma_semaphore, #tpu.memory_space<semaphore_mem>>
      %dma_start3A = arith.constant 0 : i32
      %dma_start3A_85 = arith.constant 0 : i32
      %dma_start3A_86 = tpu.memref_slice %arg7[%dma_start3A, %dma_start3A_85] : memref<128x128xf32, #tpu.memory_space<vmem>> -> memref<128x128xf32, #tpu.memory_space<vmem>>
      %dma_start3A_87 = arith.constant 0 : i32
      %dma_start3A_88 = tpu.memref_slice %arg8[%add3A_55, %dma_start3A_87] : memref<10112x128xf32, #tpu.memory_space<vmem_shared>> -> memref<128x128xf32, #tpu.memory_space<vmem_shared>>
      %dma_start3A_89 = arith.constant 0 : i32
      %dma_start3A_90 = arith.constant 0 : i32
      %dma_start3A_91 = tpu.memref_slice %arg7[%dma_start3A_89, %dma_start3A_90] : memref<128x128xf32, #tpu.memory_space<vmem>> -> memref<128x128xf32, #tpu.memory_space<vmem>>
      %dma_start3A_92 = arith.constant 0 : i32
      %dma_start3A_93 = tpu.memref_slice %arg8[%add3A_55, %dma_start3A_92] : memref<10112x128xf32, #tpu.memory_space<vmem_shared>> -> memref<128x128xf32, #tpu.memory_space<vmem_shared>>
      tpu.enqueue_dma source(%dma_start3A_93 : memref<128x128xf32, #tpu.memory_space<vmem_shared>>) target(%dma_start3A_91 : memref<128x128xf32, #tpu.memory_space<vmem>>) target_semaphore(%run_scoped3A : memref<!tpu.dma_semaphore, #tpu.memory_space<semaphore_mem>>)
      %dma_wait3A = arith.constant 0 : i32
      %dma_wait3A_94 = arith.constant 0 : i32
      %dma_wait3A_95 = tpu.memref_slice %arg7[%dma_wait3A, %dma_wait3A_94] : memref<128x128xf32, #tpu.memory_space<vmem>> -> memref<128x128xf32, #tpu.memory_space<vmem>>
      %dma_wait3A_96 = arith.constant 0 : i32
      %dma_wait3A_97 = tpu.memref_slice %arg8[%add3A_55, %dma_wait3A_96] : memref<10112x128xf32, #tpu.memory_space<vmem_shared>> -> memref<128x128xf32, #tpu.memory_space<vmem_shared>>
      %dma_wait3A_98 = arith.constant 0 : i32
      %dma_wait3A_99 = arith.constant 0 : i32
      %dma_wait3A_100 = tpu.memref_slice %arg7[%dma_wait3A_98, %dma_wait3A_99] : memref<128x128xf32, #tpu.memory_space<vmem>> -> memref<128x128xf32, #tpu.memory_space<vmem>>
      %dma_wait3A_101 = arith.constant 0 : i32
      %dma_wait3A_102 = tpu.memref_slice %arg8[%add3A_55, %dma_wait3A_101] : memref<10112x128xf32, #tpu.memory_space<vmem_shared>> -> memref<128x128xf32, #tpu.memory_space<vmem_shared>>
      tpu.wait_dma2 semaphore(%run_scoped3A : memref<!tpu.dma_semaphore, #tpu.memory_space<semaphore_mem>>) src(%dma_wait3A_102 : memref<128x128xf32, #tpu.memory_space<vmem_shared>>) dst(%dma_wait3A_100 : memref<128x128xf32, #tpu.memory_space<vmem>>)
      tpu.yield
    }) : () -> ()
    "tpu.region"() ({
      %run_scoped3A = tpu.sem_alloc : memref<!tpu.dma_semaphore, #tpu.memory_space<semaphore_mem>>
      %dma_start3A = arith.constant 0 : i32
      %dma_start3A_85 = arith.constant 0 : i32
      %dma_start3A_86 = tpu.memref_slice %arg7[%dma_start3A, %dma_start3A_85] : memref<128x128xf32, #tpu.memory_space<vmem>> -> memref<128x128xf32, #tpu.memory_space<vmem>>
      %dma_start3A_87 = arith.constant 0 : i32
      %dma_start3A_88 = tpu.memref_slice %arg5[%add3A_62, %dma_start3A_87] : memref<20224x128xf32, #tpu.memory_space<hbm>> -> memref<128x128xf32, #tpu.memory_space<hbm>>
      %dma_start3A_89 = arith.constant 0 : i32
      %dma_start3A_90 = tpu.memref_slice %arg5[%add3A_62, %dma_start3A_89] : memref<20224x128xf32, #tpu.memory_space<hbm>> -> memref<128x128xf32, #tpu.memory_space<hbm>>
      %dma_start3A_91 = arith.constant 0 : i32
      %dma_start3A_92 = arith.constant 0 : i32
      %dma_start3A_93 = tpu.memref_slice %arg7[%dma_start3A_91, %dma_start3A_92] : memref<128x128xf32, #tpu.memory_space<vmem>> -> memref<128x128xf32, #tpu.memory_space<vmem>>
      tpu.enqueue_dma source(%dma_start3A_93 : memref<128x128xf32, #tpu.memory_space<vmem>>) target(%dma_start3A_90 : memref<128x128xf32, #tpu.memory_space<hbm>>) target_semaphore(%run_scoped3A : memref<!tpu.dma_semaphore, #tpu.memory_space<semaphore_mem>>)
      %dma_wait3A = arith.constant 0 : i32
      %dma_wait3A_94 = arith.constant 0 : i32
      %dma_wait3A_95 = tpu.memref_slice %arg7[%dma_wait3A, %dma_wait3A_94] : memref<128x128xf32, #tpu.memory_space<vmem>> -> memref<128x128xf32, #tpu.memory_space<vmem>>
      %dma_wait3A_96 = arith.constant 0 : i32
      %dma_wait3A_97 = tpu.memref_slice %arg5[%add3A_62, %dma_wait3A_96] : memref<20224x128xf32, #tpu.memory_space<hbm>> -> memref<128x128xf32, #tpu.memory_space<hbm>>
      %dma_wait3A_98 = arith.constant 0 : i32
      %dma_wait3A_99 = tpu.memref_slice %arg5[%add3A_62, %dma_wait3A_98] : memref<20224x128xf32, #tpu.memory_space<hbm>> -> memref<128x128xf32, #tpu.memory_space<hbm>>
      %dma_wait3A_100 = arith.constant 0 : i32
      %dma_wait3A_101 = arith.constant 0 : i32
      %dma_wait3A_102 = tpu.memref_slice %arg7[%dma_wait3A_100, %dma_wait3A_101] : memref<128x128xf32, #tpu.memory_space<vmem>> -> memref<128x128xf32, #tpu.memory_space<vmem>>
      tpu.wait_dma2 semaphore(%run_scoped3A : memref<!tpu.dma_semaphore, #tpu.memory_space<semaphore_mem>>) src(%dma_wait3A_102 : memref<128x128xf32, #tpu.memory_space<vmem>>) dst(%dma_wait3A_99 : memref<128x128xf32, #tpu.memory_space<hbm>>)
      tpu.yield
    }) : () -> ()
    %mul3A_63 = arith.constant 632 : i32
    %mul3A_64 = arith.muli %arg1, %mul3A_63 : i32
    %add3A_65 = arith.constant 384 : i32
    %add3A_66 = arith.addi %mul3A_64, %add3A_65 : i32
    %mul3A_67 = arith.constant 10112 : i32
    %mul3A_68 = arith.muli %arg0, %mul3A_67 : i32
    %mul3A_69 = arith.constant 632 : i32
    %mul3A_70 = arith.muli %arg1, %mul3A_69 : i32
    %add3A_71 = arith.addi %mul3A_68, %mul3A_70 : i32
    %add3A_72 = arith.constant 384 : i32
    %add3A_73 = arith.addi %add3A_71, %add3A_72 : i32
    "tpu.region"() ({
      %run_scoped3A = tpu.sem_alloc : memref<!tpu.dma_semaphore, #tpu.memory_space<semaphore_mem>>
      %dma_start3A = arith.constant 0 : i32
      %dma_start3A_85 = arith.constant 0 : i32
      %dma_start3A_86 = tpu.memref_slice %arg7[%dma_start3A, %dma_start3A_85] : memref<128x128xf32, #tpu.memory_space<vmem>> -> memref<128x128xf32, #tpu.memory_space<vmem>>
      %dma_start3A_87 = arith.constant 0 : i32
      %dma_start3A_88 = tpu.memref_slice %arg8[%add3A_66, %dma_start3A_87] : memref<10112x128xf32, #tpu.memory_space<vmem_shared>> -> memref<128x128xf32, #tpu.memory_space<vmem_shared>>
      %dma_start3A_89 = arith.constant 0 : i32
      %dma_start3A_90 = arith.constant 0 : i32
      %dma_start3A_91 = tpu.memref_slice %arg7[%dma_start3A_89, %dma_start3A_90] : memref<128x128xf32, #tpu.memory_space<vmem>> -> memref<128x128xf32, #tpu.memory_space<vmem>>
      %dma_start3A_92 = arith.constant 0 : i32
      %dma_start3A_93 = tpu.memref_slice %arg8[%add3A_66, %dma_start3A_92] : memref<10112x128xf32, #tpu.memory_space<vmem_shared>> -> memref<128x128xf32, #tpu.memory_space<vmem_shared>>
      tpu.enqueue_dma source(%dma_start3A_93 : memref<128x128xf32, #tpu.memory_space<vmem_shared>>) target(%dma_start3A_91 : memref<128x128xf32, #tpu.memory_space<vmem>>) target_semaphore(%run_scoped3A : memref<!tpu.dma_semaphore, #tpu.memory_space<semaphore_mem>>)
      %dma_wait3A = arith.constant 0 : i32
      %dma_wait3A_94 = arith.constant 0 : i32
      %dma_wait3A_95 = tpu.memref_slice %arg7[%dma_wait3A, %dma_wait3A_94] : memref<128x128xf32, #tpu.memory_space<vmem>> -> memref<128x128xf32, #tpu.memory_space<vmem>>
      %dma_wait3A_96 = arith.constant 0 : i32
      %dma_wait3A_97 = tpu.memref_slice %arg8[%add3A_66, %dma_wait3A_96] : memref<10112x128xf32, #tpu.memory_space<vmem_shared>> -> memref<128x128xf32, #tpu.memory_space<vmem_shared>>
      %dma_wait3A_98 = arith.constant 0 : i32
      %dma_wait3A_99 = arith.constant 0 : i32
      %dma_wait3A_100 = tpu.memref_slice %arg7[%dma_wait3A_98, %dma_wait3A_99] : memref<128x128xf32, #tpu.memory_space<vmem>> -> memref<128x128xf32, #tpu.memory_space<vmem>>
      %dma_wait3A_101 = arith.constant 0 : i32
      %dma_wait3A_102 = tpu.memref_slice %arg8[%add3A_66, %dma_wait3A_101] : memref<10112x128xf32, #tpu.memory_space<vmem_shared>> -> memref<128x128xf32, #tpu.memory_space<vmem_shared>>
      tpu.wait_dma2 semaphore(%run_scoped3A : memref<!tpu.dma_semaphore, #tpu.memory_space<semaphore_mem>>) src(%dma_wait3A_102 : memref<128x128xf32, #tpu.memory_space<vmem_shared>>) dst(%dma_wait3A_100 : memref<128x128xf32, #tpu.memory_space<vmem>>)
      tpu.yield
    }) : () -> ()
    "tpu.region"() ({
      %run_scoped3A = tpu.sem_alloc : memref<!tpu.dma_semaphore, #tpu.memory_space<semaphore_mem>>
      %dma_start3A = arith.constant 0 : i32
      %dma_start3A_85 = arith.constant 0 : i32
      %dma_start3A_86 = tpu.memref_slice %arg7[%dma_start3A, %dma_start3A_85] : memref<128x128xf32, #tpu.memory_space<vmem>> -> memref<128x128xf32, #tpu.memory_space<vmem>>
      %dma_start3A_87 = arith.constant 0 : i32
      %dma_start3A_88 = tpu.memref_slice %arg5[%add3A_73, %dma_start3A_87] : memref<20224x128xf32, #tpu.memory_space<hbm>> -> memref<128x128xf32, #tpu.memory_space<hbm>>
      %dma_start3A_89 = arith.constant 0 : i32
      %dma_start3A_90 = tpu.memref_slice %arg5[%add3A_73, %dma_start3A_89] : memref<20224x128xf32, #tpu.memory_space<hbm>> -> memref<128x128xf32, #tpu.memory_space<hbm>>
      %dma_start3A_91 = arith.constant 0 : i32
      %dma_start3A_92 = arith.constant 0 : i32
      %dma_start3A_93 = tpu.memref_slice %arg7[%dma_start3A_91, %dma_start3A_92] : memref<128x128xf32, #tpu.memory_space<vmem>> -> memref<128x128xf32, #tpu.memory_space<vmem>>
      tpu.enqueue_dma source(%dma_start3A_93 : memref<128x128xf32, #tpu.memory_space<vmem>>) target(%dma_start3A_90 : memref<128x128xf32, #tpu.memory_space<hbm>>) target_semaphore(%run_scoped3A : memref<!tpu.dma_semaphore, #tpu.memory_space<semaphore_mem>>)
      %dma_wait3A = arith.constant 0 : i32
      %dma_wait3A_94 = arith.constant 0 : i32
      %dma_wait3A_95 = tpu.memref_slice %arg7[%dma_wait3A, %dma_wait3A_94] : memref<128x128xf32, #tpu.memory_space<vmem>> -> memref<128x128xf32, #tpu.memory_space<vmem>>
      %dma_wait3A_96 = arith.constant 0 : i32
      %dma_wait3A_97 = tpu.memref_slice %arg5[%add3A_73, %dma_wait3A_96] : memref<20224x128xf32, #tpu.memory_space<hbm>> -> memref<128x128xf32, #tpu.memory_space<hbm>>
      %dma_wait3A_98 = arith.constant 0 : i32
      %dma_wait3A_99 = tpu.memref_slice %arg5[%add3A_73, %dma_wait3A_98] : memref<20224x128xf32, #tpu.memory_space<hbm>> -> memref<128x128xf32, #tpu.memory_space<hbm>>
      %dma_wait3A_100 = arith.constant 0 : i32
      %dma_wait3A_101 = arith.constant 0 : i32
      %dma_wait3A_102 = tpu.memref_slice %arg7[%dma_wait3A_100, %dma_wait3A_101] : memref<128x128xf32, #tpu.memory_space<vmem>> -> memref<128x128xf32, #tpu.memory_space<vmem>>
      tpu.wait_dma2 semaphore(%run_scoped3A : memref<!tpu.dma_semaphore, #tpu.memory_space<semaphore_mem>>) src(%dma_wait3A_102 : memref<128x128xf32, #tpu.memory_space<vmem>>) dst(%dma_wait3A_99 : memref<128x128xf32, #tpu.memory_space<hbm>>)
      tpu.yield
    }) : () -> ()
    %mul3A_74 = arith.constant 632 : i32
    %mul3A_75 = arith.muli %arg1, %mul3A_74 : i32
    %add3A_76 = arith.constant 512 : i32
    %add3A_77 = arith.addi %mul3A_75, %add3A_76 : i32
    %mul3A_78 = arith.constant 10112 : i32
    %mul3A_79 = arith.muli %arg0, %mul3A_78 : i32
    %mul3A_80 = arith.constant 632 : i32
    %mul3A_81 = arith.muli %arg1, %mul3A_80 : i32
    %add3A_82 = arith.addi %mul3A_79, %mul3A_81 : i32
    %add3A_83 = arith.constant 512 : i32
    %add3A_84 = arith.addi %add3A_82, %add3A_83 : i32
    "tpu.region"() ({
      %run_scoped3A = tpu.sem_alloc : memref<!tpu.dma_semaphore, #tpu.memory_space<semaphore_mem>>
      %dma_start3A = arith.constant 0 : i32
      %dma_start3A_85 = arith.constant 0 : i32
      %dma_start3A_86 = tpu.memref_slice %arg7[%dma_start3A, %dma_start3A_85] : memref<128x128xf32, #tpu.memory_space<vmem>> -> memref<120x128xf32, #tpu.memory_space<vmem>>
      %dma_start3A_87 = arith.constant 0 : i32
      %dma_start3A_88 = tpu.memref_slice %arg8[%add3A_77, %dma_start3A_87] : memref<10112x128xf32, #tpu.memory_space<vmem_shared>> -> memref<120x128xf32, #tpu.memory_space<vmem_shared>>
      %dma_start3A_89 = arith.constant 0 : i32
      %dma_start3A_90 = arith.constant 0 : i32
      %dma_start3A_91 = tpu.memref_slice %arg7[%dma_start3A_89, %dma_start3A_90] : memref<128x128xf32, #tpu.memory_space<vmem>> -> memref<120x128xf32, #tpu.memory_space<vmem>>
      %dma_start3A_92 = arith.constant 0 : i32
      %dma_start3A_93 = tpu.memref_slice %arg8[%add3A_77, %dma_start3A_92] : memref<10112x128xf32, #tpu.memory_space<vmem_shared>> -> memref<120x128xf32, #tpu.memory_space<vmem_shared>>
      tpu.enqueue_dma source(%dma_start3A_93 : memref<120x128xf32, #tpu.memory_space<vmem_shared>>) target(%dma_start3A_91 : memref<120x128xf32, #tpu.memory_space<vmem>>) target_semaphore(%run_scoped3A : memref<!tpu.dma_semaphore, #tpu.memory_space<semaphore_mem>>)
      %dma_wait3A = arith.constant 0 : i32
      %dma_wait3A_94 = arith.constant 0 : i32
      %dma_wait3A_95 = tpu.memref_slice %arg7[%dma_wait3A, %dma_wait3A_94] : memref<128x128xf32, #tpu.memory_space<vmem>> -> memref<120x128xf32, #tpu.memory_space<vmem>>
      %dma_wait3A_96 = arith.constant 0 : i32
      %dma_wait3A_97 = tpu.memref_slice %arg8[%add3A_77, %dma_wait3A_96] : memref<10112x128xf32, #tpu.memory_space<vmem_shared>> -> memref<120x128xf32, #tpu.memory_space<vmem_shared>>
      %dma_wait3A_98 = arith.constant 0 : i32
      %dma_wait3A_99 = arith.constant 0 : i32
      %dma_wait3A_100 = tpu.memref_slice %arg7[%dma_wait3A_98, %dma_wait3A_99] : memref<128x128xf32, #tpu.memory_space<vmem>> -> memref<120x128xf32, #tpu.memory_space<vmem>>
      %dma_wait3A_101 = arith.constant 0 : i32
      %dma_wait3A_102 = tpu.memref_slice %arg8[%add3A_77, %dma_wait3A_101] : memref<10112x128xf32, #tpu.memory_space<vmem_shared>> -> memref<120x128xf32, #tpu.memory_space<vmem_shared>>
      tpu.wait_dma2 semaphore(%run_scoped3A : memref<!tpu.dma_semaphore, #tpu.memory_space<semaphore_mem>>) src(%dma_wait3A_102 : memref<120x128xf32, #tpu.memory_space<vmem_shared>>) dst(%dma_wait3A_100 : memref<120x128xf32, #tpu.memory_space<vmem>>)
      tpu.yield
    }) : () -> ()
    "tpu.region"() ({
      %run_scoped3A = tpu.sem_alloc : memref<!tpu.dma_semaphore, #tpu.memory_space<semaphore_mem>>
      %dma_start3A = arith.constant 0 : i32
      %dma_start3A_85 = arith.constant 0 : i32
      %dma_start3A_86 = tpu.memref_slice %arg7[%dma_start3A, %dma_start3A_85] : memref<128x128xf32, #tpu.memory_space<vmem>> -> memref<120x128xf32, #tpu.memory_space<vmem>>
      %dma_start3A_87 = arith.constant 0 : i32
      %dma_start3A_88 = tpu.memref_slice %arg5[%add3A_84, %dma_start3A_87] : memref<20224x128xf32, #tpu.memory_space<hbm>> -> memref<120x128xf32, #tpu.memory_space<hbm>>
      %dma_start3A_89 = arith.constant 0 : i32
      %dma_start3A_90 = tpu.memref_slice %arg5[%add3A_84, %dma_start3A_89] : memref<20224x128xf32, #tpu.memory_space<hbm>> -> memref<120x128xf32, #tpu.memory_space<hbm>>
      %dma_start3A_91 = arith.constant 0 : i32
      %dma_start3A_92 = arith.constant 0 : i32
      %dma_start3A_93 = tpu.memref_slice %arg7[%dma_start3A_91, %dma_start3A_92] : memref<128x128xf32, #tpu.memory_space<vmem>> -> memref<120x128xf32, #tpu.memory_space<vmem>>
      tpu.enqueue_dma source(%dma_start3A_93 : memref<120x128xf32, #tpu.memory_space<vmem>>) target(%dma_start3A_90 : memref<120x128xf32, #tpu.memory_space<hbm>>) target_semaphore(%run_scoped3A : memref<!tpu.dma_semaphore, #tpu.memory_space<semaphore_mem>>)
      %dma_wait3A = arith.constant 0 : i32
      %dma_wait3A_94 = arith.constant 0 : i32
      %dma_wait3A_95 = tpu.memref_slice %arg7[%dma_wait3A, %dma_wait3A_94] : memref<128x128xf32, #tpu.memory_space<vmem>> -> memref<120x128xf32, #tpu.memory_space<vmem>>
      %dma_wait3A_96 = arith.constant 0 : i32
      %dma_wait3A_97 = tpu.memref_slice %arg5[%add3A_84, %dma_wait3A_96] : memref<20224x128xf32, #tpu.memory_space<hbm>> -> memref<120x128xf32, #tpu.memory_space<hbm>>
      %dma_wait3A_98 = arith.constant 0 : i32
      %dma_wait3A_99 = tpu.memref_slice %arg5[%add3A_84, %dma_wait3A_98] : memref<20224x128xf32, #tpu.memory_space<hbm>> -> memref<120x128xf32, #tpu.memory_space<hbm>>
      %dma_wait3A_100 = arith.constant 0 : i32
      %dma_wait3A_101 = arith.constant 0 : i32
      %dma_wait3A_102 = tpu.memref_slice %arg7[%dma_wait3A_100, %dma_wait3A_101] : memref<128x128xf32, #tpu.memory_space<vmem>> -> memref<120x128xf32, #tpu.memory_space<vmem>>
      tpu.wait_dma2 semaphore(%run_scoped3A : memref<!tpu.dma_semaphore, #tpu.memory_space<semaphore_mem>>) src(%dma_wait3A_102 : memref<120x128xf32, #tpu.memory_space<vmem>>) dst(%dma_wait3A_99 : memref<120x128xf32, #tpu.memory_space<hbm>>)
      tpu.yield
    }) : () -> ()
    return
  }
}

module attributes {stable_mosaic.version = 14 : i64} {
  func.func @body(%arg0: i32, %arg1: memref<128x128xf32, #tpu.memory_space<vmem>>, %arg2: memref<2x128x128xf32, #tpu.memory_space<vmem>>, %arg3: memref<2x128x128xf32, #tpu.memory_space<vmem>>, %arg4: memref<1x1x128xi32, #tpu.memory_space<vmem>>, %arg5: memref<128x128xf32, #tpu.memory_space<vmem>>, %arg6: memref<1x128xf32, #tpu.memory_space<vmem>>, %arg7: memref<384x128xf32, #tpu.memory_space<vmem>>, %arg8: memref<384x128xf32, #tpu.memory_space<vmem>>, %arg9: memref<1x384xf32, #tpu.memory_space<vmem>>, %arg10: memref<1x384xf32, #tpu.memory_space<vmem>>, %arg11: memref<1024x128xf32, #tpu.memory_space<vmem>>, %arg12: memref<1024x1xf32, #tpu.memory_space<vmem>>) attributes {dimension_semantics = [#tpu.dimension_semantics<arbitrary>], iteration_bounds = array<i64: 79>, scalar_prefetch = 0 : i64, scratch_operands = 0 : i64, tpu.core_type = #tpu.core_type<tc>, window_params = [{transform_indices = @transform_0, window_bounds = array<i64: 128, 128>}, {transform_indices = @transform_1, window_bounds = array<i64: 2, 128, 128>}, {transform_indices = @transform_2, window_bounds = array<i64: 2, 128, 128>}, {transform_indices = @transform_3, window_bounds = array<i64: 1, 1, 128>}, {pipeline_mode = #tpu.pipeline_mode<synchronous>, transform_indices = @transform_4, window_bounds = array<i64: 128, 128>}, {pipeline_mode = #tpu.pipeline_mode<synchronous>, transform_indices = @transform_5, window_bounds = array<i64: 1, 128>}, {pipeline_mode = #tpu.pipeline_mode<synchronous>, transform_indices = @transform_6, window_bounds = array<i64: 384, 128>}, {pipeline_mode = #tpu.pipeline_mode<synchronous>, transform_indices = @transform_7, window_bounds = array<i64: 384, 128>}, {pipeline_mode = #tpu.pipeline_mode<synchronous>, transform_indices = @transform_8, window_bounds = array<i64: 1, 384>}, {pipeline_mode = #tpu.pipeline_mode<synchronous>, transform_indices = @transform_9, window_bounds = array<i64: 1, 384>}, {pipeline_mode = #tpu.pipeline_mode<synchronous>, transform_indices = @transform_10, window_bounds = array<i64: 1024, 128>}, {pipeline_mode = #tpu.pipeline_mode<synchronous>, transform_indices = @transform_11, window_bounds = array<i64: 1024, 1>}]} {
    %get3A = arith.constant 0 : index
    %get3A_0 = arith.constant 0 : index
    %get3A_1 = vector.load %arg1[%get3A, %get3A_0] : memref<128x128xf32, #tpu.memory_space<vmem>>, vector<128x128xf32>
    %get3A_2 = arith.constant 0 : index
    %get3A_3 = arith.constant 0 : index
    %get3A_4 = arith.constant 0 : index
    %get3A_5 = vector.load %arg2[%get3A_2, %get3A_3, %get3A_4] : memref<2x128x128xf32, #tpu.memory_space<vmem>>, vector<1x128x128xf32>
    %get3A_6 = vector.shape_cast %get3A_5 : vector<1x128x128xf32> to vector<128x128xf32>
    %get3A_7 = arith.constant 1 : index
    %get3A_8 = arith.constant 0 : index
    %get3A_9 = arith.constant 0 : index
    %get3A_10 = vector.load %arg2[%get3A_7, %get3A_8, %get3A_9] : memref<2x128x128xf32, #tpu.memory_space<vmem>>, vector<1x128x128xf32>
    %get3A_11 = vector.shape_cast %get3A_10 : vector<1x128x128xf32> to vector<128x128xf32>
    %add3A = arith.addf %get3A_6, %get3A_11 : vector<128x128xf32>
    %get3A_12 = arith.constant 0 : index
    %get3A_13 = arith.constant 0 : index
    %get3A_14 = arith.constant 0 : index
    %get3A_15 = vector.load %arg3[%get3A_12, %get3A_13, %get3A_14] : memref<2x128x128xf32, #tpu.memory_space<vmem>>, vector<1x128x1xf32>
    %get3A_16 = vector.shape_cast %get3A_15 : vector<1x128x1xf32> to vector<128x1xf32>
    %get3A_17 = arith.constant 1 : index
    %get3A_18 = arith.constant 0 : index
    %get3A_19 = arith.constant 0 : index
    %get3A_20 = vector.load %arg3[%get3A_17, %get3A_18, %get3A_19] : memref<2x128x128xf32, #tpu.memory_space<vmem>>, vector<1x128x1xf32>
    %get3A_21 = vector.shape_cast %get3A_20 : vector<1x128x1xf32> to vector<128x1xf32>
    %add3A_22 = arith.addf %get3A_16, %get3A_21 : vector<128x1xf32>
    %max3A = arith.constant 1.000000e+00 : f32
    %max3A_23 = vector.broadcast %max3A : f32 to vector<128x1xf32>
    %max3A_24 = arith.maximumf %add3A_22, %max3A_23 : vector<128x1xf32>
    %div3A = arith.constant 1.000000e+00 : f32
    %div3A_25 = vector.broadcast %div3A : f32 to vector<128x1xf32>
    %div3A_26 = arith.divf %div3A_25, %max3A_24 : vector<128x1xf32>
    %gt3A = arith.constant 0.000000e+00 : f32
    %gt3A_27 = vector.broadcast %gt3A : f32 to vector<128x1xf32>
    %gt3A_28 = arith.cmpf ogt, %add3A_22, %gt3A_27 : vector<128x1xf32>
    %convert_element_type3A = arith.extui %gt3A_28 : vector<128x1xi1> to vector<128x1xi32>
    %convert_element_type3A_29 = arith.sitofp %convert_element_type3A : vector<128x1xi32> to vector<128x1xf32>
    %get3A_30 = arith.constant 0 : index
    %get3A_31 = arith.constant 0 : index
    %get3A_32 = vector.load %arg5[%get3A_30, %get3A_31] : memref<128x128xf32, #tpu.memory_space<vmem>>, vector<128x128xf32>
    %mul3A = vector.broadcast %div3A_26 : vector<128x1xf32> to vector<128x128xf32>
    %mul3A_33 = arith.mulf %add3A, %mul3A : vector<128x128xf32>
    %dot_general3A = arith.constant dense<0.000000e+00> : vector<128x128xf32>
    %dot_general3A_34 = tpu.matmul %mul3A_33, %get3A_32, %dot_general3A {dimension_numbers = #tpu.dot_dimension_numbers<[1], [1], [0], [0], [0, 0, 1, 0], [], []>, transpose_lhs_hint = false} : vector<128x128xf32>, vector<128x128xf32>, vector<128x128xf32> -> vector<128x128xf32>
    %get3A_35 = arith.constant 0 : index
    %get3A_36 = arith.constant 0 : index
    %get3A_37 = vector.load %arg6[%get3A_35, %get3A_36] : memref<1x128xf32, #tpu.memory_space<vmem>>, vector<1x128xf32>
    %mul3A_38 = vector.broadcast %convert_element_type3A_29 : vector<128x1xf32> to vector<128x128xf32>
    %mul3A_39 = vector.broadcast %get3A_37 : vector<1x128xf32> to vector<128x128xf32>
    %mul3A_40 = arith.mulf %mul3A_38, %mul3A_39 : vector<128x128xf32>
    %add3A_41 = arith.addf %dot_general3A_34, %mul3A_40 : vector<128x128xf32>
    %dot_general3A_42 = arith.constant dense<0.000000e+00> : vector<128x128xf32>
    %dot_general3A_43 = tpu.matmul %get3A_1, %get3A_32, %dot_general3A_42 {dimension_numbers = #tpu.dot_dimension_numbers<[1], [1], [0], [0], [0, 0, 1, 0], [], []>, transpose_lhs_hint = false} : vector<128x128xf32>, vector<128x128xf32>, vector<128x128xf32> -> vector<128x128xf32>
    %get3A_44 = arith.constant 0 : index
    %get3A_45 = arith.constant 0 : index
    %get3A_46 = vector.load %arg6[%get3A_44, %get3A_45] : memref<1x128xf32, #tpu.memory_space<vmem>>, vector<1x128xf32>
    %add3A_47 = vector.broadcast %get3A_46 : vector<1x128xf32> to vector<128x128xf32>
    %add3A_48 = arith.addf %dot_general3A_43, %add3A_47 : vector<128x128xf32>
    %get3A_49 = arith.constant 0 : index
    %get3A_50 = arith.constant 0 : index
    %get3A_51 = vector.load %arg7[%get3A_49, %get3A_50] : memref<384x128xf32, #tpu.memory_space<vmem>>, vector<384x128xf32>
    %dot_general3A_52 = arith.constant dense<0.000000e+00> : vector<128x384xf32>
    %dot_general3A_53 = tpu.matmul %add3A_41, %get3A_51, %dot_general3A_52 {dimension_numbers = #tpu.dot_dimension_numbers<[1], [1], [0], [0], [0, 0, 1, 0], [], []>, transpose_lhs_hint = false} : vector<128x128xf32>, vector<384x128xf32>, vector<128x384xf32> -> vector<128x384xf32>
    %get3A_54 = arith.constant 0 : index
    %get3A_55 = arith.constant 0 : index
    %get3A_56 = vector.load %arg9[%get3A_54, %get3A_55] : memref<1x384xf32, #tpu.memory_space<vmem>>, vector<1x384xf32>
    %add3A_57 = vector.broadcast %get3A_56 : vector<1x384xf32> to vector<128x384xf32>
    %add3A_58 = arith.addf %dot_general3A_53, %add3A_57 : vector<128x384xf32>
    %get3A_59 = arith.constant 0 : index
    %get3A_60 = arith.constant 0 : index
    %get3A_61 = vector.load %arg8[%get3A_59, %get3A_60] : memref<384x128xf32, #tpu.memory_space<vmem>>, vector<384x128xf32>
    %dot_general3A_62 = arith.constant dense<0.000000e+00> : vector<128x384xf32>
    %dot_general3A_63 = tpu.matmul %add3A_48, %get3A_61, %dot_general3A_62 {dimension_numbers = #tpu.dot_dimension_numbers<[1], [1], [0], [0], [0, 0, 1, 0], [], []>, transpose_lhs_hint = false} : vector<128x128xf32>, vector<384x128xf32>, vector<128x384xf32> -> vector<128x384xf32>
    %get3A_64 = arith.constant 0 : index
    %get3A_65 = arith.constant 0 : index
    %get3A_66 = vector.load %arg10[%get3A_64, %get3A_65] : memref<1x384xf32, #tpu.memory_space<vmem>>, vector<1x384xf32>
    %add3A_67 = vector.broadcast %get3A_66 : vector<1x384xf32> to vector<128x384xf32>
    %add3A_68 = arith.addf %dot_general3A_63, %add3A_67 : vector<128x384xf32>
    %slice3A = vector.extract_strided_slice %add3A_58 {offsets = [0, 0], sizes = [128, 128], strides = [1, 1]} : vector<128x384xf32> to vector<128x128xf32>
    %slice3A_69 = vector.extract_strided_slice %add3A_68 {offsets = [0, 0], sizes = [128, 128], strides = [1, 1]} : vector<128x384xf32> to vector<128x128xf32>
    %add3A_70 = arith.addf %slice3A, %slice3A_69 : vector<128x128xf32>
    %logistic3A = arith.negf %add3A_70 : vector<128x128xf32>
    %logistic3A_71 = math.exp %logistic3A : vector<128x128xf32>
    %logistic3A_72 = arith.constant 1.000000e+00 : f32
    %logistic3A_73 = vector.broadcast %logistic3A_72 : f32 to vector<128x128xf32>
    %logistic3A_74 = arith.addf %logistic3A_73, %logistic3A_71 : vector<128x128xf32>
    %logistic3A_75 = arith.divf %logistic3A_73, %logistic3A_74 : vector<128x128xf32>
    %slice3A_76 = vector.extract_strided_slice %add3A_58 {offsets = [0, 128], sizes = [128, 128], strides = [1, 1]} : vector<128x384xf32> to vector<128x128xf32>
    %slice3A_77 = vector.extract_strided_slice %add3A_68 {offsets = [0, 128], sizes = [128, 128], strides = [1, 1]} : vector<128x384xf32> to vector<128x128xf32>
    %add3A_78 = arith.addf %slice3A_76, %slice3A_77 : vector<128x128xf32>
    %logistic3A_79 = arith.negf %add3A_78 : vector<128x128xf32>
    %logistic3A_80 = math.exp %logistic3A_79 : vector<128x128xf32>
    %logistic3A_81 = arith.constant 1.000000e+00 : f32
    %logistic3A_82 = vector.broadcast %logistic3A_81 : f32 to vector<128x128xf32>
    %logistic3A_83 = arith.addf %logistic3A_82, %logistic3A_80 : vector<128x128xf32>
    %logistic3A_84 = arith.divf %logistic3A_82, %logistic3A_83 : vector<128x128xf32>
    %slice3A_85 = vector.extract_strided_slice %add3A_58 {offsets = [0, 256], sizes = [128, 128], strides = [1, 1]} : vector<128x384xf32> to vector<128x128xf32>
    %slice3A_86 = vector.extract_strided_slice %add3A_68 {offsets = [0, 256], sizes = [128, 128], strides = [1, 1]} : vector<128x384xf32> to vector<128x128xf32>
    %mul3A_87 = arith.mulf %logistic3A_75, %slice3A_86 : vector<128x128xf32>
    %add3A_88 = arith.addf %slice3A_85, %mul3A_87 : vector<128x128xf32>
    %tanh3A = math.tanh %add3A_88 : vector<128x128xf32>
    %sub3A = arith.constant 1.000000e+00 : f32
    %sub3A_89 = vector.broadcast %sub3A : f32 to vector<128x128xf32>
    %sub3A_90 = arith.subf %sub3A_89, %logistic3A_84 : vector<128x128xf32>
    %mul3A_91 = arith.mulf %sub3A_90, %tanh3A : vector<128x128xf32>
    %mul3A_92 = arith.mulf %logistic3A_84, %add3A_48 : vector<128x128xf32>
    %add3A_93 = arith.addf %mul3A_91, %mul3A_92 : vector<128x128xf32>
    %get3A_94 = arith.constant 0 : index
    %get3A_95 = arith.constant 0 : index
    %get3A_96 = arith.constant 0 : index
    %get3A_97 = vector.load %arg4[%get3A_94, %get3A_95, %get3A_96] : memref<1x1x128xi32, #tpu.memory_space<vmem>>, vector<1x1x128xi32>
    %get3A_98 = vector.shape_cast %get3A_97 : vector<1x1x128xi32> to vector<1x128xi32>
    %iota3A = tpu.iota {dimensions = array<i32: 0>} : vector<1024x128xi32>
    %eq3A = vector.broadcast %get3A_98 : vector<1x128xi32> to vector<1024x128xi32>
    %eq3A_99 = arith.cmpi eq, %iota3A, %eq3A : vector<1024x128xi32>
    %convert_element_type3A_100 = arith.extui %eq3A_99 : vector<1024x128xi1> to vector<1024x128xi32>
    %convert_element_type3A_101 = arith.sitofp %convert_element_type3A_100 : vector<1024x128xi32> to vector<1024x128xf32>
    %dot_general3A_102 = arith.constant dense<0.000000e+00> : vector<1024x128xf32>
    %dot_general3A_103 = tpu.matmul %convert_element_type3A_101, %add3A_93, %dot_general3A_102 {dimension_numbers = #tpu.dot_dimension_numbers<[1], [0], [0], [1], [0, 0, 1, 1], [], []>, transpose_lhs_hint = false} : vector<1024x128xf32>, vector<128x128xf32>, vector<1024x128xf32> -> vector<1024x128xf32>
    %reduce_sum3A = arith.constant dense<0.000000e+00> : vector<1024xf32>
    %reduce_sum3A_104 = vector.multi_reduction <add>, %convert_element_type3A_101, %reduce_sum3A [1] : vector<1024x128xf32> to vector<1024xf32>
    %broadcast_in_dim3A = vector.shape_cast %reduce_sum3A_104 : vector<1024xf32> to vector<1024x1xf32>
    %eq3A_105 = arith.constant 0 : i32
    %eq3A_106 = arith.cmpi eq, %arg0, %eq3A_105 : i32
    %convert_element_type3A_107 = arith.extui %eq3A_106 : i1 to i32
    %cond3A = arith.constant 0 : i32
    %cond3A_108 = arith.cmpi ne, %convert_element_type3A_107, %cond3A : i32
    scf.if %cond3A_108 {
      %swap3A = arith.constant 0 : index
      %swap3A_119 = arith.constant 0 : index
      %swap3A_120 = vector.load %arg11[%swap3A, %swap3A_119] : memref<1024x128xf32, #tpu.memory_space<vmem>>, vector<1024x128xf32>
      tpu.vector_store %arg11[%swap3A, %swap3A_119], %dot_general3A_103 {strides = array<i32>} : memref<1024x128xf32, #tpu.memory_space<vmem>>, vector<1024x128xf32>,
      %swap3A_121 = arith.constant 0 : index
      %swap3A_122 = arith.constant 0 : index
      %swap3A_123 = vector.load %arg12[%swap3A_121, %swap3A_122] : memref<1024x1xf32, #tpu.memory_space<vmem>>, vector<1024x1xf32>
      tpu.vector_store %arg12[%swap3A_121, %swap3A_122], %broadcast_in_dim3A {strides = array<i32>} : memref<1024x1xf32, #tpu.memory_space<vmem>>, vector<1024x1xf32>,
    } else {
    }
    %gt3A_109 = arith.constant 0 : i32
    %gt3A_110 = arith.cmpi sgt, %arg0, %gt3A_109 : i32
    %convert_element_type3A_111 = arith.extui %gt3A_110 : i1 to i32
    %cond3A_112 = arith.constant 0 : i32
    %cond3A_113 = arith.cmpi ne, %convert_element_type3A_111, %cond3A_112 : i32
    scf.if %cond3A_113 {
      %get3A_119 = arith.constant 0 : index
      %get3A_120 = arith.constant 0 : index
      %get3A_121 = vector.load %arg11[%get3A_119, %get3A_120] : memref<1024x128xf32, #tpu.memory_space<vmem>>, vector<1024x128xf32>
      %add3A_122 = arith.addf %get3A_121, %dot_general3A_103 : vector<1024x128xf32>
      %swap3A = arith.constant 0 : index
      %swap3A_123 = arith.constant 0 : index
      %swap3A_124 = vector.load %arg11[%swap3A, %swap3A_123] : memref<1024x128xf32, #tpu.memory_space<vmem>>, vector<1024x128xf32>
      tpu.vector_store %arg11[%swap3A, %swap3A_123], %add3A_122 {strides = array<i32>} : memref<1024x128xf32, #tpu.memory_space<vmem>>, vector<1024x128xf32>,
      %get3A_125 = arith.constant 0 : index
      %get3A_126 = arith.constant 0 : index
      %get3A_127 = vector.load %arg12[%get3A_125, %get3A_126] : memref<1024x1xf32, #tpu.memory_space<vmem>>, vector<1024x1xf32>
      %add3A_128 = arith.addf %get3A_127, %broadcast_in_dim3A : vector<1024x1xf32>
      %swap3A_129 = arith.constant 0 : index
      %swap3A_130 = arith.constant 0 : index
      %swap3A_131 = vector.load %arg12[%swap3A_129, %swap3A_130] : memref<1024x1xf32, #tpu.memory_space<vmem>>, vector<1024x1xf32>
      tpu.vector_store %arg12[%swap3A_129, %swap3A_130], %add3A_128 {strides = array<i32>} : memref<1024x1xf32, #tpu.memory_space<vmem>>, vector<1024x1xf32>,
    } else {
    }
    %eq3A_114 = arith.constant 78 : i32
    %eq3A_115 = arith.cmpi eq, %arg0, %eq3A_114 : i32
    %convert_element_type3A_116 = arith.extui %eq3A_115 : i1 to i32
    %cond3A_117 = arith.constant 0 : i32
    %cond3A_118 = arith.cmpi ne, %convert_element_type3A_116, %cond3A_117 : i32
    scf.if %cond3A_118 {
      %get3A_119 = arith.constant 0 : index
      %get3A_120 = arith.constant 0 : index
      %get3A_121 = vector.load %arg11[%get3A_119, %get3A_120] : memref<1024x128xf32, #tpu.memory_space<vmem>>, vector<1024x128xf32>
      %get3A_122 = arith.constant 0 : index
      %get3A_123 = arith.constant 0 : index
      %get3A_124 = vector.load %arg12[%get3A_122, %get3A_123] : memref<1024x1xf32, #tpu.memory_space<vmem>>, vector<1024x1xf32>
      %max3A_125 = arith.constant 1.000000e+00 : f32
      %max3A_126 = vector.broadcast %max3A_125 : f32 to vector<1024x1xf32>
      %max3A_127 = arith.maximumf %get3A_124, %max3A_126 : vector<1024x1xf32>
      %div3A_128 = vector.broadcast %max3A_127 : vector<1024x1xf32> to vector<1024x128xf32>
      %div3A_129 = arith.divf %get3A_121, %div3A_128 : vector<1024x128xf32>
      %swap3A = arith.constant 0 : index
      %swap3A_130 = arith.constant 0 : index
      %swap3A_131 = vector.load %arg11[%swap3A, %swap3A_130] : memref<1024x128xf32, #tpu.memory_space<vmem>>, vector<1024x128xf32>
      tpu.vector_store %arg11[%swap3A, %swap3A_130], %div3A_129 {strides = array<i32>} : memref<1024x128xf32, #tpu.memory_space<vmem>>, vector<1024x128xf32>,
    } else {
    }
    return
  }
  func.func @transform_0(%arg0: i32) -> (i32, i32) {
    %c0_i32 = arith.constant 0 : i32
    %c0_i32_0 = arith.constant 0 : i32
    return %arg0, %c0_i32 : i32, i32
  }
  func.func @transform_1(%arg0: i32) -> (i32, i32, i32) {
    %c0_i32 = arith.constant 0 : i32
    %c0_i32_0 = arith.constant 0 : i32
    %c0_i32_1 = arith.constant 0 : i32
    return %c0_i32, %arg0, %c0_i32_0 : i32, i32, i32
  }
  func.func @transform_2(%arg0: i32) -> (i32, i32, i32) {
    %c0_i32 = arith.constant 0 : i32
    %c0_i32_0 = arith.constant 0 : i32
    %c0_i32_1 = arith.constant 0 : i32
    return %c0_i32, %arg0, %c0_i32_0 : i32, i32, i32
  }
  func.func @transform_3(%arg0: i32) -> (i32, i32, i32) {
    %c0_i32 = arith.constant 0 : i32
    %c0_i32_0 = arith.constant 0 : i32
    %c0_i32_1 = arith.constant 0 : i32
    return %arg0, %c0_i32, %c0_i32_0 : i32, i32, i32
  }
  func.func @transform_4(%arg0: i32) -> (i32, i32) {
    %c0_i32 = arith.constant 0 : i32
    %c0_i32_0 = arith.constant 0 : i32
    %c0_i32_1 = arith.constant 0 : i32
    return %c0_i32, %c0_i32_0 : i32, i32
  }
  func.func @transform_5(%arg0: i32) -> (i32, i32) {
    %c0_i32 = arith.constant 0 : i32
    %c0_i32_0 = arith.constant 0 : i32
    %c0_i32_1 = arith.constant 0 : i32
    return %c0_i32, %c0_i32_0 : i32, i32
  }
  func.func @transform_6(%arg0: i32) -> (i32, i32) {
    %c0_i32 = arith.constant 0 : i32
    %c0_i32_0 = arith.constant 0 : i32
    %c0_i32_1 = arith.constant 0 : i32
    return %c0_i32, %c0_i32_0 : i32, i32
  }
  func.func @transform_7(%arg0: i32) -> (i32, i32) {
    %c0_i32 = arith.constant 0 : i32
    %c0_i32_0 = arith.constant 0 : i32
    %c0_i32_1 = arith.constant 0 : i32
    return %c0_i32, %c0_i32_0 : i32, i32
  }
  func.func @transform_8(%arg0: i32) -> (i32, i32) {
    %c0_i32 = arith.constant 0 : i32
    %c0_i32_0 = arith.constant 0 : i32
    %c0_i32_1 = arith.constant 0 : i32
    return %c0_i32, %c0_i32_0 : i32, i32
  }
  func.func @transform_9(%arg0: i32) -> (i32, i32) {
    %c0_i32 = arith.constant 0 : i32
    %c0_i32_0 = arith.constant 0 : i32
    %c0_i32_1 = arith.constant 0 : i32
    return %c0_i32, %c0_i32_0 : i32, i32
  }
  func.func @transform_10(%arg0: i32) -> (i32, i32) {
    %c0_i32 = arith.constant 0 : i32
    %c0_i32_0 = arith.constant 0 : i32
    %c0_i32_1 = arith.constant 0 : i32
    return %c0_i32, %c0_i32_0 : i32, i32
  }
  func.func @transform_11(%arg0: i32) -> (i32, i32) {
    %c0_i32 = arith.constant 0 : i32
    %c0_i32_0 = arith.constant 0 : i32
    %c0_i32_1 = arith.constant 0 : i32
    return %c0_i32, %c0_i32_0 : i32, i32
  }
}

module attributes {stable_mosaic.version = 14 : i64} {
  func.func @body(%arg0: i32, %arg1: memref<1024x128xf32, #tpu.memory_space<vmem>>, %arg2: memref<2048x128xf32, #tpu.memory_space<vmem>>, %arg3: memref<1x2048xf32, #tpu.memory_space<vmem>>, %arg4: memref<1024x2048xf32, #tpu.memory_space<vmem>>) attributes {dimension_semantics = [#tpu.dimension_semantics<arbitrary>], iteration_bounds = array<i64: 49>, scalar_prefetch = 0 : i64, scratch_operands = 0 : i64, tpu.core_type = #tpu.core_type<tc>, window_params = [{pipeline_mode = #tpu.pipeline_mode<synchronous>, transform_indices = @transform_0, window_bounds = array<i64: 1024, 128>}, {transform_indices = @transform_1, window_bounds = array<i64: 2048, 128>}, {transform_indices = @transform_2, window_bounds = array<i64: 1, 2048>}, {transform_indices = @transform_3, window_bounds = array<i64: 1024, 2048>}]} {
    %get3A = arith.constant 0 : index
    %get3A_0 = arith.constant 0 : index
    %get3A_1 = vector.load %arg1[%get3A, %get3A_0] : memref<1024x128xf32, #tpu.memory_space<vmem>>, vector<1024x128xf32>
    %get3A_2 = arith.constant 0 : index
    %get3A_3 = arith.constant 0 : index
    %get3A_4 = vector.load %arg2[%get3A_2, %get3A_3] : memref<2048x128xf32, #tpu.memory_space<vmem>>, vector<2048x128xf32>
    %dot_general3A = arith.constant dense<0.000000e+00> : vector<1024x2048xf32>
    %dot_general3A_5 = tpu.matmul %get3A_1, %get3A_4, %dot_general3A {dimension_numbers = #tpu.dot_dimension_numbers<[1], [1], [0], [0], [0, 0, 1, 0], [], []>, transpose_lhs_hint = false} : vector<1024x128xf32>, vector<2048x128xf32>, vector<1024x2048xf32> -> vector<1024x2048xf32>
    %get3A_6 = arith.constant 0 : index
    %get3A_7 = arith.constant 0 : index
    %get3A_8 = vector.load %arg3[%get3A_6, %get3A_7] : memref<1x2048xf32, #tpu.memory_space<vmem>>, vector<1x2048xf32>
    %add3A = vector.broadcast %get3A_8 : vector<1x2048xf32> to vector<1024x2048xf32>
    %add3A_9 = arith.addf %dot_general3A_5, %add3A : vector<1024x2048xf32>
    %swap3A = arith.constant 0 : index
    %swap3A_10 = arith.constant 0 : index
    %swap3A_11 = vector.load %arg4[%swap3A, %swap3A_10] : memref<1024x2048xf32, #tpu.memory_space<vmem>>, vector<1024x2048xf32>
    tpu.vector_store %arg4[%swap3A, %swap3A_10], %add3A_9 {strides = array<i32>} : memref<1024x2048xf32, #tpu.memory_space<vmem>>, vector<1024x2048xf32>,
    return
  }
  func.func @transform_0(%arg0: i32) -> (i32, i32) {
    %c0_i32 = arith.constant 0 : i32
    %c0_i32_0 = arith.constant 0 : i32
    %c0_i32_1 = arith.constant 0 : i32
    return %c0_i32, %c0_i32_0 : i32, i32
  }
  func.func @transform_1(%arg0: i32) -> (i32, i32) {
    %c0_i32 = arith.constant 0 : i32
    %c0_i32_0 = arith.constant 0 : i32
    return %arg0, %c0_i32 : i32, i32
  }
  func.func @transform_2(%arg0: i32) -> (i32, i32) {
    %c0_i32 = arith.constant 0 : i32
    %c0_i32_0 = arith.constant 0 : i32
    return %c0_i32, %arg0 : i32, i32
  }
  func.func @transform_3(%arg0: i32) -> (i32, i32) {
    %c0_i32 = arith.constant 0 : i32
    %c0_i32_0 = arith.constant 0 : i32
    return %c0_i32, %arg0 : i32, i32
  }
}

</mosaic_0001>

<sc_bundles>
// kernel: kernel.10.cloned.1.call-start
scs
__scs_entry_jumppad:
0x0: {  	(pc) =	sbr.rel $0x88, $3  }
0x1: {  	(tag) =	ssettag $0x0;
	lr =	simm.s32 $0x1  }
0x2: {  	[smem:$0x3F95] =	sst lr;
	_ =	strace $0xD0000000  }
0x3: {  	_ = 	snop  }
0x4: {  	_ = 	snop  }
0x5: {  	_ = 	snop  }
0x6: {  	_ = 	snop  }
0x7: {  	_ = 	snop  }
__scs_overlays_trampoline_lowered:
0x8: {  	[smem:$0x3FA4] =	sst s0  }
0x9: {  	[smem:$0x3FA5] =	sst s1  }
0xa: {  	[smem:$0x3FA6] =	sst s2  }
0xb: {  	[smem:$0x3FA7] =	sst s3  }
0xc: {  	[smem:$0x3FA8] =	sst s4  }
0xd: {  	[smem:$0x3FA9] =	sst s5  }
0xe: {  	[smem:$0x3FAA] =	sst s6  }
0xf: {  	[smem:$0x3FAB] =	sst s7  }
0x10: {  	[smem:$0x3FAC] =	sst s8  }
0x11: {  	[smem:$0x3FAD] =	sst s9;
	s0 =	simm.s32 @!p0 $0x0  }
0x12: {  	s1 =	sld [smem:$0x3F93];
	s0 =	simm.s32 @p0 $0x1  }
0x13: {  	[smem:$0x3FAE] =	sst s0;
	s0 =	simm.s32 @!p1 $0x0  }
0x14: {  	s2 =	sld [smem:$0x3F92];
	s0 =	simm.s32 @p1 $0x1  }
0x15: {  	[smem:$0x3FAF] =	sst s0;
	s0 =	simm.s32 @!p2 $0x0  }
0x16: {  	s3 =	sld [smem:$0x3FDB];
	s0 =	simm.s32 @p2 $0x1  }
0x17: {  	s4 =	simm.s32 $0x1BF5;
	[smem:$0x3FB1] =	sst s0  }
0x18: {  	s0 =	sld [smem:$0x3F94];
	_ =	swait.ge [sflag:s4], $0x0  }
0x19: {  	s7 =	sld [smem:$0x3F95]  }
0x1a: {  	s8 =	sadd.s32 $0xFFFFE003, lr  }
0x1b: {  	s9 =	sadd.s32 $0xFFFFFEF7, lr;
	s5 =	simm.s32 $0xFFFFFFFF;
	p2 =	slt.u32 s8, $0xFFFFF086  }
0x1c: {  	p1 =	slt.u32 s9, $0xF7A;
	s5 =	simm.s32 @!p2 $0x0  }
0x1d: {  	s5 =	simm.s32 @p1 $0x1;
	p0 =	seq.s32 s7, s2  }
0x1e: {  	s7 =	smul.u32 @!p0 $0xF7A, s2;
	p2 =	seq.s32 @!p0 s5, $0x0  }
0x1f: {  	s9 =	smul.u32 $0xF7A, s1;
	s8 =	simm.s32 @!p0 $0x1BF5;
	p2 =	por !p2, p0  }
0x20: {  	[sflag:s8] =	ssyncset.s32 @!p0 $0xFFFFF086;
	s6 =	sadd.s32 @!p0 s3, s7;
	s7 =	simm.s32 @!p0 $0x108  }
0x21: {  	s3 =	sadd.s32 s3, s9;
	s6 =	sadd.s32 @!p0 $0x88, s6;
	s7 =	simm.s32 @p2 $0x1082  }
0x22: {  	[simem:s7], [sflag:s8] =	dma.local @!p0 [hbm:s6], $0xF7A  }
0x23: {  	s9 =	sor.u32 $0xD0000000, s2;
	s6 =	simm.s32 $0x108;
	_ =	swait.ge @!p0 [sflag:s8], $0x0  }
0x24: {  	s3 =	sadd.s32 $0x88, s3;
	s6 =	simm.s32 @!p1 $0x1082;
	[sflag:s4] =	ssyncset.s32 $0xFFFFF086  }
0x25: {  	[simem:s6], [sflag:s4] =	dma.local [hbm:s3], $0xF7A  }
0x26: {  	[smem:$0x3F95] =	sst s1;
	(tag) =	ssettag s2;
	_ =	strace s9  }
0x27: {  	s1 =	sld [smem:$0x3FA5]  }
0x28: {  	s2 =	sld [smem:$0x3FA6]  }
0x29: {  	s4 =	sld [smem:$0x3FA8]  }
0x2a: {  	p0 =	seq.s32 s5, $0x0;
	s5 =	sld [smem:$0x3FA9]  }
0x2b: {  	s6 =	sld [smem:$0x3FAA]  }
0x2c: {  	s7 =	sld [smem:$0x3FAB]  }
0x2d: {  	s3 =	simm.s32 $0x108;
	s8 =	sld [smem:$0x3FAC]  }
0x2e: {  	s3 =	simm.s32 @!p0 $0x1082;
	s9 =	sld [smem:$0x3FAD]  }
0x2f: {  	lr =	sadd.s32 s0, s3;
	s0 =	sld [smem:$0x3FA4]  }
0x30: {  	s3 =	sld [smem:$0x3FA7]  }
0x31: {  	[smem:$0x3FB0] =	sst s10  }
0x32: {  	s10 =	sld [smem:$0x3FAE];
	_ =	sdelay $0x3  }
0x33: {  	p0 =	seq.s32 s10, $0x1;
	s10 =	sld [smem:$0x3FB0];
	_ =	sdelay $0x3  }
0x34: {  	[smem:$0x3FB0] =	sst s10  }
0x35: {  	s10 =	sld [smem:$0x3FAF];
	_ =	sdelay $0x3  }
0x36: {  	p1 =	seq.s32 s10, $0x1;
	s10 =	sld [smem:$0x3FB0];
	_ =	sdelay $0x3  }
0x37: {  	[smem:$0x3FB0] =	sst s10  }
0x38: {  	s10 =	sld [smem:$0x3FB1]  }
0x39: {  	_ = 	snop;
	(pc) =	sbr.ind lr, $3  }
0x3a: {  	_ = 	snop  }
0x3b: {  	_ = 	snop  }
0x3c: {  	p2 =	seq.s32 s10, $0x1;
	s10 =	sld [smem:$0x3FB0]  }
0x3d: {  	_ =	shalt  }
0x3e: {  	_ =	shalt  }
0x3f: {  	_ =	shalt  }
0x40: {  	_ =	shalt  }
0x41: {  	_ =	shalt  }
0x42: {  	_ =	shalt  }
0x43: {  	_ =	shalt  }
0x44: {  	_ =	shalt  }
0x45: {  	_ =	shalt  }
0x46: {  	_ =	shalt  }
0x47: {  	_ =	shalt  }
0x48: {  	_ =	shalt  }
0x49: {  	_ =	shalt  }
0x4a: {  	_ =	shalt  }
0x4b: {  	_ =	shalt  }
0x4c: {  	_ =	shalt  }
0x4d: {  	_ =	shalt  }
0x4e: {  	_ =	shalt  }
0x4f: {  	_ =	shalt  }
0x50: {  	_ =	shalt  }
0x51: {  	_ =	shalt  }
0x52: {  	_ =	shalt  }
0x53: {  	_ =	shalt  }
0x54: {  	_ =	shalt  }
0x55: {  	_ =	shalt  }
0x56: {  	_ =	shalt  }
0x57: {  	_ =	shalt  }
0x58: {  	_ =	shalt  }
0x59: {  	_ =	shalt  }
0x5a: {  	_ =	shalt  }
0x5b: {  	_ =	shalt  }
0x5c: {  	_ =	shalt  }
0x5d: {  	_ =	shalt  }
0x5e: {  	_ =	shalt  }
0x5f: {  	_ =	shalt  }
0x60: {  	_ =	shalt  }
0x61: {  	_ =	shalt  }
0x62: {  	_ =	shalt  }
0x63: {  	_ =	shalt  }
0x64: {  	_ =	shalt  }
0x65: {  	_ =	shalt  }
0x66: {  	_ =	shalt  }
0x67: {  	_ =	shalt  }
0x68: {  	_ =	shalt  }
0x69: {  	_ =	shalt  }
0x6a: {  	_ =	shalt  }
0x6b: {  	_ =	shalt  }
0x6c: {  	_ =	shalt  }
0x6d: {  	_ =	shalt  }
0x6e: {  	_ =	shalt  }
0x6f: {  	_ =	shalt  }
0x70: {  	_ =	shalt  }
0x71: {  	_ =	shalt  }
0x72: {  	_ =	shalt  }
0x73: {  	_ =	shalt  }
0x74: {  	_ =	shalt  }
0x75: {  	_ =	shalt  }
0x76: {  	_ =	shalt  }
0x77: {  	_ =	shalt  }
0x78: {  	_ =	shalt  }
0x79: {  	_ =	shalt  }
0x7a: {  	_ =	shalt  }
0x7b: {  	_ =	shalt  }
0x7c: {  	_ =	shalt  }
0x7d: {  	_ =	shalt  }
0x7e: {  	_ =	shalt  }
0x7f: {  	_ =	shalt  }
0x80: {  	_ =	shalt  }
0x81: {  	_ =	shalt  }
0x82: {  	_ =	shalt  }
0x83: {  	_ =	shalt  }
0x84: {  	_ =	shalt  }
0x85: {  	_ =	shalt  }
0x86: {  	_ =	shalt  }
0x87: {  	_ =	shalt  }
.Lfunc_end0:
.L_simem_size_0:
called_computation.1_lowered:
.L_overlay_start_0:
0x88: {  	s2 =	sld [smem:$0x3FD9]  }
0x89: {  	s3 =	sld [smem:$0x3FFE];
	_ =	sdelay $0x1  }
0x8a: {  	s1 =	srdreg.scid  }
0x8b: {  	s0 =	sand.u32 $0x1, s1  }
0x8c: {  	s17 =	sshll.u32 s0, $0xA;
	s2 =	sadd.s32 s3, s2  }
0x8d: {  	s2 =	sadd.s32 s2, s17  }
0x8e: {  	[smem:$0x3FBC] =	sst s2  }
0x8f: {  	_ = 	snop  }
0x90: {  	s2 =	sld [smem:$0x3FD0];
	(tm) =	ssettm $0x1  }
0x91: {  	s18 =	sld [smem:$0x3FFB];
	_ =	sdelay $0x3  }
0x92: {  	_ =	strace s18  }
0x93: {  	s3 =	sld [smem:$0x3FFC];
	_ =	sdelay $0x3  }
0x94: {  	_ =	strace s3  }
0x95: {  	s3 =	sld [smem:$0x3FFD];
	_ =	sdelay $0x3  }
0x96: {  	_ =	strace s3  }
0x97: {  	_ =	strace $0x8FFFFFFF  }
0x98: {  	s19 =	sld [smem:$0x3FDB];
	_ =	sdelay $0x1  }
0x99: {  	s4 =	simm.s32 $_scs_section_size  }
0x9a: {  	s5 =	simm.s32 $_size__tile_overlayer_lowered;
	s6 =	simm.s32 $_tile_overlayer_lowered  }
0x9b: {  	s22 =	simm.s32 $0x1BFF;
	s21 =	sshll.u32 s6, $0x1;
	s3 =	sadd.s32 s4, s19  }
0x9c: {  	s7 =	simm.s32 $0x0;
	s20 =	sshll.u32 s5, $0x1;
	s5 =	sadd.s32 s21, s3  }
0x9d: {  	[timem:s7], [sflag:s22] =	dma.local [hbm:s5], s20  }
0x9e: {  	_ =	swait.ge [sflag:s22], s20  }
0x9f: {  	s4 =	ssub.s32 $0x0, s20;
	[sflag:s22] =	ssyncset.done $0x0  }
0xa0: {  	[sflag:s22] =	ssyncadd.s32 s4;
	_ =	sdelay $0x1  }
0xa1: {  	s23 =	simm.s32 $0x1B8B  }
0xa2: {  	_ =	swait.ge [sflag:s23], $0x1  }
0xa3: {  	[sflag:s23] =	ssyncset.done $0x0  }
0xa4: {  	s25 =	simm.s32 $0x1B8E;
	s24 =	sld [smem:$0x3FFE];
	[sflag:s23] =	ssyncadd.s32 $0xFFFFFFFF  }
0xa5: {  	s26 =	simm.s32 $execute0_lowered;
	[smem:$0x3FD2] =	sst s25  }
0xa6: {  	s5 =	sshll.u32 s26, $0x1;
	_ =	strace $0x80000049;
	[dreg:$0x1] =	wrdreg $0xFFFFFFFF  }
0xa7: {  	s28 =	simm.s32 $_size_execute0_lowered;
	s3 =	sadd.s32 s3, s5;
	[dreg:$0x0] =	wrdreg $0x0  }
0xa8: {  	s5 =	sshll.u32 s28, $0x1;
	[dreg:$0x2] =	wrdreg s3  }
0xa9: {  	[dreg:$0x3] =	wrdreg s5  }
0xaa: {  	[dreg:$0x4] =	wrdreg $0xC0  }
0xab: {  	_ =	task [dreg:s7], $0x5FFFF  }
0xac: {  	[dreg:$0x1] =	wrdreg $0xFFFFFFFF  }
0xad: {  	[dreg:$0x0] =	wrdreg $0x60  }
0xae: {  	[dreg:$0x2] =	wrdreg s24  }
0xaf: {  	[dreg:$0x3] =	wrdreg s2  }
0xb0: {  	[dreg:$0x4] =	wrdreg $0x82000  }
0xb1: {  	[dreg:$0x5] =	wrdreg $0x9  }
0xb2: {  	_ =	task.clear_ibuf [dreg:s7], $0x6FFFF;
	_ =	strace $0x90000049  }
0xb3: {  	s29 =	simm.s32 $0x9;
	_ =	strace $0x8000004B  }
0xb4: {  	_ =	swait.ge [sflag:s29], $0x1  }
0xb5: {  	[sflag:s29] =	ssyncadd.s32 $0xFFFFFFFF  }
0xb6: {  	_ =	strace $0x9000004B  }
0xb7: {  	_ =	sfence  }
0xb8: {  	s30 =	sld [smem:$0x0];
	_ =	sdelay $0x2  }
0xb9: {  	s31 =	sshll.u32 s1, $0xD;
	s1 =	sshrl.u32 s1, $0x2  }
0xba: {  	s3 =	sand.u32 $0x4000, s31;
	s1 =	sadd.s32 s1, s30  }
0xbb: {  	s0 =	sor.u32 s3, s0;
	s1 =	sshll.u32 s1, $0x11  }
0xbc: {  	s0 =	sor.u32 s1, s0  }
0xbd: {  	s0 =	sadd.s32 $0x8F2B, s0  }
0xbe: {  	[sflag:s0] =	ssyncadd.remote.s32 $0x1  }
0xbf: {  	_ =	sfence.sel $0xFFFF  }
0xc0: {  	[dreg:$0x0] =	wrdreg $0xFFFFFFFF;
	(pc) =	sbr.abs _section_cstart, $3  }
0xc1: {  	[dreg:$0x1] =	wrdreg $0xFFFFFFFF  }
0xc2: {  	_ =	task.clear_ibuf [dreg:s7], $0x2FFFF;
	_ =	strace $0x9FFFFFFF  }
0xc3: {  	(tm) =	ssettm $0x7FFFFFFF  }
tec
execute0_lowered:
.L_overlay_start_1:
0x0: {  	(tag) =	ssettag $0x1  }
0x1: {  	s0 =	rddreg [dreg:$0x0]  }
0x2: {  	s2 =	rddreg [dreg:$0x1]  }
0x3: {  	s1 =	srdreg.scid;
	s12 =	stileid.u32  }
0x4: {  	s3 =	rddreg [dreg:$0x2];
	s4 =	simm.s32 $0x0;
	s28 =	simm.s32 $0x80  }
0x5: {  	s29 =	simm.s32 $0x180;
	s30 =	simm.s32 $0x4200;
	s6 =	smul.u32 $0x278, s12  }
0x6: {  	s31 =	simm.s32 $0x1;
	s1 =	sand.u32 $0x1, s1;
	s9 =	smul.u32 $0x4F000, s12  }
0x7: {  	[smem:$0x7FF] =	sst s4;
	s5 =	sadd.s32 $0x3200, s0;
	s14 =	smul.u32 $0x4F00, s12  }
0x8: {  	s10 =	sadd.s32 $0x35000, s0;
	s17 =	sshll.u32 s12, $0x1;
	s7 =	smul.u32 $0x2780, s1  }
0x9: {  	_ =	strace $0x8000004A;
	[dreg:$0x4] =	wrdreg s10;
	s18 =	ssub.s32 $0x2, s1  }
0xa: {  	s1 =	sor.u32 s1, s17;
	s19 =	sshrl.u32 s9, $0x2;
	s20 =	sshrl.u32 s18, $0x1  }
0xb: {  	s1 =	smul.u32 $0x2780, s1;
	s8 =	sadd.s32 s6, s7;
	s6 =	sadd.s32 $0x2B200, s0  }
0xc: {  	s13 =	ssub.s32 s18, s20;
	s23 =	sadd.s32 s7, s14;
	s8 =	sshll.u32 s8, $0x4  }
0xd: {  	s1 =	sshrl.u32 s1, $0x3;
	s25 =	sadd.s32 $0x80, s23;
	s20 =	smax.u32 s13, $0x1  }
0xe: {  	s0 =	sadd.s32 s8, s0;
	s8 =	sadd.s32 s19, s3;
	s15 =	sadd.s32 s2, s1  }
0xf: {  	s1 =	sadd.s32 s6, s1;
	s26 =	sshrl.u32 s25, $0x3;
	s25 =	simm.s32 $0x3  }
0x10: {  	s9 =	sadd.s32 $0x4000, s8;
	s10 =	sadd.s32 $0x8000, s8;
	[dreg:$0x5] =	wrdreg s15  }
0x11: {  	s11 =	sadd.s32 $0xC000, s8;
	s12 =	sadd.s32 $0x10000, s8;
	[dreg:$0x6] =	wrdreg s1  }
0x12: {  	s21 =	sadd.s32 $0x35800, s0;
	s22 =	sadd.s32 $0x36000, s0;
	s24 =	sadd.s32 $0x36800, s0  }
0x13: {  	s18 =	sadd.s32 $0x37000, s0;
	s19 =	sadd.s32 $0x37800, s0;
	[dreg:$0x7] =	wrdreg s21  }
0x14: {  	s1 =	simm.s32 $0x2;
	s0 =	simm.s32 $0x0;
	[dreg:$0x8] =	wrdreg s22  }
0x15: {  	[dreg:$0x9] =	wrdreg s24;
	s21 =	sadd.s32 $0x100, s23;
	s22 =	sadd.s32 s26, s6  }
0x16: {  	s23 =	sadd.s32 s26, s2;
	s24 =	simm.s32 $0x200;
	s26 =	simm.s32 $0x100  }
.LBB2_1:
0x17: {  	s7 =	rddreg [dreg:$0x4]  }
0x18: {  	[tilespmem:s24], [sflag:$0x3] =	stream.linear.gather [hbm4b:s7+s4], $0x4000, $0x38;
	[tilespmem:$0x1BE00] =	vst v63  }
0x19: {  	_ =	swait.ge [sflag:s25], $0x4000  }
0x1a: {  	[sflag:s25] =	ssyncset.done $0x0  }
0x1b: {  	[sflag:s25] =	ssyncadd.s32 $0xFFFFC000  }
0x1c: {  	[spmem:s8] =	stream.linear.scatter [tilespmem:s24], [sflag:$0x3], $0x4000, $0x38;
	[tilespmem:$0x1BE00] =	vst v63  }
0x1d: {  	_ =	swait.ge [sflag:s25], $0x4000  }
0x1e: {  	[sflag:s25] =	ssyncset.done $0x0  }
0x1f: {  	[sflag:s25] =	ssyncadd.s32 $0xFFFFC000  }
0x20: {  	[spmem:s9] =	stream.linear.scatter [tilespmem:s24], [sflag:$0x3], $0x4000, $0x38;
	[tilespmem:$0x1BE00] =	vst v63  }
0x21: {  	_ =	swait.ge [sflag:s25], $0x4000  }
0x22: {  	[sflag:s25] =	ssyncset.done $0x0  }
0x23: {  	[sflag:s25] =	ssyncadd.s32 $0xFFFFC000  }
0x24: {  	[spmem:s10] =	stream.linear.scatter [tilespmem:s24], [sflag:$0x3], $0x4000, $0x38;
	[tilespmem:$0x1BE00] =	vst v63  }
0x25: {  	_ =	swait.ge [sflag:s25], $0x4000  }
0x26: {  	[sflag:s25] =	ssyncset.done $0x0  }
0x27: {  	[sflag:s25] =	ssyncadd.s32 $0xFFFFC000  }
0x28: {  	[spmem:s11] =	stream.linear.scatter [tilespmem:s24], [sflag:$0x3], $0x4000, $0x38;
	[tilespmem:$0x1BE00] =	vst v63  }
0x29: {  	_ =	swait.ge [sflag:s25], $0x4000  }
0x2a: {  	[sflag:s25] =	ssyncset.done $0x0  }
0x2b: {  	[sflag:s25] =	ssyncadd.s32 $0xFFFFC000  }
0x2c: {  	[spmem:s12] =	stream.linear.scatter [tilespmem:s24], [sflag:$0x3], $0x3C00, $0x38;
	[tilespmem:$0x1BE00] =	vst v63  }
0x2d: {  	_ =	swait.ge [sflag:s25], $0x3C00  }
0x2e: {  	[sflag:s25] =	ssyncset.done $0x0  }
0x2f: {  	[sflag:s25] =	ssyncadd.s32 $0xFFFFC400  }
0x30: {  	[bflag:$0x0] =	sbarrier.arrive $0xFFFF  }
0x31: {  	s13 =	rddreg [dreg:$0x5]  }
0x32: {  	[tilespmem:s4], [sflag:$0x3] =	stream.linear.gather [hbm4b:s13+s4], $0x80, $0x38;
	[tilespmem:$0x1BE00] =	vst v63  }
0x33: {  	_ =	swait.ge [sflag:s25], $0x80  }
0x34: {  	[sflag:s25] =	ssyncset.done $0x0  }
0x35: {  	s14 =	rddreg [dreg:$0x6];
	[sflag:s25] =	ssyncadd.s32 $0xFFFFFF80  }
0x36: {  	[tilespmem:s26], [sflag:$0x3] =	stream.linear.gather [hbm4b:s14+s4], $0x80, $0x38;
	[tilespmem:$0x1BE00] =	vst v63  }
0x37: {  	_ =	swait.ge [sflag:s25], $0x80  }
0x38: {  	[sflag:s25] =	ssyncset.done $0x0  }
0x39: {  	[sflag:s25] =	ssyncadd.s32 $0xFFFFFF80  }
0x3a: {  	[tilespmem:s24], [sflag:$0x1] =	stream.indirect.gather [hbm4b:s5+s28], $0x80, s4, s28, $0xb8;
	[tilespmem:$0x1BE00] =	vst v63  }
0x3b: {  	s15 =	sadd.s32 $0x0, s23  }
0x3c: {  	[tilespmem:s28], [sflag:$0x3] =	stream.linear.gather [hbm4b:s15+s4], $0x80, $0x38;
	[tilespmem:$0x1BE00] =	vst v63  }
0x3d: {  	_ =	swait.ge [sflag:s25], $0x80  }
0x3e: {  	[sflag:s25] =	ssyncset.done $0x0  }
0x3f: {  	s16 =	sadd.s32 $0x0, s22;
	[sflag:s25] =	ssyncadd.s32 $0xFFFFFF80  }
0x40: {  	[tilespmem:s29], [sflag:$0x3] =	stream.linear.gather [hbm4b:s16+s4], $0x80, $0x38;
	[tilespmem:$0x1BE00] =	vst v63  }
0x41: {  	_ =	swait.ge [sflag:s25], $0x80  }
0x42: {  	[sflag:s25] =	ssyncset.done $0x0  }
0x43: {  	[sflag:s25] =	ssyncadd.s32 $0xFFFFFF80  }
0x44: {  	[tilespmem:s30], [sflag:$0x2] =	stream.indirect.gather [hbm4b:s5+s28], $0x80, s28, s28, $0xb8;
	[tilespmem:$0x1BE00] =	vst v63  }
0x45: {  	_ =	swait.ge [sflag:s31], $0x4000  }
0x46: {  	[sflag:s31] =	ssyncset.done $0x0  }
0x47: {  	[sflag:s31] =	ssyncadd.s32 $0xFFFFC000  }
0x48: {  	[spmem:s3] =	stream.indirect.scatter.add.f32 [tilespmem:s24], [sflag:$0x3], $0x80, s26, s28, $0xb8;
	[tilespmem:$0x1BE00] =	vst v63  }
0x49: {  	_ =	swait.ge [sflag:s25], $0x4000  }
0x4a: {  	s17 =	sshrl.u32 s21, $0x3;
	[sflag:s25] =	ssyncset.done $0x0  }
0x4b: {  	s13 =	sadd.s32 s2, s17;
	[sflag:s25] =	ssyncadd.s32 $0xFFFFC000  }
0x4c: {  	[tilespmem:s4], [sflag:$0x3] =	stream.linear.gather [hbm4b:s13+s4], $0x80, $0x38;
	[tilespmem:$0x1BE00] =	vst v63  }
0x4d: {  	_ =	swait.ge [sflag:s25], $0x80  }
0x4e: {  	[sflag:s25] =	ssyncset.done $0x0  }
0x4f: {  	s7 =	sadd.s32 s6, s17;
	[sflag:s25] =	ssyncadd.s32 $0xFFFFFF80  }
0x50: {  	[tilespmem:s26], [sflag:$0x3] =	stream.linear.gather [hbm4b:s7+s4], $0x80, $0x38;
	[tilespmem:$0x1BE00] =	vst v63  }
0x51: {  	_ =	swait.ge [sflag:s25], $0x80  }
0x52: {  	[sflag:s25] =	ssyncset.done $0x0  }
0x53: {  	[sflag:s25] =	ssyncadd.s32 $0xFFFFFF80  }
0x54: {  	[tilespmem:s24], [sflag:$0x1] =	stream.indirect.gather [hbm4b:s5+s28], $0x80, s4, s28, $0xb8;
	[tilespmem:$0x1BE00] =	vst v63  }
0x55: {  	_ =	swait.ge [sflag:s1], $0x4000  }
0x56: {  	[sflag:s1] =	ssyncset.done $0x0  }
0x57: {  	[sflag:s1] =	ssyncadd.s32 $0xFFFFC000  }
0x58: {  	[spmem:s3] =	stream.indirect.scatter.add.f32 [tilespmem:s30], [sflag:$0x3], $0x80, s29, s28, $0xb8;
	[tilespmem:$0x1BE00] =	vst v63  }
0x59: {  	s14 =	simm.s32 $0x40;
	_ =	swait.ge [sflag:s25], $0x4000  }
0x5a: {  	s13 =	simm.s32 $0x20;
	s7 =	sadd.s32 $0x100, s21;
	[sflag:s25] =	ssyncset.done $0x0  }
.LBB2_2:
0x5b: {  	s16 =	sadd.s32 s13, s23  }
0x5c: {  	[sflag:s25] =	ssyncadd.s32 $0xFFFFC000;
	s17 =	smov.u32 s14;
	s15 =	sadd.s32 $0x20, s14  }
0x5d: {  	[tilespmem:s28], [sflag:$0x3] =	stream.linear.gather [hbm4b:s16+s4], $0x80, $0x38;
	[tilespmem:$0x1BE00] =	vst v63  }
0x5e: {  	p0 =	sne.s32 s14, $0x4C0;
	_ =	swait.ge [sflag:s25], $0x80  }
0x5f: {  	[sflag:s25] =	ssyncset.done $0x0  }
0x60: {  	s14 =	sadd.s32 s13, s22;
	s13 =	smov.u32 s17;
	[sflag:s25] =	ssyncadd.s32 $0xFFFFFF80  }
0x61: {  	[tilespmem:s29], [sflag:$0x3] =	stream.linear.gather [hbm4b:s14+s4], $0x80, $0x38;
	[tilespmem:$0x1BE00] =	vst v63  }
0x62: {  	_ =	swait.ge [sflag:s25], $0x80  }
0x63: {  	[sflag:s25] =	ssyncset.done $0x0  }
0x64: {  	[sflag:s25] =	ssyncadd.s32 $0xFFFFFF80  }
0x65: {  	[tilespmem:s30], [sflag:$0x2] =	stream.indirect.gather [hbm4b:s5+s28], $0x80, s28, s28, $0xb8;
	[tilespmem:$0x1BE00] =	vst v63  }
0x66: {  	_ =	swait.ge [sflag:s31], $0x4000  }
0x67: {  	[sflag:s31] =	ssyncset.done $0x0  }
0x68: {  	[sflag:s31] =	ssyncadd.s32 $0xFFFFC000  }
0x69: {  	[spmem:s3] =	stream.indirect.scatter.add.f32 [tilespmem:s24], [sflag:$0x3], $0x80, s26, s28, $0xb8;
	[tilespmem:$0x1BE00] =	vst v63  }
0x6a: {  	_ =	swait.ge [sflag:s25], $0x4000  }
0x6b: {  	s14 =	sshrl.u32 s7, $0x3;
	[sflag:s25] =	ssyncset.done $0x0  }
0x6c: {  	s16 =	sadd.s32 s2, s14;
	[sflag:s25] =	ssyncadd.s32 $0xFFFFC000  }
0x6d: {  	[tilespmem:s4], [sflag:$0x3] =	stream.linear.gather [hbm4b:s16+s4], $0x80, $0x38;
	[tilespmem:$0x1BE00] =	vst v63  }
0x6e: {  	_ =	swait.ge [sflag:s25], $0x80  }
0x6f: {  	[sflag:s25] =	ssyncset.done $0x0  }
0x70: {  	s14 =	sadd.s32 s6, s14;
	[sflag:s25] =	ssyncadd.s32 $0xFFFFFF80  }
0x71: {  	[tilespmem:s26], [sflag:$0x3] =	stream.linear.gather [hbm4b:s14+s4], $0x80, $0x38;
	[tilespmem:$0x1BE00] =	vst v63  }
0x72: {  	_ =	swait.ge [sflag:s25], $0x80  }
0x73: {  	[sflag:s25] =	ssyncset.done $0x0  }
0x74: {  	[sflag:s25] =	ssyncadd.s32 $0xFFFFFF80  }
0x75: {  	[tilespmem:s24], [sflag:$0x1] =	stream.indirect.gather [hbm4b:s5+s28], $0x80, s4, s28, $0xb8;
	[tilespmem:$0x1BE00] =	vst v63  }
0x76: {  	_ =	swait.ge [sflag:s1], $0x4000  }
.Ltmp0:
0x77: {  	[sflag:s1] =	ssyncset.done $0x0;
	(pc) =	sbr.rel @p0 .LBB2_2-.Ltmp0, $4  }
0x78: {  	[sflag:s1] =	ssyncadd.s32 $0xFFFFC000  }
0x79: {  	[spmem:s3] =	stream.indirect.scatter.add.f32 [tilespmem:s30], [sflag:$0x3], $0x80, s29, s28, $0xb8;
	[tilespmem:$0x1BE00] =	vst v63  }
0x7a: {  	_ =	swait.ge [sflag:s25], $0x4000  }
0x7b: {  	s7 =	sadd.s32 $0x100, s7;
	s14 =	smov.u32 s15;
	[sflag:s25] =	ssyncset.done $0x0  }
0x7c: {  	s14 =	sadd.s32 s13, s23;
	[sflag:s25] =	ssyncadd.s32 $0xFFFFC000  }
0x7d: {  	[tilespmem:s28], [sflag:$0x3] =	stream.linear.gather [hbm4b:s14+s4], $0x80, $0x38;
	[tilespmem:$0x1BE00] =	vst v63  }
0x7e: {  	_ =	swait.ge [sflag:s25], $0x80  }
0x7f: {  	[sflag:s25] =	ssyncset.done $0x0  }
0x80: {  	s17 =	sadd.s32 s13, s22;
	[sflag:s25] =	ssyncadd.s32 $0xFFFFFF80  }
0x81: {  	[tilespmem:s29], [sflag:$0x3] =	stream.linear.gather [hbm4b:s17+s4], $0x80, $0x38;
	[tilespmem:$0x1BE00] =	vst v63  }
0x82: {  	_ =	swait.ge [sflag:s25], $0x80  }
0x83: {  	[sflag:s25] =	ssyncset.done $0x0  }
0x84: {  	[sflag:s25] =	ssyncadd.s32 $0xFFFFFF80  }
0x85: {  	[tilespmem:s30], [sflag:$0x2] =	stream.indirect.gather [hbm4b:s5+s28], $0x80, s28, s28, $0xb8;
	[tilespmem:$0x1BE00] =	vst v63  }
0x86: {  	_ =	swait.ge [sflag:s31], $0x4000  }
0x87: {  	[sflag:s31] =	ssyncset.done $0x0  }
0x88: {  	[sflag:s31] =	ssyncadd.s32 $0xFFFFC000  }
0x89: {  	[spmem:s3] =	stream.indirect.scatter.add.f32 [tilespmem:s24], [sflag:$0x3], $0x80, s26, s28, $0xb8;
	[tilespmem:$0x1BE00] =	vst v63  }
0x8a: {  	_ =	swait.ge [sflag:s25], $0x4000  }
0x8b: {  	s7 =	sshrl.u32 s7, $0x3;
	[sflag:s25] =	ssyncset.done $0x0  }
0x8c: {  	s14 =	sadd.s32 s2, s7;
	[sflag:s25] =	ssyncadd.s32 $0xFFFFC000  }
0x8d: {  	[tilespmem:s4], [sflag:$0x3] =	stream.linear.gather [hbm4b:s14+s4], $0x80, $0x38;
	[tilespmem:$0x1BE00] =	vst v63  }
0x8e: {  	_ =	swait.ge [sflag:s25], $0x80  }
0x8f: {  	[sflag:s25] =	ssyncset.done $0x0  }
0x90: {  	s7 =	sadd.s32 s6, s7;
	[sflag:s25] =	ssyncadd.s32 $0xFFFFFF80  }
0x91: {  	[tilespmem:s26], [sflag:$0x3] =	stream.linear.gather [hbm4b:s7+s4], $0x80, $0x38;
	[tilespmem:$0x1BE00] =	vst v63  }
0x92: {  	_ =	swait.ge [sflag:s25], $0x80  }
0x93: {  	[sflag:s25] =	ssyncset.done $0x0  }
0x94: {  	[sflag:s25] =	ssyncadd.s32 $0xFFFFFF80  }
0x95: {  	[tilespmem:s24], [sflag:$0x1] =	stream.indirect.gather [hbm4b:s5+s28], $0x80, s4, s28, $0xb8;
	[tilespmem:$0x1BE00] =	vst v63  }
0x96: {  	_ =	swait.ge [sflag:s1], $0x4000  }
0x97: {  	[sflag:s1] =	ssyncset.done $0x0  }
0x98: {  	[sflag:s1] =	ssyncadd.s32 $0xFFFFC000  }
0x99: {  	[spmem:s3] =	stream.indirect.scatter.add.f32 [tilespmem:s30], [sflag:$0x3], $0x80, s29, s28, $0xb8;
	[tilespmem:$0x1BE00] =	vst v63  }
0x9a: {  	_ =	swait.ge [sflag:s25], $0x4000  }
0x9b: {  	[sflag:s25] =	ssyncset.done $0x0  }
0x9c: {  	[sflag:s25] =	ssyncadd.s32 $0xFFFFC000  }
0x9d: {  	_ =	swait.ge [sflag:s31], $0x4000  }
0x9e: {  	[sflag:s31] =	ssyncset.done $0x0  }
0x9f: {  	[sflag:s31] =	ssyncadd.s32 $0xFFFFC000  }
0xa0: {  	[bflag:$0x0] =	sbarrier.arrive $0xFFFF  }
0xa1: {  	[tilespmem:s24], [sflag:$0x3] =	stream.linear.gather [spmem:s8], $0x4000, $0x38;
	[tilespmem:$0x1BE00] =	vst v63  }
0xa2: {  	_ =	swait.ge [sflag:s25], $0x4000  }
0xa3: {  	[sflag:s25] =	ssyncset.done $0x0  }
0xa4: {  	s15 =	rddreg [dreg:$0x7];
	[sflag:s25] =	ssyncadd.s32 $0xFFFFC000  }
0xa5: {  	[hbm4b:s15+s4] =	stream.linear.scatter [tilespmem:s24], [sflag:$0x3], $0x4000, $0x38;
	[tilespmem:$0x1BE00] =	vst v63  }
0xa6: {  	_ =	swait.ge [sflag:s25], $0x4000  }
0xa7: {  	[sflag:s25] =	ssyncset.done $0x0  }
0xa8: {  	[sflag:s25] =	ssyncadd.s32 $0xFFFFC000  }
0xa9: {  	[tilespmem:s24], [sflag:$0x3] =	stream.linear.gather [spmem:s9], $0x4000, $0x38;
	[tilespmem:$0x1BE00] =	vst v63  }
0xaa: {  	_ =	swait.ge [sflag:s25], $0x4000  }
0xab: {  	[sflag:s25] =	ssyncset.done $0x0  }
0xac: {  	s16 =	rddreg [dreg:$0x8];
	[sflag:s25] =	ssyncadd.s32 $0xFFFFC000  }
0xad: {  	[hbm4b:s16+s4] =	stream.linear.scatter [tilespmem:s24], [sflag:$0x3], $0x4000, $0x38;
	[tilespmem:$0x1BE00] =	vst v63  }
0xae: {  	_ =	swait.ge [sflag:s25], $0x4000  }
0xaf: {  	[sflag:s25] =	ssyncset.done $0x0  }
0xb0: {  	[sflag:s25] =	ssyncadd.s32 $0xFFFFC000  }
0xb1: {  	[tilespmem:s24], [sflag:$0x3] =	stream.linear.gather [spmem:s10], $0x4000, $0x38;
	[tilespmem:$0x1BE00] =	vst v63  }
0xb2: {  	_ =	swait.ge [sflag:s25], $0x4000  }
0xb3: {  	[sflag:s25] =	ssyncset.done $0x0  }
0xb4: {  	s17 =	rddreg [dreg:$0x9];
	[sflag:s25] =	ssyncadd.s32 $0xFFFFC000  }
0xb5: {  	[hbm4b:s17+s4] =	stream.linear.scatter [tilespmem:s24], [sflag:$0x3], $0x4000, $0x38;
	[tilespmem:$0x1BE00] =	vst v63  }
0xb6: {  	_ =	swait.ge [sflag:s25], $0x4000  }
0xb7: {  	[sflag:s25] =	ssyncset.done $0x0  }
0xb8: {  	[sflag:s25] =	ssyncadd.s32 $0xFFFFC000  }
0xb9: {  	[tilespmem:s24], [sflag:$0x3] =	stream.linear.gather [spmem:s11], $0x4000, $0x38;
	[tilespmem:$0x1BE00] =	vst v63  }
0xba: {  	_ =	swait.ge [sflag:s25], $0x4000  }
0xbb: {  	[sflag:s25] =	ssyncset.done $0x0  }
0xbc: {  	[sflag:s25] =	ssyncadd.s32 $0xFFFFC000  }
0xbd: {  	[hbm4b:s18+s4] =	stream.linear.scatter [tilespmem:s24], [sflag:$0x3], $0x4000, $0x38;
	[tilespmem:$0x1BE00] =	vst v63  }
0xbe: {  	_ =	swait.ge [sflag:s25], $0x4000  }
0xbf: {  	[sflag:s25] =	ssyncset.done $0x0  }
0xc0: {  	[sflag:s25] =	ssyncadd.s32 $0xFFFFC000  }
0xc1: {  	[tilespmem:s24], [sflag:$0x3] =	stream.linear.gather [spmem:s12], $0x3C00, $0x38;
	[tilespmem:$0x1BE00] =	vst v63  }
0xc2: {  	s0 =	sadd.s32 $0x1, s0;
	_ =	swait.ge [sflag:s25], $0x3C00  }
0xc3: {  	p0 =	sne.s32 s0, s20;
	[sflag:s25] =	ssyncset.done $0x0  }
.Ltmp1:
0xc4: {  	[sflag:s25] =	ssyncadd.s32 $0xFFFFC400;
	(pc) =	sbr.rel @p0 .LBB2_1-.Ltmp1, $4  }
0xc5: {  	[hbm4b:s19+s4] =	stream.linear.scatter [tilespmem:s24], [sflag:$0x3], $0x3C00, $0x38;
	[tilespmem:$0x1BE00] =	vst v63  }
0xc6: {  	_ =	swait.ge [sflag:s25], $0x3C00  }
0xc7: {  	[sflag:s25] =	ssyncset.done $0x0  }
0xc8: {  	[sflag:s25] =	ssyncadd.s32 $0xFFFFC400  }
0xc9: {  	_ =	sfence.sel $0x180000  }
0xca: {  	[bflag:$0x0] =	sbarrier.arrive $0xFFFF  }
0xcb: {  	_ =	strace $0x9000004A  }
0xcc: {  	s0 =	stileid.u32;
	[bflag:$0x2] =	sbarrier.arrive $0xFFFF  }
0xcd: {  	p0 =	sne.s32 s0, $0x0;
	s0 =	rddreg [dreg:$0x3]  }
0xce: {  	s0 =	sadd.s32 @!p0 $0x100000, s0  }
0xcf: {  	[sflag:s0] =	ssyncadd.tile.s32 @!p0 $0x1;
	_ =	shalt  }
.Lfunc_end2:
_tile_overlayer_lowered:
.L_overlay_start_2:
0xd0: {  	(tag) =	ssettag $0x2  }
0xd1: {  	s0 =	rddreg [dreg:$0x0];
	s2 =	stileid.u32  }
0xd2: {  	s1 =	rddreg [dreg:$0x1];
	p0 =	sne.s32 s2, $0x0  }
0xd3: {  	s3 =	rddreg [dreg:$0x2];
	[bflag:$0x3] =	sbarrier.arrive $0xFFFF;
	s2 =	simm.s32 @!p0 $0x1C03  }
0xd4: {  	[timem:s3], [sflag:s2] =	dma.local @!p0 [hbm:s0], s1  }
0xd5: {  	s0 =	simm.s32 @!p0 $0x3  }
0xd6: {  	_ =	swait.ge @!p0 [sflag:s0], s1  }
0xd7: {  	s1 =	ssub.s32 @!p0 $0x0, s1;
	[sflag:s0] =	ssyncset.done @!p0 $0x0  }
0xd8: {  	[sflag:s0] =	ssyncadd.s32 @!p0 s1  }
0xd9: {  	[bflag:$0x3] =	sbarrier.arrive $0xFFFF  }
0xda: {  	_ =	shalt  }

// kernel: kernel.13.cloned.1.call-start
scs
__scs_entry_jumppad:
0x0: {  	(pc) =	sbr.rel $0x88, $3  }
0x1: {  	(tag) =	ssettag $0x0;
	lr =	simm.s32 $0x1  }
0x2: {  	[smem:$0x3F95] =	sst lr;
	_ =	strace $0xD0000000  }
0x3: {  	_ = 	snop  }
0x4: {  	_ = 	snop  }
0x5: {  	_ = 	snop  }
0x6: {  	_ = 	snop  }
0x7: {  	_ = 	snop  }
__scs_overlays_trampoline_lowered:
0x8: {  	[smem:$0x3FA4] =	sst s0  }
0x9: {  	[smem:$0x3FA5] =	sst s1  }
0xa: {  	[smem:$0x3FA6] =	sst s2  }
0xb: {  	[smem:$0x3FA7] =	sst s3  }
0xc: {  	[smem:$0x3FA8] =	sst s4  }
0xd: {  	[smem:$0x3FA9] =	sst s5  }
0xe: {  	[smem:$0x3FAA] =	sst s6  }
0xf: {  	[smem:$0x3FAB] =	sst s7  }
0x10: {  	[smem:$0x3FAC] =	sst s8  }
0x11: {  	[smem:$0x3FAD] =	sst s9;
	s0 =	simm.s32 @!p0 $0x0  }
0x12: {  	s1 =	sld [smem:$0x3F93];
	s0 =	simm.s32 @p0 $0x1  }
0x13: {  	[smem:$0x3FAE] =	sst s0;
	s0 =	simm.s32 @!p1 $0x0  }
0x14: {  	s2 =	sld [smem:$0x3F92];
	s0 =	simm.s32 @p1 $0x1  }
0x15: {  	[smem:$0x3FAF] =	sst s0;
	s0 =	simm.s32 @!p2 $0x0  }
0x16: {  	s3 =	sld [smem:$0x3FDB];
	s0 =	simm.s32 @p2 $0x1  }
0x17: {  	s4 =	simm.s32 $0x1BF5;
	[smem:$0x3FB1] =	sst s0  }
0x18: {  	s0 =	sld [smem:$0x3F94];
	_ =	swait.ge [sflag:s4], $0x0  }
0x19: {  	s7 =	sld [smem:$0x3F95]  }
0x1a: {  	s8 =	sadd.s32 $0xFFFFE003, lr  }
0x1b: {  	s9 =	sadd.s32 $0xFFFFFEF7, lr;
	s5 =	simm.s32 $0xFFFFFFFF;
	p2 =	slt.u32 s8, $0xFFFFF086  }
0x1c: {  	p1 =	slt.u32 s9, $0xF7A;
	s5 =	simm.s32 @!p2 $0x0  }
0x1d: {  	s5 =	simm.s32 @p1 $0x1;
	p0 =	seq.s32 s7, s2  }
0x1e: {  	s7 =	smul.u32 @!p0 $0xF7A, s2;
	p2 =	seq.s32 @!p0 s5, $0x0  }
0x1f: {  	s9 =	smul.u32 $0xF7A, s1;
	s8 =	simm.s32 @!p0 $0x1BF5;
	p2 =	por !p2, p0  }
0x20: {  	[sflag:s8] =	ssyncset.s32 @!p0 $0xFFFFF086;
	s6 =	sadd.s32 @!p0 s3, s7;
	s7 =	simm.s32 @!p0 $0x108  }
0x21: {  	s3 =	sadd.s32 s3, s9;
	s6 =	sadd.s32 @!p0 $0x88, s6;
	s7 =	simm.s32 @p2 $0x1082  }
0x22: {  	[simem:s7], [sflag:s8] =	dma.local @!p0 [hbm:s6], $0xF7A  }
0x23: {  	s9 =	sor.u32 $0xD0000000, s2;
	s6 =	simm.s32 $0x108;
	_ =	swait.ge @!p0 [sflag:s8], $0x0  }
0x24: {  	s3 =	sadd.s32 $0x88, s3;
	s6 =	simm.s32 @!p1 $0x1082;
	[sflag:s4] =	ssyncset.s32 $0xFFFFF086  }
0x25: {  	[simem:s6], [sflag:s4] =	dma.local [hbm:s3], $0xF7A  }
0x26: {  	[smem:$0x3F95] =	sst s1;
	(tag) =	ssettag s2;
	_ =	strace s9  }
0x27: {  	s1 =	sld [smem:$0x3FA5]  }
0x28: {  	s2 =	sld [smem:$0x3FA6]  }
0x29: {  	s4 =	sld [smem:$0x3FA8]  }
0x2a: {  	p0 =	seq.s32 s5, $0x0;
	s5 =	sld [smem:$0x3FA9]  }
0x2b: {  	s6 =	sld [smem:$0x3FAA]  }
0x2c: {  	s7 =	sld [smem:$0x3FAB]  }
0x2d: {  	s3 =	simm.s32 $0x108;
	s8 =	sld [smem:$0x3FAC]  }
0x2e: {  	s3 =	simm.s32 @!p0 $0x1082;
	s9 =	sld [smem:$0x3FAD]  }
0x2f: {  	lr =	sadd.s32 s0, s3;
	s0 =	sld [smem:$0x3FA4]  }
0x30: {  	s3 =	sld [smem:$0x3FA7]  }
0x31: {  	[smem:$0x3FB0] =	sst s10  }
0x32: {  	s10 =	sld [smem:$0x3FAE];
	_ =	sdelay $0x3  }
0x33: {  	p0 =	seq.s32 s10, $0x1;
	s10 =	sld [smem:$0x3FB0];
	_ =	sdelay $0x3  }
0x34: {  	[smem:$0x3FB0] =	sst s10  }
0x35: {  	s10 =	sld [smem:$0x3FAF];
	_ =	sdelay $0x3  }
0x36: {  	p1 =	seq.s32 s10, $0x1;
	s10 =	sld [smem:$0x3FB0];
	_ =	sdelay $0x3  }
0x37: {  	[smem:$0x3FB0] =	sst s10  }
0x38: {  	s10 =	sld [smem:$0x3FB1]  }
0x39: {  	_ = 	snop;
	(pc) =	sbr.ind lr, $3  }
0x3a: {  	_ = 	snop  }
0x3b: {  	_ = 	snop  }
0x3c: {  	p2 =	seq.s32 s10, $0x1;
	s10 =	sld [smem:$0x3FB0]  }
0x3d: {  	_ =	shalt  }
0x3e: {  	_ =	shalt  }
0x3f: {  	_ =	shalt  }
0x40: {  	_ =	shalt  }
0x41: {  	_ =	shalt  }
0x42: {  	_ =	shalt  }
0x43: {  	_ =	shalt  }
0x44: {  	_ =	shalt  }
0x45: {  	_ =	shalt  }
0x46: {  	_ =	shalt  }
0x47: {  	_ =	shalt  }
0x48: {  	_ =	shalt  }
0x49: {  	_ =	shalt  }
0x4a: {  	_ =	shalt  }
0x4b: {  	_ =	shalt  }
0x4c: {  	_ =	shalt  }
0x4d: {  	_ =	shalt  }
0x4e: {  	_ =	shalt  }
0x4f: {  	_ =	shalt  }
0x50: {  	_ =	shalt  }
0x51: {  	_ =	shalt  }
0x52: {  	_ =	shalt  }
0x53: {  	_ =	shalt  }
0x54: {  	_ =	shalt  }
0x55: {  	_ =	shalt  }
0x56: {  	_ =	shalt  }
0x57: {  	_ =	shalt  }
0x58: {  	_ =	shalt  }
0x59: {  	_ =	shalt  }
0x5a: {  	_ =	shalt  }
0x5b: {  	_ =	shalt  }
0x5c: {  	_ =	shalt  }
0x5d: {  	_ =	shalt  }
0x5e: {  	_ =	shalt  }
0x5f: {  	_ =	shalt  }
0x60: {  	_ =	shalt  }
0x61: {  	_ =	shalt  }
0x62: {  	_ =	shalt  }
0x63: {  	_ =	shalt  }
0x64: {  	_ =	shalt  }
0x65: {  	_ =	shalt  }
0x66: {  	_ =	shalt  }
0x67: {  	_ =	shalt  }
0x68: {  	_ =	shalt  }
0x69: {  	_ =	shalt  }
0x6a: {  	_ =	shalt  }
0x6b: {  	_ =	shalt  }
0x6c: {  	_ =	shalt  }
0x6d: {  	_ =	shalt  }
0x6e: {  	_ =	shalt  }
0x6f: {  	_ =	shalt  }
0x70: {  	_ =	shalt  }
0x71: {  	_ =	shalt  }
0x72: {  	_ =	shalt  }
0x73: {  	_ =	shalt  }
0x74: {  	_ =	shalt  }
0x75: {  	_ =	shalt  }
0x76: {  	_ =	shalt  }
0x77: {  	_ =	shalt  }
0x78: {  	_ =	shalt  }
0x79: {  	_ =	shalt  }
0x7a: {  	_ =	shalt  }
0x7b: {  	_ =	shalt  }
0x7c: {  	_ =	shalt  }
0x7d: {  	_ =	shalt  }
0x7e: {  	_ =	shalt  }
0x7f: {  	_ =	shalt  }
0x80: {  	_ =	shalt  }
0x81: {  	_ =	shalt  }
0x82: {  	_ =	shalt  }
0x83: {  	_ =	shalt  }
0x84: {  	_ =	shalt  }
0x85: {  	_ =	shalt  }
0x86: {  	_ =	shalt  }
0x87: {  	_ =	shalt  }
.Lfunc_end0:
.L_simem_size_0:
called_computation.2_lowered:
.L_overlay_start_0:
0x88: {  	s2 =	sld [smem:$0x3FD9]  }
0x89: {  	s3 =	sld [smem:$0x3FFE];
	_ =	sdelay $0x1  }
0x8a: {  	s1 =	srdreg.scid  }
0x8b: {  	s0 =	sand.u32 $0x1, s1  }
0x8c: {  	s17 =	sshll.u32 s0, $0xA;
	s2 =	sadd.s32 s3, s2  }
0x8d: {  	s2 =	sadd.s32 s2, s17  }
0x8e: {  	[smem:$0x3FBC] =	sst s2  }
0x8f: {  	_ = 	snop  }
0x90: {  	s2 =	sld [smem:$0x3FD0];
	(tm) =	ssettm $0x1  }
0x91: {  	s18 =	sld [smem:$0x3FFB];
	_ =	sdelay $0x3  }
0x92: {  	_ =	strace s18  }
0x93: {  	s3 =	sld [smem:$0x3FFC];
	_ =	sdelay $0x3  }
0x94: {  	_ =	strace s3  }
0x95: {  	s3 =	sld [smem:$0x3FFD];
	_ =	sdelay $0x3  }
0x96: {  	_ =	strace s3  }
0x97: {  	_ =	strace $0x8FFFFFFF  }
0x98: {  	s19 =	sld [smem:$0x3FDB];
	_ =	sdelay $0x1  }
0x99: {  	s4 =	simm.s32 $_scs_section_size  }
0x9a: {  	s5 =	simm.s32 $_size__tile_overlayer_lowered;
	s6 =	simm.s32 $_tile_overlayer_lowered  }
0x9b: {  	s22 =	simm.s32 $0x1BFF;
	s21 =	sshll.u32 s6, $0x1;
	s3 =	sadd.s32 s4, s19  }
0x9c: {  	s7 =	simm.s32 $0x0;
	s20 =	sshll.u32 s5, $0x1;
	s5 =	sadd.s32 s21, s3  }
0x9d: {  	[timem:s7], [sflag:s22] =	dma.local [hbm:s5], s20  }
0x9e: {  	_ =	swait.ge [sflag:s22], s20  }
0x9f: {  	s4 =	ssub.s32 $0x0, s20;
	[sflag:s22] =	ssyncset.done $0x0  }
0xa0: {  	[sflag:s22] =	ssyncadd.s32 s4;
	_ =	sdelay $0x1  }
0xa1: {  	s23 =	simm.s32 $0x1B8B  }
0xa2: {  	_ =	swait.ge [sflag:s23], $0x1  }
0xa3: {  	[sflag:s23] =	ssyncset.done $0x0  }
0xa4: {  	s25 =	simm.s32 $0x1B8E;
	s24 =	sld [smem:$0x3FFE];
	[sflag:s23] =	ssyncadd.s32 $0xFFFFFFFF  }
0xa5: {  	s26 =	simm.s32 $execute0_lowered;
	[smem:$0x3FD2] =	sst s25  }
0xa6: {  	s5 =	sshll.u32 s26, $0x1;
	_ =	strace $0x8000004C;
	[dreg:$0x1] =	wrdreg $0xFFFFFFFF  }
0xa7: {  	s28 =	simm.s32 $_size_execute0_lowered;
	s3 =	sadd.s32 s3, s5;
	[dreg:$0x0] =	wrdreg $0x0  }
0xa8: {  	s5 =	sshll.u32 s28, $0x1;
	[dreg:$0x2] =	wrdreg s3  }
0xa9: {  	[dreg:$0x3] =	wrdreg s5  }
0xaa: {  	[dreg:$0x4] =	wrdreg $0xC0  }
0xab: {  	_ =	task [dreg:s7], $0x5FFFF  }
0xac: {  	[dreg:$0x1] =	wrdreg $0xFFFFFFFF  }
0xad: {  	[dreg:$0x0] =	wrdreg $0x60  }
0xae: {  	[dreg:$0x2] =	wrdreg s24  }
0xaf: {  	[dreg:$0x3] =	wrdreg s2  }
0xb0: {  	[dreg:$0x4] =	wrdreg $0x40800  }
0xb1: {  	[dreg:$0x5] =	wrdreg $0x9  }
0xb2: {  	_ =	task.clear_ibuf [dreg:s7], $0x6FFFF;
	_ =	strace $0x9000004C  }
0xb3: {  	s29 =	simm.s32 $0x9;
	_ =	strace $0x8000004E  }
0xb4: {  	_ =	swait.ge [sflag:s29], $0x1  }
0xb5: {  	[sflag:s29] =	ssyncadd.s32 $0xFFFFFFFF  }
0xb6: {  	_ =	strace $0x9000004E  }
0xb7: {  	_ =	sfence  }
0xb8: {  	s30 =	sld [smem:$0x0];
	_ =	sdelay $0x2  }
0xb9: {  	s31 =	sshll.u32 s1, $0xD;
	s1 =	sshrl.u32 s1, $0x2  }
0xba: {  	s3 =	sand.u32 $0x4000, s31;
	s1 =	sadd.s32 s1, s30  }
0xbb: {  	s0 =	sor.u32 s3, s0;
	s1 =	sshll.u32 s1, $0x11  }
0xbc: {  	s0 =	sor.u32 s1, s0  }
0xbd: {  	s0 =	sadd.s32 $0x8F2B, s0  }
0xbe: {  	[sflag:s0] =	ssyncadd.remote.s32 $0x1  }
0xbf: {  	_ =	sfence.sel $0xFFFF  }
0xc0: {  	[dreg:$0x0] =	wrdreg $0xFFFFFFFF;
	(pc) =	sbr.abs _section_cstart, $3  }
0xc1: {  	[dreg:$0x1] =	wrdreg $0xFFFFFFFF  }
0xc2: {  	_ =	task.clear_ibuf [dreg:s7], $0x2FFFF;
	_ =	strace $0x9FFFFFFF  }
0xc3: {  	(tm) =	ssettm $0x7FFFFFFF  }
tec
execute0_lowered:
.L_overlay_start_1:
0x0: {  	(tag) =	ssettag $0x1  }
0x1: {  	s5 =	rddreg [dreg:$0x0]  }
0x2: {  	s9 =	rddreg [dreg:$0x1]  }
0x3: {  	s2 =	rddreg [dreg:$0x2];
	s1 =	stileid.u32  }
0x4: {  	s0 =	rddreg [dreg:$0x3];
	s3 =	simm.s32 $0x0;
	s4 =	smul.u32 $0x9E0, s1  }
0x5: {  	s6 =	srdreg.scid;
	s18 =	simm.s32 $0x80;
	s7 =	smul.u32 $0x278, s1  }
0x6: {  	s19 =	simm.s32 $0x1;
	s10 =	sand.u32 $0x1, s6;
	s30 =	smul.u32 $0x4F000, s1  }
0x7: {  	s20 =	simm.s32 $0x0;
	[smem:$0x7FF] =	sst s3;
	s8 =	smul.u32 $0x2780, s10  }
0x8: {  	_ =	strace $0x8000004D;
	s11 =	ssub.s32 $0x2, s10;
	s17 =	smul.u32 $0x4F0, s10  }
0x9: {  	s15 =	sadd.s32 s4, s5;
	s4 =	sadd.s32 $0x35000, s5;
	s6 =	sshrl.u32 s30, $0x2  }
0xa: {  	s5 =	sadd.s32 $0x84800, s5;
	s12 =	sshrl.u32 s11, $0x1;
	s6 =	sadd.s32 s6, s2  }
0xb: {  	s8 =	sadd.s32 s7, s8;
	s16 =	ssub.s32 s11, s12;
	s17 =	sadd.s32 s17, s15  }
0xc: {  	s7 =	sadd.s32 $0x4000, s6;
	s31 =	sshll.u32 s8, $0x4;
	s8 =	sadd.s32 $0x8000, s6  }
0xd: {  	s10 =	sadd.s32 $0xC000, s6;
	s11 =	sadd.s32 $0x10000, s6;
	s9 =	sadd.s32 s9, s31  }
0xe: {  	s16 =	smax.u32 s16, $0x1;
	s17 =	sadd.s32 $0x2B200, s17;
	s12 =	sadd.s32 $0x800, s9  }
0xf: {  	s13 =	sadd.s32 $0x1000, s9;
	s14 =	sadd.s32 $0x1800, s9;
	s15 =	sadd.s32 $0x2000, s9  }
.LBB2_1:
0x10: {  	[tilespmem:s18], [sflag:$0x1] =	stream.linear.gather [hbm4b:s4+s3], $0x4000, $0x38;
	[tilespmem:$0x17C80] =	vst v63  }
0x11: {  	_ =	swait.ge [sflag:s19], $0x4000  }
0x12: {  	[sflag:s19] =	ssyncset.done $0x0  }
0x13: {  	[sflag:s19] =	ssyncadd.s32 $0xFFFFC000  }
0x14: {  	[spmem:s6] =	stream.linear.scatter [tilespmem:s18], [sflag:$0x1], $0x4000, $0x38;
	[tilespmem:$0x17C80] =	vst v63  }
0x15: {  	_ =	swait.ge [sflag:s19], $0x4000  }
0x16: {  	[sflag:s19] =	ssyncset.done $0x0  }
0x17: {  	[sflag:s19] =	ssyncadd.s32 $0xFFFFC000  }
0x18: {  	[spmem:s7] =	stream.linear.scatter [tilespmem:s18], [sflag:$0x1], $0x4000, $0x38;
	[tilespmem:$0x17C80] =	vst v63  }
0x19: {  	_ =	swait.ge [sflag:s19], $0x4000  }
0x1a: {  	[sflag:s19] =	ssyncset.done $0x0  }
0x1b: {  	[sflag:s19] =	ssyncadd.s32 $0xFFFFC000  }
0x1c: {  	[spmem:s8] =	stream.linear.scatter [tilespmem:s18], [sflag:$0x1], $0x4000, $0x38;
	[tilespmem:$0x17C80] =	vst v63  }
0x1d: {  	_ =	swait.ge [sflag:s19], $0x4000  }
0x1e: {  	[sflag:s19] =	ssyncset.done $0x0  }
0x1f: {  	[sflag:s19] =	ssyncadd.s32 $0xFFFFC000  }
0x20: {  	[spmem:s10] =	stream.linear.scatter [tilespmem:s18], [sflag:$0x1], $0x4000, $0x38;
	[tilespmem:$0x17C80] =	vst v63  }
0x21: {  	_ =	swait.ge [sflag:s19], $0x4000  }
0x22: {  	[sflag:s19] =	ssyncset.done $0x0  }
0x23: {  	[sflag:s19] =	ssyncadd.s32 $0xFFFFC000  }
0x24: {  	[spmem:s11] =	stream.linear.scatter [tilespmem:s18], [sflag:$0x1], $0x3C00, $0x38;
	[tilespmem:$0x17C80] =	vst v63  }
0x25: {  	_ =	swait.ge [sflag:s19], $0x3C00  }
0x26: {  	[sflag:s19] =	ssyncset.done $0x0  }
0x27: {  	[sflag:s19] =	ssyncadd.s32 $0xFFFFC400  }
0x28: {  	[tilespmem:s18], [sflag:$0x1] =	stream.linear.gather [hbm4b:s5+s3], $0x4000, $0x38;
	[tilespmem:$0x17C80] =	vst v63  }
0x29: {  	_ =	swait.ge [sflag:s19], $0x4000  }
0x2a: {  	[sflag:s19] =	ssyncset.done $0x0  }
0x2b: {  	[sflag:s19] =	ssyncadd.s32 $0xFFFFC000  }
0x2c: {  	s21 =	sadd.s32 $0x0, s17;
	[bflag:$0x0] =	sbarrier.arrive $0xFFFF  }
0x2d: {  	[tilespmem:s3], [sflag:$0x1] =	stream.linear.gather [hbm4b:s21+s3], $0x80, $0x38;
	[tilespmem:$0x17C80] =	vst v63  }
0x2e: {  	_ =	swait.ge [sflag:s19], $0x80  }
0x2f: {  	[sflag:s19] =	ssyncset.done $0x0  }
0x30: {  	[sflag:s19] =	ssyncadd.s32 $0xFFFFFF80  }
0x31: {  	[spmem:s2] =	stream.indirect.scatter.add.f32 [tilespmem:s18], [sflag:$0x1], $0x80, s3, s18, $0xb8;
	[tilespmem:$0x17C80] =	vst v63  }
0x32: {  	_ =	swait.ge [sflag:s19], $0x4000  }
0x33: {  	s22 =	simm.s32 $0x20;
	s21 =	simm.s32 $0x10;
	[sflag:s19] =	ssyncset.done $0x0  }
.LBB2_2:
0x34: {  	s23 =	sadd.s32 s21, s17  }
0x35: {  	[sflag:s19] =	ssyncadd.s32 $0xFFFFC000;
	s21 =	smov.u32 s22;
	s24 =	sadd.s32 $0x10, s22  }
0x36: {  	[tilespmem:s3], [sflag:$0x1] =	stream.linear.gather [hbm4b:s23+s3], $0x80, $0x38;
	[tilespmem:$0x17C80] =	vst v63  }
0x37: {  	p0 =	sne.s32 s22, $0x4E0;
	_ =	swait.ge [sflag:s19], $0x80  }
.Ltmp0:
0x38: {  	[sflag:s19] =	ssyncset.done $0x0;
	(pc) =	sbr.rel @p0 .LBB2_2-.Ltmp0, $4  }
0x39: {  	[sflag:s19] =	ssyncadd.s32 $0xFFFFFF80  }
0x3a: {  	[spmem:s2] =	stream.indirect.scatter.add.f32 [tilespmem:s18], [sflag:$0x1], $0x80, s3, s18, $0xb8;
	[tilespmem:$0x17C80] =	vst v63  }
0x3b: {  	_ =	swait.ge [sflag:s19], $0x4000  }
0x3c: {  	s22 =	smov.u32 s24;
	[sflag:s19] =	ssyncset.done $0x0  }
0x3d: {  	s21 =	sadd.s32 s21, s17;
	[sflag:s19] =	ssyncadd.s32 $0xFFFFC000  }
0x3e: {  	[tilespmem:s3], [sflag:$0x1] =	stream.linear.gather [hbm4b:s21+s3], $0x80, $0x38;
	[tilespmem:$0x17C80] =	vst v63  }
0x3f: {  	_ =	swait.ge [sflag:s19], $0x80  }
0x40: {  	[sflag:s19] =	ssyncset.done $0x0  }
0x41: {  	[sflag:s19] =	ssyncadd.s32 $0xFFFFFF80  }
0x42: {  	[spmem:s2] =	stream.indirect.scatter.add.f32 [tilespmem:s18], [sflag:$0x1], $0x80, s3, s18, $0xb8;
	[tilespmem:$0x17C80] =	vst v63  }
0x43: {  	_ =	swait.ge [sflag:s19], $0x4000  }
0x44: {  	[sflag:s19] =	ssyncset.done $0x0  }
0x45: {  	[sflag:s19] =	ssyncadd.s32 $0xFFFFC000  }
0x46: {  	[bflag:$0x0] =	sbarrier.arrive $0xFFFF  }
0x47: {  	[tilespmem:s18], [sflag:$0x1] =	stream.linear.gather [spmem:s6], $0x4000, $0x38;
	[tilespmem:$0x17C80] =	vst v63  }
0x48: {  	_ =	swait.ge [sflag:s19], $0x4000  }
0x49: {  	[sflag:s19] =	ssyncset.done $0x0  }
0x4a: {  	[sflag:s19] =	ssyncadd.s32 $0xFFFFC000  }
0x4b: {  	[hbm4b:s9+s3] =	stream.linear.scatter [tilespmem:s18], [sflag:$0x1], $0x4000, $0x38;
	[tilespmem:$0x17C80] =	vst v63  }
0x4c: {  	_ =	swait.ge [sflag:s19], $0x4000  }
0x4d: {  	[sflag:s19] =	ssyncset.done $0x0  }
0x4e: {  	[sflag:s19] =	ssyncadd.s32 $0xFFFFC000  }
0x4f: {  	[tilespmem:s18], [sflag:$0x1] =	stream.linear.gather [spmem:s7], $0x4000, $0x38;
	[tilespmem:$0x17C80] =	vst v63  }
0x50: {  	_ =	swait.ge [sflag:s19], $0x4000  }
0x51: {  	[sflag:s19] =	ssyncset.done $0x0  }
0x52: {  	[sflag:s19] =	ssyncadd.s32 $0xFFFFC000  }
0x53: {  	[hbm4b:s12+s3] =	stream.linear.scatter [tilespmem:s18], [sflag:$0x1], $0x4000, $0x38;
	[tilespmem:$0x17C80] =	vst v63  }
0x54: {  	_ =	swait.ge [sflag:s19], $0x4000  }
0x55: {  	[sflag:s19] =	ssyncset.done $0x0  }
0x56: {  	[sflag:s19] =	ssyncadd.s32 $0xFFFFC000  }
0x57: {  	[tilespmem:s18], [sflag:$0x1] =	stream.linear.gather [spmem:s8], $0x4000, $0x38;
	[tilespmem:$0x17C80] =	vst v63  }
0x58: {  	_ =	swait.ge [sflag:s19], $0x4000  }
0x59: {  	[sflag:s19] =	ssyncset.done $0x0  }
0x5a: {  	[sflag:s19] =	ssyncadd.s32 $0xFFFFC000  }
0x5b: {  	[hbm4b:s13+s3] =	stream.linear.scatter [tilespmem:s18], [sflag:$0x1], $0x4000, $0x38;
	[tilespmem:$0x17C80] =	vst v63  }
0x5c: {  	_ =	swait.ge [sflag:s19], $0x4000  }
0x5d: {  	[sflag:s19] =	ssyncset.done $0x0  }
0x5e: {  	[sflag:s19] =	ssyncadd.s32 $0xFFFFC000  }
0x5f: {  	[tilespmem:s18], [sflag:$0x1] =	stream.linear.gather [spmem:s10], $0x4000, $0x38;
	[tilespmem:$0x17C80] =	vst v63  }
0x60: {  	_ =	swait.ge [sflag:s19], $0x4000  }
0x61: {  	[sflag:s19] =	ssyncset.done $0x0  }
0x62: {  	[sflag:s19] =	ssyncadd.s32 $0xFFFFC000  }
0x63: {  	[hbm4b:s14+s3] =	stream.linear.scatter [tilespmem:s18], [sflag:$0x1], $0x4000, $0x38;
	[tilespmem:$0x17C80] =	vst v63  }
0x64: {  	_ =	swait.ge [sflag:s19], $0x4000  }
0x65: {  	[sflag:s19] =	ssyncset.done $0x0  }
0x66: {  	[sflag:s19] =	ssyncadd.s32 $0xFFFFC000  }
0x67: {  	[tilespmem:s18], [sflag:$0x1] =	stream.linear.gather [spmem:s11], $0x3C00, $0x38;
	[tilespmem:$0x17C80] =	vst v63  }
0x68: {  	s20 =	sadd.s32 $0x1, s20;
	_ =	swait.ge [sflag:s19], $0x3C00  }
0x69: {  	p0 =	sne.s32 s20, s16;
	[sflag:s19] =	ssyncset.done $0x0  }
.Ltmp1:
0x6a: {  	[sflag:s19] =	ssyncadd.s32 $0xFFFFC400;
	(pc) =	sbr.rel @p0 .LBB2_1-.Ltmp1, $4  }
0x6b: {  	[hbm4b:s15+s3] =	stream.linear.scatter [tilespmem:s18], [sflag:$0x1], $0x3C00, $0x38;
	[tilespmem:$0x17C80] =	vst v63  }
0x6c: {  	_ =	swait.ge [sflag:s19], $0x3C00  }
0x6d: {  	[sflag:s19] =	ssyncset.done $0x0  }
0x6e: {  	[sflag:s19] =	ssyncadd.s32 $0xFFFFC400  }
0x6f: {  	_ =	sfence.sel $0x180000  }
0x70: {  	[bflag:$0x0] =	sbarrier.arrive $0xFFFF  }
0x71: {  	p0 =	sne.s32 s1, $0x0;
	_ =	strace $0x9000004D  }
0x72: {  	s0 =	sadd.s32 @!p0 $0x100000, s0;
	[bflag:$0x2] =	sbarrier.arrive $0xFFFF  }
0x73: {  	[sflag:s0] =	ssyncadd.tile.s32 @!p0 $0x1;
	_ =	shalt  }
.Lfunc_end2:
_tile_overlayer_lowered:
.L_overlay_start_2:
0x74: {  	(tag) =	ssettag $0x2  }
0x75: {  	s0 =	rddreg [dreg:$0x0];
	s2 =	stileid.u32  }
0x76: {  	s1 =	rddreg [dreg:$0x1];
	p0 =	sne.s32 s2, $0x0  }
0x77: {  	s3 =	rddreg [dreg:$0x2];
	[bflag:$0x3] =	sbarrier.arrive $0xFFFF;
	s2 =	simm.s32 @!p0 $0x1C01  }
0x78: {  	[timem:s3], [sflag:s2] =	dma.local @!p0 [hbm:s0], s1  }
0x79: {  	s0 =	simm.s32 @!p0 $0x1  }
0x7a: {  	_ =	swait.ge @!p0 [sflag:s0], s1  }
0x7b: {  	s1 =	ssub.s32 @!p0 $0x0, s1;
	[sflag:s0] =	ssyncset.done @!p0 $0x0  }
0x7c: {  	[sflag:s0] =	ssyncadd.s32 @!p0 s1  }
0x7d: {  	[bflag:$0x3] =	sbarrier.arrive $0xFFFF  }
0x7e: {  	_ =	shalt  }

// kernel: kernel.7.cloned.1.call-start
scs
__scs_entry_jumppad:
0x0: {  	(pc) =	sbr.rel $0x88, $3  }
0x1: {  	(tag) =	ssettag $0x0;
	lr =	simm.s32 $0x1  }
0x2: {  	[smem:$0x3F95] =	sst lr;
	_ =	strace $0xD0000000  }
0x3: {  	_ = 	snop  }
0x4: {  	_ = 	snop  }
0x5: {  	_ = 	snop  }
0x6: {  	_ = 	snop  }
0x7: {  	_ = 	snop  }
__scs_overlays_trampoline_lowered:
0x8: {  	[smem:$0x3FA4] =	sst s0  }
0x9: {  	[smem:$0x3FA5] =	sst s1  }
0xa: {  	[smem:$0x3FA6] =	sst s2  }
0xb: {  	[smem:$0x3FA7] =	sst s3  }
0xc: {  	[smem:$0x3FA8] =	sst s4  }
0xd: {  	[smem:$0x3FA9] =	sst s5  }
0xe: {  	[smem:$0x3FAA] =	sst s6  }
0xf: {  	[smem:$0x3FAB] =	sst s7  }
0x10: {  	[smem:$0x3FAC] =	sst s8  }
0x11: {  	[smem:$0x3FAD] =	sst s9;
	s0 =	simm.s32 @!p0 $0x0  }
0x12: {  	s1 =	sld [smem:$0x3F93];
	s0 =	simm.s32 @p0 $0x1  }
0x13: {  	[smem:$0x3FAE] =	sst s0;
	s0 =	simm.s32 @!p1 $0x0  }
0x14: {  	s2 =	sld [smem:$0x3F92];
	s0 =	simm.s32 @p1 $0x1  }
0x15: {  	[smem:$0x3FAF] =	sst s0;
	s0 =	simm.s32 @!p2 $0x0  }
0x16: {  	s3 =	sld [smem:$0x3FDB];
	s0 =	simm.s32 @p2 $0x1  }
0x17: {  	s4 =	simm.s32 $0x1BF5;
	[smem:$0x3FB1] =	sst s0  }
0x18: {  	s0 =	sld [smem:$0x3F94];
	_ =	swait.ge [sflag:s4], $0x0  }
0x19: {  	s7 =	sld [smem:$0x3F95]  }
0x1a: {  	s8 =	sadd.s32 $0xFFFFE003, lr  }
0x1b: {  	s9 =	sadd.s32 $0xFFFFFEF7, lr;
	s5 =	simm.s32 $0xFFFFFFFF;
	p2 =	slt.u32 s8, $0xFFFFF086  }
0x1c: {  	p1 =	slt.u32 s9, $0xF7A;
	s5 =	simm.s32 @!p2 $0x0  }
0x1d: {  	s5 =	simm.s32 @p1 $0x1;
	p0 =	seq.s32 s7, s2  }
0x1e: {  	s7 =	smul.u32 @!p0 $0xF7A, s2;
	p2 =	seq.s32 @!p0 s5, $0x0  }
0x1f: {  	s9 =	smul.u32 $0xF7A, s1;
	s8 =	simm.s32 @!p0 $0x1BF5;
	p2 =	por !p2, p0  }
0x20: {  	[sflag:s8] =	ssyncset.s32 @!p0 $0xFFFFF086;
	s6 =	sadd.s32 @!p0 s3, s7;
	s7 =	simm.s32 @!p0 $0x108  }
0x21: {  	s3 =	sadd.s32 s3, s9;
	s6 =	sadd.s32 @!p0 $0x88, s6;
	s7 =	simm.s32 @p2 $0x1082  }
0x22: {  	[simem:s7], [sflag:s8] =	dma.local @!p0 [hbm:s6], $0xF7A  }
0x23: {  	s9 =	sor.u32 $0xD0000000, s2;
	s6 =	simm.s32 $0x108;
	_ =	swait.ge @!p0 [sflag:s8], $0x0  }
0x24: {  	s3 =	sadd.s32 $0x88, s3;
	s6 =	simm.s32 @!p1 $0x1082;
	[sflag:s4] =	ssyncset.s32 $0xFFFFF086  }
0x25: {  	[simem:s6], [sflag:s4] =	dma.local [hbm:s3], $0xF7A  }
0x26: {  	[smem:$0x3F95] =	sst s1;
	(tag) =	ssettag s2;
	_ =	strace s9  }
0x27: {  	s1 =	sld [smem:$0x3FA5]  }
0x28: {  	s2 =	sld [smem:$0x3FA6]  }
0x29: {  	s4 =	sld [smem:$0x3FA8]  }
0x2a: {  	p0 =	seq.s32 s5, $0x0;
	s5 =	sld [smem:$0x3FA9]  }
0x2b: {  	s6 =	sld [smem:$0x3FAA]  }
0x2c: {  	s7 =	sld [smem:$0x3FAB]  }
0x2d: {  	s3 =	simm.s32 $0x108;
	s8 =	sld [smem:$0x3FAC]  }
0x2e: {  	s3 =	simm.s32 @!p0 $0x1082;
	s9 =	sld [smem:$0x3FAD]  }
0x2f: {  	lr =	sadd.s32 s0, s3;
	s0 =	sld [smem:$0x3FA4]  }
0x30: {  	s3 =	sld [smem:$0x3FA7]  }
0x31: {  	[smem:$0x3FB0] =	sst s10  }
0x32: {  	s10 =	sld [smem:$0x3FAE];
	_ =	sdelay $0x3  }
0x33: {  	p0 =	seq.s32 s10, $0x1;
	s10 =	sld [smem:$0x3FB0];
	_ =	sdelay $0x3  }
0x34: {  	[smem:$0x3FB0] =	sst s10  }
0x35: {  	s10 =	sld [smem:$0x3FAF];
	_ =	sdelay $0x3  }
0x36: {  	p1 =	seq.s32 s10, $0x1;
	s10 =	sld [smem:$0x3FB0];
	_ =	sdelay $0x3  }
0x37: {  	[smem:$0x3FB0] =	sst s10  }
0x38: {  	s10 =	sld [smem:$0x3FB1]  }
0x39: {  	_ = 	snop;
	(pc) =	sbr.ind lr, $3  }
0x3a: {  	_ = 	snop  }
0x3b: {  	_ = 	snop  }
0x3c: {  	p2 =	seq.s32 s10, $0x1;
	s10 =	sld [smem:$0x3FB0]  }
0x3d: {  	_ =	shalt  }
0x3e: {  	_ =	shalt  }
0x3f: {  	_ =	shalt  }
0x40: {  	_ =	shalt  }
0x41: {  	_ =	shalt  }
0x42: {  	_ =	shalt  }
0x43: {  	_ =	shalt  }
0x44: {  	_ =	shalt  }
0x45: {  	_ =	shalt  }
0x46: {  	_ =	shalt  }
0x47: {  	_ =	shalt  }
0x48: {  	_ =	shalt  }
0x49: {  	_ =	shalt  }
0x4a: {  	_ =	shalt  }
0x4b: {  	_ =	shalt  }
0x4c: {  	_ =	shalt  }
0x4d: {  	_ =	shalt  }
0x4e: {  	_ =	shalt  }
0x4f: {  	_ =	shalt  }
0x50: {  	_ =	shalt  }
0x51: {  	_ =	shalt  }
0x52: {  	_ =	shalt  }
0x53: {  	_ =	shalt  }
0x54: {  	_ =	shalt  }
0x55: {  	_ =	shalt  }
0x56: {  	_ =	shalt  }
0x57: {  	_ =	shalt  }
0x58: {  	_ =	shalt  }
0x59: {  	_ =	shalt  }
0x5a: {  	_ =	shalt  }
0x5b: {  	_ =	shalt  }
0x5c: {  	_ =	shalt  }
0x5d: {  	_ =	shalt  }
0x5e: {  	_ =	shalt  }
0x5f: {  	_ =	shalt  }
0x60: {  	_ =	shalt  }
0x61: {  	_ =	shalt  }
0x62: {  	_ =	shalt  }
0x63: {  	_ =	shalt  }
0x64: {  	_ =	shalt  }
0x65: {  	_ =	shalt  }
0x66: {  	_ =	shalt  }
0x67: {  	_ =	shalt  }
0x68: {  	_ =	shalt  }
0x69: {  	_ =	shalt  }
0x6a: {  	_ =	shalt  }
0x6b: {  	_ =	shalt  }
0x6c: {  	_ =	shalt  }
0x6d: {  	_ =	shalt  }
0x6e: {  	_ =	shalt  }
0x6f: {  	_ =	shalt  }
0x70: {  	_ =	shalt  }
0x71: {  	_ =	shalt  }
0x72: {  	_ =	shalt  }
0x73: {  	_ =	shalt  }
0x74: {  	_ =	shalt  }
0x75: {  	_ =	shalt  }
0x76: {  	_ =	shalt  }
0x77: {  	_ =	shalt  }
0x78: {  	_ =	shalt  }
0x79: {  	_ =	shalt  }
0x7a: {  	_ =	shalt  }
0x7b: {  	_ =	shalt  }
0x7c: {  	_ =	shalt  }
0x7d: {  	_ =	shalt  }
0x7e: {  	_ =	shalt  }
0x7f: {  	_ =	shalt  }
0x80: {  	_ =	shalt  }
0x81: {  	_ =	shalt  }
0x82: {  	_ =	shalt  }
0x83: {  	_ =	shalt  }
0x84: {  	_ =	shalt  }
0x85: {  	_ =	shalt  }
0x86: {  	_ =	shalt  }
0x87: {  	_ =	shalt  }
.Lfunc_end0:
.L_simem_size_0:
called_computation_lowered:
.L_overlay_start_0:
0x88: {  	s2 =	sld [smem:$0x3FD9]  }
0x89: {  	s3 =	sld [smem:$0x3FFE];
	_ =	sdelay $0x1  }
0x8a: {  	s1 =	srdreg.scid  }
0x8b: {  	s0 =	sand.u32 $0x1, s1  }
0x8c: {  	s17 =	sshll.u32 s0, $0xA;
	s2 =	sadd.s32 s3, s2  }
0x8d: {  	s2 =	sadd.s32 s2, s17  }
0x8e: {  	[smem:$0x3FBC] =	sst s2  }
0x8f: {  	_ = 	snop  }
0x90: {  	s2 =	sld [smem:$0x3FC6];
	(tm) =	ssettm $0x1  }
0x91: {  	s18 =	sld [smem:$0x3FFB];
	_ =	sdelay $0x3  }
0x92: {  	_ =	strace s18  }
0x93: {  	s3 =	sld [smem:$0x3FFC];
	_ =	sdelay $0x3  }
0x94: {  	_ =	strace s3  }
0x95: {  	s3 =	sld [smem:$0x3FFD];
	_ =	sdelay $0x3  }
0x96: {  	_ =	strace s3  }
0x97: {  	_ =	strace $0x8FFFFFFF  }
0x98: {  	s19 =	sld [smem:$0x3FDB];
	_ =	sdelay $0x1  }
0x99: {  	s4 =	simm.s32 $_scs_section_size  }
0x9a: {  	s5 =	simm.s32 $_size__tile_overlayer_lowered;
	s6 =	simm.s32 $_tile_overlayer_lowered  }
0x9b: {  	s22 =	simm.s32 $0x1BFF;
	s21 =	sshll.u32 s6, $0x1;
	s3 =	sadd.s32 s4, s19  }
0x9c: {  	s7 =	simm.s32 $0x0;
	s20 =	sshll.u32 s5, $0x1;
	s5 =	sadd.s32 s21, s3  }
0x9d: {  	[timem:s7], [sflag:s22] =	dma.local [hbm:s5], s20  }
0x9e: {  	_ =	swait.ge [sflag:s22], s20  }
0x9f: {  	s4 =	ssub.s32 $0x0, s20;
	[sflag:s22] =	ssyncset.done $0x0  }
0xa0: {  	[sflag:s22] =	ssyncadd.s32 s4;
	_ =	sdelay $0x1  }
0xa1: {  	s23 =	simm.s32 $0x1B8B  }
0xa2: {  	_ =	swait.ge [sflag:s23], $0x1  }
0xa3: {  	[sflag:s23] =	ssyncset.done $0x0  }
0xa4: {  	s25 =	simm.s32 $0x1B8E;
	s24 =	sld [smem:$0x3FFE];
	[sflag:s23] =	ssyncadd.s32 $0xFFFFFFFF  }
0xa5: {  	s26 =	simm.s32 $execute0_lowered;
	[smem:$0x3FD2] =	sst s25  }
0xa6: {  	s5 =	sshll.u32 s26, $0x1;
	_ =	strace $0x80000046;
	[dreg:$0x1] =	wrdreg $0xFFFFFFFF  }
0xa7: {  	s28 =	simm.s32 $_size_execute0_lowered;
	s3 =	sadd.s32 s3, s5;
	[dreg:$0x0] =	wrdreg $0x0  }
0xa8: {  	s5 =	sshll.u32 s28, $0x1;
	[dreg:$0x2] =	wrdreg s3  }
0xa9: {  	[dreg:$0x3] =	wrdreg s5  }
0xaa: {  	[dreg:$0x4] =	wrdreg $0xC0  }
0xab: {  	_ =	task [dreg:s7], $0x5FFFF  }
0xac: {  	[dreg:$0x1] =	wrdreg $0xFFFFFFFF  }
0xad: {  	[dreg:$0x0] =	wrdreg $0x60  }
0xae: {  	[dreg:$0x2] =	wrdreg s2  }
0xaf: {  	[dreg:$0x3] =	wrdreg s24  }
0xb0: {  	[dreg:$0x4] =	wrdreg $0x9  }
0xb1: {  	_ =	task.clear_ibuf [dreg:s7], $0x5FFFF;
	_ =	strace $0x90000046  }
0xb2: {  	s29 =	simm.s32 $0x9;
	_ =	strace $0x80000048  }
0xb3: {  	_ =	swait.ge [sflag:s29], $0x1  }
0xb4: {  	[sflag:s29] =	ssyncadd.s32 $0xFFFFFFFF  }
0xb5: {  	_ =	strace $0x90000048  }
0xb6: {  	_ =	sfence  }
0xb7: {  	s30 =	sld [smem:$0x0];
	_ =	sdelay $0x2  }
0xb8: {  	s31 =	sshll.u32 s1, $0xD;
	s1 =	sshrl.u32 s1, $0x2  }
0xb9: {  	s3 =	sand.u32 $0x4000, s31;
	s1 =	sadd.s32 s1, s30  }
0xba: {  	s0 =	sor.u32 s3, s0;
	s1 =	sshll.u32 s1, $0x11  }
0xbb: {  	s0 =	sor.u32 s1, s0  }
0xbc: {  	s0 =	sadd.s32 $0x8F2B, s0  }
0xbd: {  	[sflag:s0] =	ssyncadd.remote.s32 $0x1  }
0xbe: {  	_ =	sfence.sel $0xFFFF  }
0xbf: {  	[dreg:$0x0] =	wrdreg $0xFFFFFFFF;
	(pc) =	sbr.abs _section_cstart, $3  }
0xc0: {  	[dreg:$0x1] =	wrdreg $0xFFFFFFFF  }
0xc1: {  	_ =	task.clear_ibuf [dreg:s7], $0x2FFFF;
	_ =	strace $0x9FFFFFFF  }
0xc2: {  	(tm) =	ssettm $0x7FFFFFFF  }
0xc3: {  	_ =	shalt  }
tec
execute0_lowered:
.L_overlay_start_1:
0x0: {  	(tag) =	ssettag $0x1  }
0x1: {  	s1 =	srdreg.scid;
	s0 =	stileid.u32  }
0x2: {  	s17 =	sand.u32 $0x1, s1;
	s26 =	sshll.u32 s0, $0x1  }
0x3: {  	s2 =	rddreg [dreg:$0x0];
	s9 =	sor.u32 s17, s26  }
0x4: {  	s10 =	rddreg [dreg:$0x1];
	s18 =	smul.u32 $0x140, s9  }
0x5: {  	s3 =	simm.s32 $0x0;
	s1 =	rddreg [dreg:$0x2]  }
0x6: {  	[smem:$0x7FF] =	sst s3;
	s16 =	sadd.s32 $0x2C00, s10;
	s4 =	sshrl.u32 s18, $0x3  }
0x7: {  	_ =	strace $0x80000047;
	s5 =	sadd.s32 s16, s4;
	s4 =	simm.s32 $0x2  }
0x8: {  	[tilespmem:s3], [sflag:$0x2] =	stream.linear.gather [hbm4b:s5+s3], $0x40, $0x38;
	[tilespmem:$0x2080] =	vst v63  }
0x9: {  	_ =	swait.ge [sflag:s4], $0x40  }
0xa: {  	s6 =	simm.s32 $0x40;
	[sflag:s4] =	ssyncset.done $0x0  }
0xb: {  	s7 =	simm.s32 $0x80;
	s8 =	simm.s32 $0x1;
	[sflag:s4] =	ssyncadd.s32 $0xFFFFFFC0  }
0xc: {  	[tilespmem:s7], [sflag:$0x1] =	stream.indirect.gather [hbm4b:s2+s6], $0x80, s3, s6, $0xb8;
	[tilespmem:$0x2080] =	vst v63  }
0xd: {  	s9 =	smul.u32 $0x1400, s9;
	_ =	swait.ge [sflag:s8], $0x2000  }
0xe: {  	s19 =	sadd.s32 $0x3200, s10;
	[sflag:s8] =	ssyncset.done $0x0  }
0xf: {  	s9 =	sadd.s32 s19, s9;
	[sflag:s8] =	ssyncadd.s32 $0xFFFFE000  }
0x10: {  	[hbm4b:s9+s3] =	stream.linear.scatter [tilespmem:s7], [sflag:$0x2], $0x2000, $0x38;
	[tilespmem:$0x2080] =	vst v63  }
0x11: {  	s11 =	sadd.s32 $0x40, s18;
	_ =	swait.ge [sflag:s4], $0x2000  }
0x12: {  	s28 =	sshrl.u32 s11, $0x3;
	[sflag:s4] =	ssyncset.done $0x0  }
0x13: {  	s10 =	sadd.s32 s16, s28;
	[sflag:s4] =	ssyncadd.s32 $0xFFFFE000  }
0x14: {  	[tilespmem:s3], [sflag:$0x2] =	stream.linear.gather [hbm4b:s10+s3], $0x40, $0x38;
	[tilespmem:$0x2080] =	vst v63  }
0x15: {  	_ =	swait.ge [sflag:s4], $0x40  }
0x16: {  	[sflag:s4] =	ssyncset.done $0x0  }
0x17: {  	[sflag:s4] =	ssyncadd.s32 $0xFFFFFFC0  }
0x18: {  	[tilespmem:s7], [sflag:$0x1] =	stream.indirect.gather [hbm4b:s2+s6], $0x80, s3, s6, $0xb8;
	[tilespmem:$0x2080] =	vst v63  }
0x19: {  	_ =	swait.ge [sflag:s8], $0x2000  }
0x1a: {  	s11 =	sshll.u32 s11, $0x4;
	[sflag:s8] =	ssyncset.done $0x0  }
0x1b: {  	s11 =	sadd.s32 s19, s11;
	[sflag:s8] =	ssyncadd.s32 $0xFFFFE000  }
0x1c: {  	[hbm4b:s11+s3] =	stream.linear.scatter [tilespmem:s7], [sflag:$0x2], $0x2000, $0x38;
	[tilespmem:$0x2080] =	vst v63  }
0x1d: {  	s13 =	sadd.s32 $0x80, s18;
	_ =	swait.ge [sflag:s4], $0x2000  }
0x1e: {  	s12 =	sshrl.u32 s13, $0x3;
	[sflag:s4] =	ssyncset.done $0x0  }
0x1f: {  	s12 =	sadd.s32 s16, s12;
	[sflag:s4] =	ssyncadd.s32 $0xFFFFE000  }
0x20: {  	[tilespmem:s3], [sflag:$0x2] =	stream.linear.gather [hbm4b:s12+s3], $0x40, $0x38;
	[tilespmem:$0x2080] =	vst v63  }
0x21: {  	_ =	swait.ge [sflag:s4], $0x40  }
0x22: {  	[sflag:s4] =	ssyncset.done $0x0  }
0x23: {  	[sflag:s4] =	ssyncadd.s32 $0xFFFFFFC0  }
0x24: {  	[tilespmem:s7], [sflag:$0x1] =	stream.indirect.gather [hbm4b:s2+s6], $0x80, s3, s6, $0xb8;
	[tilespmem:$0x2080] =	vst v63  }
0x25: {  	_ =	swait.ge [sflag:s8], $0x2000  }
0x26: {  	s13 =	sshll.u32 s13, $0x4;
	[sflag:s8] =	ssyncset.done $0x0  }
0x27: {  	s13 =	sadd.s32 s19, s13;
	[sflag:s8] =	ssyncadd.s32 $0xFFFFE000  }
0x28: {  	[hbm4b:s13+s3] =	stream.linear.scatter [tilespmem:s7], [sflag:$0x2], $0x2000, $0x38;
	[tilespmem:$0x2080] =	vst v63  }
0x29: {  	s15 =	sadd.s32 $0xC0, s18;
	_ =	swait.ge [sflag:s4], $0x2000  }
0x2a: {  	s14 =	sshrl.u32 s15, $0x3;
	[sflag:s4] =	ssyncset.done $0x0  }
0x2b: {  	s14 =	sadd.s32 s16, s14;
	[sflag:s4] =	ssyncadd.s32 $0xFFFFE000  }
0x2c: {  	[tilespmem:s3], [sflag:$0x2] =	stream.linear.gather [hbm4b:s14+s3], $0x40, $0x38;
	[tilespmem:$0x2080] =	vst v63  }
0x2d: {  	_ =	swait.ge [sflag:s4], $0x40  }
0x2e: {  	[sflag:s4] =	ssyncset.done $0x0  }
0x2f: {  	[sflag:s4] =	ssyncadd.s32 $0xFFFFFFC0  }
0x30: {  	[tilespmem:s7], [sflag:$0x1] =	stream.indirect.gather [hbm4b:s2+s6], $0x80, s3, s6, $0xb8;
	[tilespmem:$0x2080] =	vst v63  }
0x31: {  	_ =	swait.ge [sflag:s8], $0x2000  }
0x32: {  	s15 =	sshll.u32 s15, $0x4;
	[sflag:s8] =	ssyncset.done $0x0  }
0x33: {  	s15 =	sadd.s32 s19, s15;
	[sflag:s8] =	ssyncadd.s32 $0xFFFFE000  }
0x34: {  	[hbm4b:s15+s3] =	stream.linear.scatter [tilespmem:s7], [sflag:$0x2], $0x2000, $0x38;
	[tilespmem:$0x2080] =	vst v63  }
0x35: {  	s18 =	sadd.s32 $0x100, s18;
	_ =	swait.ge [sflag:s4], $0x2000  }
0x36: {  	s20 =	sshrl.u32 s18, $0x3;
	[sflag:s4] =	ssyncset.done $0x0  }
0x37: {  	s17 =	ssub.s32 $0x2, s17;
	s16 =	sadd.s32 s16, s20;
	[sflag:s4] =	ssyncadd.s32 $0xFFFFE000  }
0x38: {  	[tilespmem:s3], [sflag:$0x2] =	stream.linear.gather [hbm4b:s16+s3], $0x40, $0x38;
	[tilespmem:$0x2080] =	vst v63  }
0x39: {  	s29 =	sshrl.u32 s17, $0x1;
	_ =	swait.ge [sflag:s4], $0x40  }
0x3a: {  	s20 =	ssub.s32 s17, s29;
	[sflag:s4] =	ssyncset.done $0x0  }
0x3b: {  	s31 =	smax.u32 s20, $0x1;
	[sflag:s4] =	ssyncadd.s32 $0xFFFFFFC0  }
0x3c: {  	[tilespmem:s7], [sflag:$0x1] =	stream.indirect.gather [hbm4b:s2+s6], $0x80, s3, s6, $0xb8;
	[tilespmem:$0x2080] =	vst v63  }
0x3d: {  	p0 =	sne.s32 s31, $0x1;
	_ =	swait.ge [sflag:s8], $0x2000  }
.Ltmp0:
0x3e: {  	s30 =	sshll.u32 s18, $0x4;
	[sflag:s8] =	ssyncset.done $0x0;
	(pc) =	sbr.rel @!p0 .LBB2_2-.Ltmp0, $4  }
0x3f: {  	s17 =	sadd.s32 s19, s30;
	[sflag:s8] =	ssyncadd.s32 $0xFFFFE000  }
0x40: {  	[hbm4b:s17+s3] =	stream.linear.scatter [tilespmem:s7], [sflag:$0x2], $0x2000, $0x38;
	[tilespmem:$0x2080] =	vst v63  }
0x41: {  	_ =	swait.ge [sflag:s4], $0x2000  }
0x42: {  	s18 =	sadd.s32 $0xFFFFFFFF, s31;
	[sflag:s4] =	ssyncset.done $0x0  }
.LBB2_1:
0x43: {  	p0 =	sne.s32 s18, $0x1;
	s18 =	sadd.s32 $0xFFFFFFFF, s18;
	[sflag:s4] =	ssyncadd.s32 $0xFFFFE000  }
0x44: {  	[tilespmem:s3], [sflag:$0x2] =	stream.linear.gather [hbm4b:s5+s3], $0x40, $0x38;
	[tilespmem:$0x2080] =	vst v63  }
0x45: {  	_ =	swait.ge [sflag:s4], $0x40  }
0x46: {  	[sflag:s4] =	ssyncset.done $0x0  }
0x47: {  	[sflag:s4] =	ssyncadd.s32 $0xFFFFFFC0  }
0x48: {  	[tilespmem:s7], [sflag:$0x1] =	stream.indirect.gather [hbm4b:s2+s6], $0x80, s3, s6, $0xb8;
	[tilespmem:$0x2080] =	vst v63  }
0x49: {  	_ =	swait.ge [sflag:s8], $0x2000  }
0x4a: {  	[sflag:s8] =	ssyncset.done $0x0  }
0x4b: {  	[sflag:s8] =	ssyncadd.s32 $0xFFFFE000  }
0x4c: {  	[hbm4b:s9+s3] =	stream.linear.scatter [tilespmem:s7], [sflag:$0x2], $0x2000, $0x38;
	[tilespmem:$0x2080] =	vst v63  }
0x4d: {  	_ =	swait.ge [sflag:s4], $0x2000  }
0x4e: {  	[sflag:s4] =	ssyncset.done $0x0  }
0x4f: {  	[sflag:s4] =	ssyncadd.s32 $0xFFFFE000  }
0x50: {  	[tilespmem:s3], [sflag:$0x2] =	stream.linear.gather [hbm4b:s10+s3], $0x40, $0x38;
	[tilespmem:$0x2080] =	vst v63  }
0x51: {  	_ =	swait.ge [sflag:s4], $0x40  }
0x52: {  	[sflag:s4] =	ssyncset.done $0x0  }
0x53: {  	[sflag:s4] =	ssyncadd.s32 $0xFFFFFFC0  }
0x54: {  	[tilespmem:s7], [sflag:$0x1] =	stream.indirect.gather [hbm4b:s2+s6], $0x80, s3, s6, $0xb8;
	[tilespmem:$0x2080] =	vst v63  }
0x55: {  	_ =	swait.ge [sflag:s8], $0x2000  }
0x56: {  	[sflag:s8] =	ssyncset.done $0x0  }
0x57: {  	[sflag:s8] =	ssyncadd.s32 $0xFFFFE000  }
0x58: {  	[hbm4b:s11+s3] =	stream.linear.scatter [tilespmem:s7], [sflag:$0x2], $0x2000, $0x38;
	[tilespmem:$0x2080] =	vst v63  }
0x59: {  	_ =	swait.ge [sflag:s4], $0x2000  }
0x5a: {  	[sflag:s4] =	ssyncset.done $0x0  }
0x5b: {  	[sflag:s4] =	ssyncadd.s32 $0xFFFFE000  }
0x5c: {  	[tilespmem:s3], [sflag:$0x2] =	stream.linear.gather [hbm4b:s12+s3], $0x40, $0x38;
	[tilespmem:$0x2080] =	vst v63  }
0x5d: {  	_ =	swait.ge [sflag:s4], $0x40  }
0x5e: {  	[sflag:s4] =	ssyncset.done $0x0  }
0x5f: {  	[sflag:s4] =	ssyncadd.s32 $0xFFFFFFC0  }
0x60: {  	[tilespmem:s7], [sflag:$0x1] =	stream.indirect.gather [hbm4b:s2+s6], $0x80, s3, s6, $0xb8;
	[tilespmem:$0x2080] =	vst v63  }
0x61: {  	_ =	swait.ge [sflag:s8], $0x2000  }
0x62: {  	[sflag:s8] =	ssyncset.done $0x0  }
0x63: {  	[sflag:s8] =	ssyncadd.s32 $0xFFFFE000  }
0x64: {  	[hbm4b:s13+s3] =	stream.linear.scatter [tilespmem:s7], [sflag:$0x2], $0x2000, $0x38;
	[tilespmem:$0x2080] =	vst v63  }
0x65: {  	_ =	swait.ge [sflag:s4], $0x2000  }
0x66: {  	[sflag:s4] =	ssyncset.done $0x0  }
0x67: {  	[sflag:s4] =	ssyncadd.s32 $0xFFFFE000  }
0x68: {  	[tilespmem:s3], [sflag:$0x2] =	stream.linear.gather [hbm4b:s14+s3], $0x40, $0x38;
	[tilespmem:$0x2080] =	vst v63  }
0x69: {  	_ =	swait.ge [sflag:s4], $0x40  }
0x6a: {  	[sflag:s4] =	ssyncset.done $0x0  }
0x6b: {  	[sflag:s4] =	ssyncadd.s32 $0xFFFFFFC0  }
0x6c: {  	[tilespmem:s7], [sflag:$0x1] =	stream.indirect.gather [hbm4b:s2+s6], $0x80, s3, s6, $0xb8;
	[tilespmem:$0x2080] =	vst v63  }
0x6d: {  	_ =	swait.ge [sflag:s8], $0x2000  }
0x6e: {  	[sflag:s8] =	ssyncset.done $0x0  }
0x6f: {  	[sflag:s8] =	ssyncadd.s32 $0xFFFFE000  }
0x70: {  	[hbm4b:s15+s3] =	stream.linear.scatter [tilespmem:s7], [sflag:$0x2], $0x2000, $0x38;
	[tilespmem:$0x2080] =	vst v63  }
0x71: {  	_ =	swait.ge [sflag:s4], $0x2000  }
0x72: {  	[sflag:s4] =	ssyncset.done $0x0  }
0x73: {  	[sflag:s4] =	ssyncadd.s32 $0xFFFFE000  }
0x74: {  	[tilespmem:s3], [sflag:$0x2] =	stream.linear.gather [hbm4b:s16+s3], $0x40, $0x38;
	[tilespmem:$0x2080] =	vst v63  }
0x75: {  	_ =	swait.ge [sflag:s4], $0x40  }
0x76: {  	[sflag:s4] =	ssyncset.done $0x0  }
0x77: {  	[sflag:s4] =	ssyncadd.s32 $0xFFFFFFC0  }
0x78: {  	[tilespmem:s7], [sflag:$0x1] =	stream.indirect.gather [hbm4b:s2+s6], $0x80, s3, s6, $0xb8;
	[tilespmem:$0x2080] =	vst v63  }
0x79: {  	_ =	swait.ge [sflag:s8], $0x2000  }
.Ltmp1:
0x7a: {  	[sflag:s8] =	ssyncset.done $0x0;
	(pc) =	sbr.rel @p0 .LBB2_1-.Ltmp1, $4  }
0x7b: {  	[sflag:s8] =	ssyncadd.s32 $0xFFFFE000  }
0x7c: {  	[hbm4b:s17+s3] =	stream.linear.scatter [tilespmem:s7], [sflag:$0x2], $0x2000, $0x38;
	[tilespmem:$0x2080] =	vst v63  }
0x7d: {  	_ =	swait.ge [sflag:s4], $0x2000  }
0x7e: {  	[sflag:s4] =	ssyncset.done $0x0  }
.LBB2_2:
0x7f: {  	[sflag:s4] =	ssyncadd.s32 $0xFFFFE000  }
0x80: {  	_ =	sfence.sel $0x180000  }
0x81: {  	[bflag:$0x0] =	sbarrier.arrive $0xFFFF  }
0x82: {  	p0 =	sne.s32 s0, $0x0;
	_ =	strace $0x90000047  }
0x83: {  	s0 =	sadd.s32 @!p0 $0x100000, s1;
	[bflag:$0x2] =	sbarrier.arrive $0xFFFF  }
0x84: {  	[sflag:s0] =	ssyncadd.tile.s32 @!p0 $0x1;
	_ =	shalt  }
.Lfunc_end2:
_tile_overlayer_lowered:
.L_overlay_start_2:
0x85: {  	(tag) =	ssettag $0x2  }
0x86: {  	s0 =	rddreg [dreg:$0x0];
	s2 =	stileid.u32  }
0x87: {  	s1 =	rddreg [dreg:$0x1];
	p0 =	sne.s32 s2, $0x0  }
0x88: {  	s3 =	rddreg [dreg:$0x2];
	[bflag:$0x3] =	sbarrier.arrive $0xFFFF;
	s2 =	simm.s32 @!p0 $0x1C02  }
0x89: {  	[timem:s3], [sflag:s2] =	dma.local @!p0 [hbm:s0], s1  }
0x8a: {  	s0 =	simm.s32 @!p0 $0x2  }
0x8b: {  	_ =	swait.ge @!p0 [sflag:s0], s1  }
0x8c: {  	s1 =	ssub.s32 @!p0 $0x0, s1;
	[sflag:s0] =	ssyncset.done @!p0 $0x0  }
0x8d: {  	[sflag:s0] =	ssyncadd.s32 @!p0 s1  }
0x8e: {  	[bflag:$0x3] =	sbarrier.arrive $0xFFFF  }
0x8f: {  	_ =	shalt  }

</sc_bundles>
